<compile_context>
chip_gen: v7x
topology: tpu7x:2x2x1
jax: 0.10.2.dev20260603
libtpu: 0.0.44.dev20260713+nightly
codegen_flags: <defaults>
</compile_context>

<pallas_src>
import functools

import jax
import jax.numpy as jnp
from jax import lax
from jax.experimental import pallas as pl
from jax.experimental.pallas import tpu as pltpu
from jax.experimental.pallas import tpu_sc as plsc

N = 10000
D = 128
L = 5
G = 64
E = 320000

NCORE = 2
NSUB = 16
NW = NCORE * NSUB
NP = 10240
EPT = E // NW
CH = 128
NCHUNK = 79
EPP = NCHUNK * CH
ROW_PAD = N
COL_PAD = NP - 1
RPT = NP // NSUB
NROWB = NP // 128


def _sc_mesh():
    return plsc.VectorSubcoreMesh(core_axis_name="c", subcore_axis_name="s",
                                  num_cores=NCORE, num_subcores=NSUB)


def _scatter_body(s_hbm, row_hbm, col_hbm, zeros_hbm, out_hbm,
                  rowv, colv, gbuf0, acc, gsem0):
    cid = lax.axis_index("c")
    sid = lax.axis_index("s")
    w = cid * NSUB + sid
    pltpu.sync_copy(row_hbm.at[w], rowv)
    pltpu.sync_copy(col_hbm.at[w], colv)
    pltpu.sync_copy(zeros_hbm, acc.at[pl.ds(sid * RPT, RPT)])
    plsc.subcore_barrier()

    def outer(j, carry):
        pltpu.async_copy(s_hbm.at[rowv.at[j]], gbuf0, gsem0).wait()
        pltpu.sync_copy(gbuf0, acc.at[colv.at[j]], add=True)
        return carry

    lax.fori_loop(0, NCHUNK, outer, 0)
    plsc.subcore_barrier()
    pltpu.sync_copy(acc.at[pl.ds(sid * RPT, RPT)],
                    out_hbm.at[cid, pl.ds(sid * RPT, RPT)])


@functools.cache
def _sc_kernels():
    scat = pl.kernel(
        _scatter_body,
        out_type=jax.ShapeDtypeStruct((NCORE, NP, D), jnp.float32),
        mesh=_sc_mesh(),
        scratch_types=[
            pltpu.VMEM((NCHUNK, CH), jnp.int32),
            pltpu.VMEM((NCHUNK, CH), jnp.int32),
        ] + [pltpu.VMEM((CH, D), jnp.float32)] * 1 + [
            pltpu.VMEM_SHARED((NP, D), jnp.float32),
        ] + [pltpu.SemaphoreType.DMA] * 1,
    )
    return scat



def _dinv_body(p_ref, dinv_ref):
    deg = p_ref[0][:, 0:1] + p_ref[1][:, 0:1] + 1.0
    mask = (lax.broadcasted_iota(jnp.int32, (NP, 1), 0) < N).astype(jnp.float32)
    dinv_ref[...] = lax.rsqrt(deg) * mask


def _s0_body(x_ref, w_ref, dinv_ref, s_ref):
    hl = jnp.dot(x_ref[...], w_ref[...], preferred_element_type=jnp.float32)
    s_ref[...] = hl * dinv_ref[...]


def _bn(conv):
    mean = jnp.sum(conv, axis=0, keepdims=True) * (1.0 / N)
    var = jnp.sum(conv * conv, axis=0, keepdims=True) * (1.0 / N) - mean * mean
    return mean, lax.rsqrt(var + 1e-5)


def _row_mask():
    return (lax.broadcasted_iota(jnp.int32, (NP, D), 0) < N).astype(jnp.float32)


def _layer_body(p_ref, s_ref, dinv_ref, b_ref, g_ref, be_ref, w_ref,
                h_ref, out_ref):
    agg = p_ref[0] + p_ref[1] + s_ref[...]
    conv = (dinv_ref[...] * agg + b_ref[...]) * _row_mask()
    mean, rstd = _bn(conv)
    h = (conv - mean) * rstd * g_ref[...] + be_ref[...]
    h_ref[...] = h
    hr = jnp.maximum(h, 0.0)
    hl = jnp.dot(hr, w_ref[...], preferred_element_type=jnp.float32)
    out_ref[...] = hl * dinv_ref[...]


def _pool_body(h_ref, batch_ref, pool_ref):
    onehot = (lax.broadcasted_iota(jnp.int32, (G, NP), 0)
              == batch_ref[...]).astype(jnp.float32)
    pool_ref[...] = jnp.dot(onehot, h_ref[...],
                            preferred_element_type=jnp.float32)


def _tc(body, out_shape, *args):
    return pl.pallas_call(body, out_shape=out_shape)(*args)



def kernel(x, edge_index, batch, Ws, bs, gammas, betas):
    f32 = jnp.float32
    row = edge_index[0].astype(jnp.int32).reshape(NW, EPT)
    col = edge_index[1].astype(jnp.int32).reshape(NW, EPT)
    pad = EPP - EPT
    rowt = jnp.pad(row, ((0, 0), (0, pad)),
                   constant_values=ROW_PAD).reshape(NW, NCHUNK, CH)
    colt = jnp.pad(col, ((0, 0), (0, pad)),
                   constant_values=COL_PAD).reshape(NW, NCHUNK, CH)
    x_pad = jnp.pad(x.astype(f32), ((0, NP - N), (0, 0)))
    batch_pad = jnp.pad(batch.astype(jnp.int32), (0, NP - N),
                        constant_values=G).reshape(1, NP)
    zerosD = jnp.zeros((RPT, D), f32)
    _scatter_kernel = _sc_kernels()

    onesP = jnp.pad(jnp.ones((N, D), f32), ((0, NP - N), (0, 0)))
    pdeg = _scatter_kernel(onesP, rowt, colt, zerosD)
    dinv = _tc(_dinv_body, jax.ShapeDtypeStruct((NP, 1), f32), pdeg)

    s0 = _tc(_s0_body, jax.ShapeDtypeStruct((NP, D), f32),
             x_pad, Ws[0].astype(f32), dinv)

    w_next = jnp.concatenate([Ws[1:].astype(f32),
                              jnp.zeros((1, D, D), f32)], axis=0)
    s = s0
    for i in range(L):
        p = _scatter_kernel(s, rowt, colt, zerosD)
        h, s = _tc(_layer_body,
                   (jax.ShapeDtypeStruct((NP, D), f32),
                    jax.ShapeDtypeStruct((NP, D), f32)),
                   p, s, dinv,
                   bs[i].reshape(1, D).astype(f32),
                   gammas[i].reshape(1, D).astype(f32),
                   betas[i].reshape(1, D).astype(f32),
                   w_next[i])
    pool = _tc(_pool_body, jax.ShapeDtypeStruct((G, D), f32), h, batch_pad)
    return (pool, h[:N])

# --- scband reference (transcript-rebuilt; emitter-appended) ---
"""Pipeline reference for scband-gatv2-encoder-8315056685617 (READ-ONLY COPY).

The authoritative reference and input builder live on the scoring server;
editing this copy changes nothing except your own understanding.
"""

import jax, jax.numpy as jnp
import numpy as np

N = 10000
E = 320000
D = 128
L = 5
G = 64


def setup_inputs(seed: int = 0) -> dict:
    key = jax.random.key(seed)
    ks = jax.random.split(key, 8)
    x = jax.random.normal(ks[0], (N, D), dtype=jnp.float32)
    edge_index = jax.random.randint(ks[1], (2, E), 0, N)
    batch = jnp.sort(jax.random.randint(ks[2], (N,), 0, G))
    # Stacked per-layer parameters: layer 0 maps D->D (num_dataset_features == emb_dim)
    Ws = jax.random.normal(ks[3], (L, D, D), dtype=jnp.float32) * 0.05
    bs = jnp.zeros((L, D), dtype=jnp.float32)
    gammas = jnp.ones((L, D), dtype=jnp.float32)
    betas = jnp.zeros((L, D), dtype=jnp.float32)
    return {"x": x, "edge_index": edge_index, "batch": batch,
            "Ws": Ws, "bs": bs, "gammas": gammas, "betas": betas}


def _gcn_conv(h, row, col, norm, W, b):
    # PyG GCNConv: linear (no bias) -> normalized scatter-add aggregation -> + bias
    hl = h @ W
    msg = hl[row] * norm[:, None]
    out = jnp.zeros((h.shape[0], W.shape[1]), dtype=h.dtype).at[col].add(msg)
    return out + b


def _batch_norm(h, gamma, beta):
    mean = jnp.mean(h, axis=0)
    var = jnp.var(h, axis=0)
    return (h - mean) / jnp.sqrt(var + 1e-5) * gamma + beta


def reference(x, edge_index, batch, Ws, bs, gammas, betas):
    num_nodes = x.shape[0]
    row = edge_index[0]
    col = edge_index[1]
    # gcn_norm with self loops (edge_weight = 1)
    sl = jnp.arange(num_nodes)
    row_f = jnp.concatenate([row, sl])
    col_f = jnp.concatenate([col, sl])
    ew = jnp.ones(row_f.shape[0], dtype=x.dtype)
    deg = jnp.zeros(num_nodes, dtype=x.dtype).at[col_f].add(ew)
    dinv = jnp.where(deg > 0, jax.lax.rsqrt(deg), 0.0)
    norm = dinv[row_f] * ew * dinv[col_f]

    h = x
    for i in range(L):
        h = _gcn_conv(h, row_f, col_f, norm, Ws[i], bs[i])
        h = _batch_norm(h, gammas[i], betas[i])
        if i < L - 1:
            h = jax.nn.relu(h)
        # dropout p=0.0 -> identity
    # global_add_pool == segment_sum over graph ids
    xpool = jax.ops.segment_sum(h, batch, num_segments=G)
    return (xpool, h)

if __name__ == "__main__":
    import jax
    _d = setup_inputs()
    print(jax.jit(kernel)(*tuple(_d.values())))

</pallas_src>

<mosaic_0001>
#map = affine_map<(d0, d1) -> (0, 0)>
#map1 = affine_map<(d0, d1) -> (0, 0, 0)>
module attributes {stable_mosaic.version = 14 : i64} {
  func.func @_scatter_body(%arg0: i32, %arg1: i32, %arg2: memref<10240x128xf32, #tpu.memory_space<hbm>>, %arg3: memref<32x79x128xi32, #tpu.memory_space<hbm>>, %arg4: memref<32x79x128xi32, #tpu.memory_space<hbm>>, %arg5: memref<640x128xf32, #tpu.memory_space<hbm>>, %arg6: memref<2x10240x128xf32, #tpu.memory_space<hbm>>, %arg7: memref<79x128xi32, #tpu.memory_space<vmem>>, %arg8: memref<79x128xi32, #tpu.memory_space<vmem>>, %arg9: memref<128x128xf32, #tpu.memory_space<vmem>>, %arg10: memref<10240x128xf32, #tpu.memory_space<vmem_shared>>, %arg11: memref<!tpu.dma_semaphore, #tpu.memory_space<semaphore_mem>>) attributes {dimension_semantics = [#tpu.dimension_semantics<core_parallel>, #tpu.dimension_semantics<subcore_parallel>], iteration_bounds = array<i64: 2, 16>, scalar_prefetch = 0 : i64, scratch_operands = 5 : i64, tpu.core_type = #tpu.core_type<sc_vector_subcore>, window_params = [{transform_indices = #map}, {transform_indices = #map1}, {transform_indices = #map1}, {transform_indices = #map}, {transform_indices = #map1}]} {
    %mul3A = arith.constant 16 : i32
    %mul3A_0 = arith.muli %arg0, %mul3A : i32
    %add3A = arith.addi %mul3A_0, %arg1 : i32
    "tpu.region"() ({
      %run_scoped3A = tpu.sem_alloc : memref<!tpu.dma_semaphore, #tpu.memory_space<semaphore_mem>>
      %dma_start3A = arith.constant 0 : i32
      %dma_start3A_13 = arith.constant 0 : i32
      %dma_start3A_14 = tpu.memref_slice %arg3[%add3A, %dma_start3A, %dma_start3A_13] : memref<32x79x128xi32, #tpu.memory_space<hbm>> -> memref<1x79x128xi32, #tpu.memory_space<hbm>>
      %dma_start3A_15 = tpu.memref_squeeze %dma_start3A_14 : memref<1x79x128xi32, #tpu.memory_space<hbm>> -> memref<79x128xi32, #tpu.memory_space<hbm>>
      %dma_start3A_16 = arith.constant 0 : i32
      %dma_start3A_17 = arith.constant 0 : i32
      %dma_start3A_18 = tpu.memref_slice %arg3[%add3A, %dma_start3A_16, %dma_start3A_17] : memref<32x79x128xi32, #tpu.memory_space<hbm>> -> memref<1x79x128xi32, #tpu.memory_space<hbm>>
      %dma_start3A_19 = tpu.memref_squeeze %dma_start3A_18 : memref<1x79x128xi32, #tpu.memory_space<hbm>> -> memref<79x128xi32, #tpu.memory_space<hbm>>
      tpu.enqueue_dma source(%dma_start3A_19 : memref<79x128xi32, #tpu.memory_space<hbm>>) target(%arg7 : memref<79x128xi32, #tpu.memory_space<vmem>>) target_semaphore(%run_scoped3A : memref<!tpu.dma_semaphore, #tpu.memory_space<semaphore_mem>>)
      %dma_wait3A = arith.constant 0 : i32
      %dma_wait3A_20 = arith.constant 0 : i32
      %dma_wait3A_21 = tpu.memref_slice %arg3[%add3A, %dma_wait3A, %dma_wait3A_20] : memref<32x79x128xi32, #tpu.memory_space<hbm>> -> memref<1x79x128xi32, #tpu.memory_space<hbm>>
      %dma_wait3A_22 = tpu.memref_squeeze %dma_wait3A_21 : memref<1x79x128xi32, #tpu.memory_space<hbm>> -> memref<79x128xi32, #tpu.memory_space<hbm>>
      %dma_wait3A_23 = arith.constant 0 : i32
      %dma_wait3A_24 = arith.constant 0 : i32
      %dma_wait3A_25 = tpu.memref_slice %arg3[%add3A, %dma_wait3A_23, %dma_wait3A_24] : memref<32x79x128xi32, #tpu.memory_space<hbm>> -> memref<1x79x128xi32, #tpu.memory_space<hbm>>
      %dma_wait3A_26 = tpu.memref_squeeze %dma_wait3A_25 : memref<1x79x128xi32, #tpu.memory_space<hbm>> -> memref<79x128xi32, #tpu.memory_space<hbm>>
      tpu.wait_dma2 semaphore(%run_scoped3A : memref<!tpu.dma_semaphore, #tpu.memory_space<semaphore_mem>>) src(%dma_wait3A_26 : memref<79x128xi32, #tpu.memory_space<hbm>>) dst(%arg7 : memref<79x128xi32, #tpu.memory_space<vmem>>)
      tpu.yield
    }) : () -> ()
    "tpu.region"() ({
      %run_scoped3A = tpu.sem_alloc : memref<!tpu.dma_semaphore, #tpu.memory_space<semaphore_mem>>
      %dma_start3A = arith.constant 0 : i32
      %dma_start3A_13 = arith.constant 0 : i32
      %dma_start3A_14 = tpu.memref_slice %arg4[%add3A, %dma_start3A, %dma_start3A_13] : memref<32x79x128xi32, #tpu.memory_space<hbm>> -> memref<1x79x128xi32, #tpu.memory_space<hbm>>
      %dma_start3A_15 = tpu.memref_squeeze %dma_start3A_14 : memref<1x79x128xi32, #tpu.memory_space<hbm>> -> memref<79x128xi32, #tpu.memory_space<hbm>>
      %dma_start3A_16 = arith.constant 0 : i32
      %dma_start3A_17 = arith.constant 0 : i32
      %dma_start3A_18 = tpu.memref_slice %arg4[%add3A, %dma_start3A_16, %dma_start3A_17] : memref<32x79x128xi32, #tpu.memory_space<hbm>> -> memref<1x79x128xi32, #tpu.memory_space<hbm>>
      %dma_start3A_19 = tpu.memref_squeeze %dma_start3A_18 : memref<1x79x128xi32, #tpu.memory_space<hbm>> -> memref<79x128xi32, #tpu.memory_space<hbm>>
      tpu.enqueue_dma source(%dma_start3A_19 : memref<79x128xi32, #tpu.memory_space<hbm>>) target(%arg8 : memref<79x128xi32, #tpu.memory_space<vmem>>) target_semaphore(%run_scoped3A : memref<!tpu.dma_semaphore, #tpu.memory_space<semaphore_mem>>)
      %dma_wait3A = arith.constant 0 : i32
      %dma_wait3A_20 = arith.constant 0 : i32
      %dma_wait3A_21 = tpu.memref_slice %arg4[%add3A, %dma_wait3A, %dma_wait3A_20] : memref<32x79x128xi32, #tpu.memory_space<hbm>> -> memref<1x79x128xi32, #tpu.memory_space<hbm>>
      %dma_wait3A_22 = tpu.memref_squeeze %dma_wait3A_21 : memref<1x79x128xi32, #tpu.memory_space<hbm>> -> memref<79x128xi32, #tpu.memory_space<hbm>>
      %dma_wait3A_23 = arith.constant 0 : i32
      %dma_wait3A_24 = arith.constant 0 : i32
      %dma_wait3A_25 = tpu.memref_slice %arg4[%add3A, %dma_wait3A_23, %dma_wait3A_24] : memref<32x79x128xi32, #tpu.memory_space<hbm>> -> memref<1x79x128xi32, #tpu.memory_space<hbm>>
      %dma_wait3A_26 = tpu.memref_squeeze %dma_wait3A_25 : memref<1x79x128xi32, #tpu.memory_space<hbm>> -> memref<79x128xi32, #tpu.memory_space<hbm>>
      tpu.wait_dma2 semaphore(%run_scoped3A : memref<!tpu.dma_semaphore, #tpu.memory_space<semaphore_mem>>) src(%dma_wait3A_26 : memref<79x128xi32, #tpu.memory_space<hbm>>) dst(%arg8 : memref<79x128xi32, #tpu.memory_space<vmem>>)
      tpu.yield
    }) : () -> ()
    %mul3A_1 = arith.constant 640 : i32
    %mul3A_2 = arith.muli %arg1, %mul3A_1 : i32
    "tpu.region"() ({
      %run_scoped3A = tpu.sem_alloc : memref<!tpu.dma_semaphore, #tpu.memory_space<semaphore_mem>>
      %dma_start3A = arith.constant 0 : i32
      %dma_start3A_13 = tpu.memref_slice %arg10[%mul3A_2, %dma_start3A] : memref<10240x128xf32, #tpu.memory_space<vmem_shared>> -> memref<640x128xf32, #tpu.memory_space<vmem_shared>>
      tpu.enqueue_dma source(%arg5 : memref<640x128xf32, #tpu.memory_space<hbm>>) target(%dma_start3A_13 : memref<640x128xf32, #tpu.memory_space<vmem_shared>>) target_semaphore(%run_scoped3A : memref<!tpu.dma_semaphore, #tpu.memory_space<semaphore_mem>>)
      %dma_wait3A = arith.constant 0 : i32
      %dma_wait3A_14 = tpu.memref_slice %arg10[%mul3A_2, %dma_wait3A] : memref<10240x128xf32, #tpu.memory_space<vmem_shared>> -> memref<640x128xf32, #tpu.memory_space<vmem_shared>>
      tpu.wait_dma2 semaphore(%run_scoped3A : memref<!tpu.dma_semaphore, #tpu.memory_space<semaphore_mem>>) src(%arg5 : memref<640x128xf32, #tpu.memory_space<hbm>>) dst(%dma_wait3A_14 : memref<640x128xf32, #tpu.memory_space<vmem_shared>>)
      tpu.yield
    }) : () -> ()
    %barrier3A = arith.constant 0 : index
    tpu.barrier barrier_id(%barrier3A)
    %scan3A = arith.constant 0 : i32
    %scan3A_3 = arith.constant 0 : i32
    %scan3A_4 = arith.constant 79 : i32
    %scan3A_5 = arith.addi %scan3A_3, %scan3A_4 : i32
    %scan3A_6 = arith.constant 1 : i32
    scf.for %scan3A_13 = %scan3A_3 to %scan3A_5 step %scan3A_6  : i32 {
      %dma_start3A = arith.constant 0 : i32
      %dma_start3A_14 = tpu.memref_slice %arg7[%scan3A_13, %dma_start3A] : memref<79x128xi32, #tpu.memory_space<vmem>> -> memref<1x128xi32, #tpu.memory_space<vmem>>
      %dma_start3A_15 = tpu.memref_squeeze %dma_start3A_14 : memref<1x128xi32, #tpu.memory_space<vmem>> -> memref<128xi32, #tpu.memory_space<vmem>>
      %dma_start3A_16 = arith.constant 0 : i32
      %dma_start3A_17 = arith.constant 0 : i32
      %dma_start3A_18 = tpu.memref_slice %arg2[%dma_start3A_16, %dma_start3A_17] : memref<10240x128xf32, #tpu.memory_space<hbm>> -> memref<10240x128xf32, #tpu.memory_space<hbm>>
      tpu.enqueue_indirect_dma source(%dma_start3A_18 : memref<10240x128xf32, #tpu.memory_space<hbm>>) target(%arg9 : memref<128x128xf32, #tpu.memory_space<vmem>>) offsets(%dma_start3A_15 : memref<128xi32, #tpu.memory_space<vmem>>) semaphore(%arg11 : memref<!tpu.dma_semaphore, #tpu.memory_space<semaphore_mem>>)
      %dma_wait3A = arith.constant 0 : i32
      %dma_wait3A_19 = tpu.memref_slice %arg7[%scan3A_13, %dma_wait3A] : memref<79x128xi32, #tpu.memory_space<vmem>> -> memref<1x128xi32, #tpu.memory_space<vmem>>
      %dma_wait3A_20 = tpu.memref_squeeze %dma_wait3A_19 : memref<1x128xi32, #tpu.memory_space<vmem>> -> memref<128xi32, #tpu.memory_space<vmem>>
      %dma_wait3A_21 = arith.constant 0 : i32
      %dma_wait3A_22 = arith.constant 0 : i32
      %dma_wait3A_23 = tpu.memref_slice %arg2[%dma_wait3A_21, %dma_wait3A_22] : memref<10240x128xf32, #tpu.memory_space<hbm>> -> memref<10240x128xf32, #tpu.memory_space<hbm>>
      tpu.wait_indirect_dma semaphore(%arg11 : memref<!tpu.dma_semaphore, #tpu.memory_space<semaphore_mem>>) src(%dma_wait3A_23 : memref<10240x128xf32, #tpu.memory_space<hbm>>) dst(%arg9 : memref<128x128xf32, #tpu.memory_space<vmem>>)
      "tpu.region"() ({
        %run_scoped3A = tpu.sem_alloc : memref<!tpu.dma_semaphore, #tpu.memory_space<semaphore_mem>>
        %dma_start3A_24 = arith.constant 0 : i32
        %dma_start3A_25 = tpu.memref_slice %arg8[%scan3A_13, %dma_start3A_24] : memref<79x128xi32, #tpu.memory_space<vmem>> -> memref<1x128xi32, #tpu.memory_space<vmem>>
        %dma_start3A_26 = tpu.memref_squeeze %dma_start3A_25 : memref<1x128xi32, #tpu.memory_space<vmem>> -> memref<128xi32, #tpu.memory_space<vmem>>
        %dma_start3A_27 = arith.constant 0 : i32
        %dma_start3A_28 = arith.constant 0 : i32
        %dma_start3A_29 = tpu.memref_slice %arg10[%dma_start3A_27, %dma_start3A_28] : memref<10240x128xf32, #tpu.memory_space<vmem_shared>> -> memref<10240x128xf32, #tpu.memory_space<vmem_shared>>
        tpu.enqueue_indirect_dma source(%arg9 : memref<128x128xf32, #tpu.memory_space<vmem>>) target(%dma_start3A_29 : memref<10240x128xf32, #tpu.memory_space<vmem_shared>>) offsets(%dma_start3A_26 : memref<128xi32, #tpu.memory_space<vmem>>) semaphore(%run_scoped3A : memref<!tpu.dma_semaphore, #tpu.memory_space<semaphore_mem>>) {add = true}
        %dma_wait3A_30 = arith.constant 0 : i32
        %dma_wait3A_31 = tpu.memref_slice %arg8[%scan3A_13, %dma_wait3A_30] : memref<79x128xi32, #tpu.memory_space<vmem>> -> memref<1x128xi32, #tpu.memory_space<vmem>>
        %dma_wait3A_32 = tpu.memref_squeeze %dma_wait3A_31 : memref<1x128xi32, #tpu.memory_space<vmem>> -> memref<128xi32, #tpu.memory_space<vmem>>
        %dma_wait3A_33 = arith.constant 0 : i32
        %dma_wait3A_34 = arith.constant 0 : i32
        %dma_wait3A_35 = tpu.memref_slice %arg10[%dma_wait3A_33, %dma_wait3A_34] : memref<10240x128xf32, #tpu.memory_space<vmem_shared>> -> memref<10240x128xf32, #tpu.memory_space<vmem_shared>>
        tpu.wait_indirect_dma semaphore(%run_scoped3A : memref<!tpu.dma_semaphore, #tpu.memory_space<semaphore_mem>>) src(%arg9 : memref<128x128xf32, #tpu.memory_space<vmem>>) dst(%dma_wait3A_35 : memref<10240x128xf32, #tpu.memory_space<vmem_shared>>)
        tpu.yield
      }) : () -> ()
    }
    %scan3A_7 = arith.constant 79 : i32
    %barrier3A_8 = arith.constant 0 : index
    tpu.barrier barrier_id(%barrier3A_8)
    %mul3A_9 = arith.constant 640 : i32
    %mul3A_10 = arith.muli %arg1, %mul3A_9 : i32
    %mul3A_11 = arith.constant 640 : i32
    %mul3A_12 = arith.muli %arg1, %mul3A_11 : i32
    "tpu.region"() ({
      %run_scoped3A = tpu.sem_alloc : memref<!tpu.dma_semaphore, #tpu.memory_space<semaphore_mem>>
      %dma_start3A = arith.constant 0 : i32
      %dma_start3A_13 = tpu.memref_slice %arg6[%arg0, %mul3A_12, %dma_start3A] : memref<2x10240x128xf32, #tpu.memory_space<hbm>> -> memref<1x640x128xf32, #tpu.memory_space<hbm>>
      %dma_start3A_14 = tpu.memref_squeeze %dma_start3A_13 : memref<1x640x128xf32, #tpu.memory_space<hbm>> -> memref<640x128xf32, #tpu.memory_space<hbm>>
      %dma_start3A_15 = arith.constant 0 : i32
      %dma_start3A_16 = tpu.memref_slice %arg10[%mul3A_10, %dma_start3A_15] : memref<10240x128xf32, #tpu.memory_space<vmem_shared>> -> memref<640x128xf32, #tpu.memory_space<vmem_shared>>
      tpu.enqueue_dma source(%dma_start3A_16 : memref<640x128xf32, #tpu.memory_space<vmem_shared>>) target(%dma_start3A_14 : memref<640x128xf32, #tpu.memory_space<hbm>>) target_semaphore(%run_scoped3A : memref<!tpu.dma_semaphore, #tpu.memory_space<semaphore_mem>>)
      %dma_wait3A = arith.constant 0 : i32
      %dma_wait3A_17 = tpu.memref_slice %arg6[%arg0, %mul3A_12, %dma_wait3A] : memref<2x10240x128xf32, #tpu.memory_space<hbm>> -> memref<1x640x128xf32, #tpu.memory_space<hbm>>
      %dma_wait3A_18 = tpu.memref_squeeze %dma_wait3A_17 : memref<1x640x128xf32, #tpu.memory_space<hbm>> -> memref<640x128xf32, #tpu.memory_space<hbm>>
      %dma_wait3A_19 = arith.constant 0 : i32
      %dma_wait3A_20 = tpu.memref_slice %arg10[%mul3A_10, %dma_wait3A_19] : memref<10240x128xf32, #tpu.memory_space<vmem_shared>> -> memref<640x128xf32, #tpu.memory_space<vmem_shared>>
      tpu.wait_dma2 semaphore(%run_scoped3A : memref<!tpu.dma_semaphore, #tpu.memory_space<semaphore_mem>>) src(%dma_wait3A_20 : memref<640x128xf32, #tpu.memory_space<vmem_shared>>) dst(%dma_wait3A_18 : memref<640x128xf32, #tpu.memory_space<hbm>>)
      tpu.yield
    }) : () -> ()
    return
  }
}

#map = affine_map<(d0, d1) -> (0, 0)>
#map1 = affine_map<(d0, d1) -> (0, 0, 0)>
module attributes {stable_mosaic.version = 14 : i64} {
  func.func @_scatter_body(%arg0: i32, %arg1: i32, %arg2: memref<10240x128xf32, #tpu.memory_space<hbm>>, %arg3: memref<32x79x128xi32, #tpu.memory_space<hbm>>, %arg4: memref<32x79x128xi32, #tpu.memory_space<hbm>>, %arg5: memref<640x128xf32, #tpu.memory_space<hbm>>, %arg6: memref<2x10240x128xf32, #tpu.memory_space<hbm>>, %arg7: memref<79x128xi32, #tpu.memory_space<vmem>>, %arg8: memref<79x128xi32, #tpu.memory_space<vmem>>, %arg9: memref<128x128xf32, #tpu.memory_space<vmem>>, %arg10: memref<10240x128xf32, #tpu.memory_space<vmem_shared>>, %arg11: memref<!tpu.dma_semaphore, #tpu.memory_space<semaphore_mem>>) attributes {dimension_semantics = [#tpu.dimension_semantics<core_parallel>, #tpu.dimension_semantics<subcore_parallel>], iteration_bounds = array<i64: 2, 16>, scalar_prefetch = 0 : i64, scratch_operands = 5 : i64, tpu.core_type = #tpu.core_type<sc_vector_subcore>, window_params = [{transform_indices = #map}, {transform_indices = #map1}, {transform_indices = #map1}, {transform_indices = #map}, {transform_indices = #map1}]} {
    %mul3A = arith.constant 16 : i32
    %mul3A_0 = arith.muli %arg0, %mul3A : i32
    %add3A = arith.addi %mul3A_0, %arg1 : i32
    "tpu.region"() ({
      %run_scoped3A = tpu.sem_alloc : memref<!tpu.dma_semaphore, #tpu.memory_space<semaphore_mem>>
      %dma_start3A = arith.constant 0 : i32
      %dma_start3A_13 = arith.constant 0 : i32
      %dma_start3A_14 = tpu.memref_slice %arg3[%add3A, %dma_start3A, %dma_start3A_13] : memref<32x79x128xi32, #tpu.memory_space<hbm>> -> memref<1x79x128xi32, #tpu.memory_space<hbm>>
      %dma_start3A_15 = tpu.memref_squeeze %dma_start3A_14 : memref<1x79x128xi32, #tpu.memory_space<hbm>> -> memref<79x128xi32, #tpu.memory_space<hbm>>
      %dma_start3A_16 = arith.constant 0 : i32
      %dma_start3A_17 = arith.constant 0 : i32
      %dma_start3A_18 = tpu.memref_slice %arg3[%add3A, %dma_start3A_16, %dma_start3A_17] : memref<32x79x128xi32, #tpu.memory_space<hbm>> -> memref<1x79x128xi32, #tpu.memory_space<hbm>>
      %dma_start3A_19 = tpu.memref_squeeze %dma_start3A_18 : memref<1x79x128xi32, #tpu.memory_space<hbm>> -> memref<79x128xi32, #tpu.memory_space<hbm>>
      tpu.enqueue_dma source(%dma_start3A_19 : memref<79x128xi32, #tpu.memory_space<hbm>>) target(%arg7 : memref<79x128xi32, #tpu.memory_space<vmem>>) target_semaphore(%run_scoped3A : memref<!tpu.dma_semaphore, #tpu.memory_space<semaphore_mem>>)
      %dma_wait3A = arith.constant 0 : i32
      %dma_wait3A_20 = arith.constant 0 : i32
      %dma_wait3A_21 = tpu.memref_slice %arg3[%add3A, %dma_wait3A, %dma_wait3A_20] : memref<32x79x128xi32, #tpu.memory_space<hbm>> -> memref<1x79x128xi32, #tpu.memory_space<hbm>>
      %dma_wait3A_22 = tpu.memref_squeeze %dma_wait3A_21 : memref<1x79x128xi32, #tpu.memory_space<hbm>> -> memref<79x128xi32, #tpu.memory_space<hbm>>
      %dma_wait3A_23 = arith.constant 0 : i32
      %dma_wait3A_24 = arith.constant 0 : i32
      %dma_wait3A_25 = tpu.memref_slice %arg3[%add3A, %dma_wait3A_23, %dma_wait3A_24] : memref<32x79x128xi32, #tpu.memory_space<hbm>> -> memref<1x79x128xi32, #tpu.memory_space<hbm>>
      %dma_wait3A_26 = tpu.memref_squeeze %dma_wait3A_25 : memref<1x79x128xi32, #tpu.memory_space<hbm>> -> memref<79x128xi32, #tpu.memory_space<hbm>>
      tpu.wait_dma2 semaphore(%run_scoped3A : memref<!tpu.dma_semaphore, #tpu.memory_space<semaphore_mem>>) src(%dma_wait3A_26 : memref<79x128xi32, #tpu.memory_space<hbm>>) dst(%arg7 : memref<79x128xi32, #tpu.memory_space<vmem>>)
      tpu.yield
    }) : () -> ()
    "tpu.region"() ({
      %run_scoped3A = tpu.sem_alloc : memref<!tpu.dma_semaphore, #tpu.memory_space<semaphore_mem>>
      %dma_start3A = arith.constant 0 : i32
      %dma_start3A_13 = arith.constant 0 : i32
      %dma_start3A_14 = tpu.memref_slice %arg4[%add3A, %dma_start3A, %dma_start3A_13] : memref<32x79x128xi32, #tpu.memory_space<hbm>> -> memref<1x79x128xi32, #tpu.memory_space<hbm>>
      %dma_start3A_15 = tpu.memref_squeeze %dma_start3A_14 : memref<1x79x128xi32, #tpu.memory_space<hbm>> -> memref<79x128xi32, #tpu.memory_space<hbm>>
      %dma_start3A_16 = arith.constant 0 : i32
      %dma_start3A_17 = arith.constant 0 : i32
      %dma_start3A_18 = tpu.memref_slice %arg4[%add3A, %dma_start3A_16, %dma_start3A_17] : memref<32x79x128xi32, #tpu.memory_space<hbm>> -> memref<1x79x128xi32, #tpu.memory_space<hbm>>
      %dma_start3A_19 = tpu.memref_squeeze %dma_start3A_18 : memref<1x79x128xi32, #tpu.memory_space<hbm>> -> memref<79x128xi32, #tpu.memory_space<hbm>>
      tpu.enqueue_dma source(%dma_start3A_19 : memref<79x128xi32, #tpu.memory_space<hbm>>) target(%arg8 : memref<79x128xi32, #tpu.memory_space<vmem>>) target_semaphore(%run_scoped3A : memref<!tpu.dma_semaphore, #tpu.memory_space<semaphore_mem>>)
      %dma_wait3A = arith.constant 0 : i32
      %dma_wait3A_20 = arith.constant 0 : i32
      %dma_wait3A_21 = tpu.memref_slice %arg4[%add3A, %dma_wait3A, %dma_wait3A_20] : memref<32x79x128xi32, #tpu.memory_space<hbm>> -> memref<1x79x128xi32, #tpu.memory_space<hbm>>
      %dma_wait3A_22 = tpu.memref_squeeze %dma_wait3A_21 : memref<1x79x128xi32, #tpu.memory_space<hbm>> -> memref<79x128xi32, #tpu.memory_space<hbm>>
      %dma_wait3A_23 = arith.constant 0 : i32
      %dma_wait3A_24 = arith.constant 0 : i32
      %dma_wait3A_25 = tpu.memref_slice %arg4[%add3A, %dma_wait3A_23, %dma_wait3A_24] : memref<32x79x128xi32, #tpu.memory_space<hbm>> -> memref<1x79x128xi32, #tpu.memory_space<hbm>>
      %dma_wait3A_26 = tpu.memref_squeeze %dma_wait3A_25 : memref<1x79x128xi32, #tpu.memory_space<hbm>> -> memref<79x128xi32, #tpu.memory_space<hbm>>
      tpu.wait_dma2 semaphore(%run_scoped3A : memref<!tpu.dma_semaphore, #tpu.memory_space<semaphore_mem>>) src(%dma_wait3A_26 : memref<79x128xi32, #tpu.memory_space<hbm>>) dst(%arg8 : memref<79x128xi32, #tpu.memory_space<vmem>>)
      tpu.yield
    }) : () -> ()
    %mul3A_1 = arith.constant 640 : i32
    %mul3A_2 = arith.muli %arg1, %mul3A_1 : i32
    "tpu.region"() ({
      %run_scoped3A = tpu.sem_alloc : memref<!tpu.dma_semaphore, #tpu.memory_space<semaphore_mem>>
      %dma_start3A = arith.constant 0 : i32
      %dma_start3A_13 = tpu.memref_slice %arg10[%mul3A_2, %dma_start3A] : memref<10240x128xf32, #tpu.memory_space<vmem_shared>> -> memref<640x128xf32, #tpu.memory_space<vmem_shared>>
      tpu.enqueue_dma source(%arg5 : memref<640x128xf32, #tpu.memory_space<hbm>>) target(%dma_start3A_13 : memref<640x128xf32, #tpu.memory_space<vmem_shared>>) target_semaphore(%run_scoped3A : memref<!tpu.dma_semaphore, #tpu.memory_space<semaphore_mem>>)
      %dma_wait3A = arith.constant 0 : i32
      %dma_wait3A_14 = tpu.memref_slice %arg10[%mul3A_2, %dma_wait3A] : memref<10240x128xf32, #tpu.memory_space<vmem_shared>> -> memref<640x128xf32, #tpu.memory_space<vmem_shared>>
      tpu.wait_dma2 semaphore(%run_scoped3A : memref<!tpu.dma_semaphore, #tpu.memory_space<semaphore_mem>>) src(%arg5 : memref<640x128xf32, #tpu.memory_space<hbm>>) dst(%dma_wait3A_14 : memref<640x128xf32, #tpu.memory_space<vmem_shared>>)
      tpu.yield
    }) : () -> ()
    %barrier3A = arith.constant 0 : index
    tpu.barrier barrier_id(%barrier3A)
    %scan3A = arith.constant 0 : i32
    %scan3A_3 = arith.constant 0 : i32
    %scan3A_4 = arith.constant 79 : i32
    %scan3A_5 = arith.addi %scan3A_3, %scan3A_4 : i32
    %scan3A_6 = arith.constant 1 : i32
    scf.for %scan3A_13 = %scan3A_3 to %scan3A_5 step %scan3A_6  : i32 {
      %dma_start3A = arith.constant 0 : i32
      %dma_start3A_14 = tpu.memref_slice %arg7[%scan3A_13, %dma_start3A] : memref<79x128xi32, #tpu.memory_space<vmem>> -> memref<1x128xi32, #tpu.memory_space<vmem>>
      %dma_start3A_15 = tpu.memref_squeeze %dma_start3A_14 : memref<1x128xi32, #tpu.memory_space<vmem>> -> memref<128xi32, #tpu.memory_space<vmem>>
      %dma_start3A_16 = arith.constant 0 : i32
      %dma_start3A_17 = arith.constant 0 : i32
      %dma_start3A_18 = tpu.memref_slice %arg2[%dma_start3A_16, %dma_start3A_17] : memref<10240x128xf32, #tpu.memory_space<hbm>> -> memref<10240x128xf32, #tpu.memory_space<hbm>>
      tpu.enqueue_indirect_dma source(%dma_start3A_18 : memref<10240x128xf32, #tpu.memory_space<hbm>>) target(%arg9 : memref<128x128xf32, #tpu.memory_space<vmem>>) offsets(%dma_start3A_15 : memref<128xi32, #tpu.memory_space<vmem>>) semaphore(%arg11 : memref<!tpu.dma_semaphore, #tpu.memory_space<semaphore_mem>>)
      %dma_wait3A = arith.constant 0 : i32
      %dma_wait3A_19 = tpu.memref_slice %arg7[%scan3A_13, %dma_wait3A] : memref<79x128xi32, #tpu.memory_space<vmem>> -> memref<1x128xi32, #tpu.memory_space<vmem>>
      %dma_wait3A_20 = tpu.memref_squeeze %dma_wait3A_19 : memref<1x128xi32, #tpu.memory_space<vmem>> -> memref<128xi32, #tpu.memory_space<vmem>>
      %dma_wait3A_21 = arith.constant 0 : i32
      %dma_wait3A_22 = arith.constant 0 : i32
      %dma_wait3A_23 = tpu.memref_slice %arg2[%dma_wait3A_21, %dma_wait3A_22] : memref<10240x128xf32, #tpu.memory_space<hbm>> -> memref<10240x128xf32, #tpu.memory_space<hbm>>
      tpu.wait_indirect_dma semaphore(%arg11 : memref<!tpu.dma_semaphore, #tpu.memory_space<semaphore_mem>>) src(%dma_wait3A_23 : memref<10240x128xf32, #tpu.memory_space<hbm>>) dst(%arg9 : memref<128x128xf32, #tpu.memory_space<vmem>>)
      "tpu.region"() ({
        %run_scoped3A = tpu.sem_alloc : memref<!tpu.dma_semaphore, #tpu.memory_space<semaphore_mem>>
        %dma_start3A_24 = arith.constant 0 : i32
        %dma_start3A_25 = tpu.memref_slice %arg8[%scan3A_13, %dma_start3A_24] : memref<79x128xi32, #tpu.memory_space<vmem>> -> memref<1x128xi32, #tpu.memory_space<vmem>>
        %dma_start3A_26 = tpu.memref_squeeze %dma_start3A_25 : memref<1x128xi32, #tpu.memory_space<vmem>> -> memref<128xi32, #tpu.memory_space<vmem>>
        %dma_start3A_27 = arith.constant 0 : i32
        %dma_start3A_28 = arith.constant 0 : i32
        %dma_start3A_29 = tpu.memref_slice %arg10[%dma_start3A_27, %dma_start3A_28] : memref<10240x128xf32, #tpu.memory_space<vmem_shared>> -> memref<10240x128xf32, #tpu.memory_space<vmem_shared>>
        tpu.enqueue_indirect_dma source(%arg9 : memref<128x128xf32, #tpu.memory_space<vmem>>) target(%dma_start3A_29 : memref<10240x128xf32, #tpu.memory_space<vmem_shared>>) offsets(%dma_start3A_26 : memref<128xi32, #tpu.memory_space<vmem>>) semaphore(%run_scoped3A : memref<!tpu.dma_semaphore, #tpu.memory_space<semaphore_mem>>) {add = true}
        %dma_wait3A_30 = arith.constant 0 : i32
        %dma_wait3A_31 = tpu.memref_slice %arg8[%scan3A_13, %dma_wait3A_30] : memref<79x128xi32, #tpu.memory_space<vmem>> -> memref<1x128xi32, #tpu.memory_space<vmem>>
        %dma_wait3A_32 = tpu.memref_squeeze %dma_wait3A_31 : memref<1x128xi32, #tpu.memory_space<vmem>> -> memref<128xi32, #tpu.memory_space<vmem>>
        %dma_wait3A_33 = arith.constant 0 : i32
        %dma_wait3A_34 = arith.constant 0 : i32
        %dma_wait3A_35 = tpu.memref_slice %arg10[%dma_wait3A_33, %dma_wait3A_34] : memref<10240x128xf32, #tpu.memory_space<vmem_shared>> -> memref<10240x128xf32, #tpu.memory_space<vmem_shared>>
        tpu.wait_indirect_dma semaphore(%run_scoped3A : memref<!tpu.dma_semaphore, #tpu.memory_space<semaphore_mem>>) src(%arg9 : memref<128x128xf32, #tpu.memory_space<vmem>>) dst(%dma_wait3A_35 : memref<10240x128xf32, #tpu.memory_space<vmem_shared>>)
        tpu.yield
      }) : () -> ()
    }
    %scan3A_7 = arith.constant 79 : i32
    %barrier3A_8 = arith.constant 0 : index
    tpu.barrier barrier_id(%barrier3A_8)
    %mul3A_9 = arith.constant 640 : i32
    %mul3A_10 = arith.muli %arg1, %mul3A_9 : i32
    %mul3A_11 = arith.constant 640 : i32
    %mul3A_12 = arith.muli %arg1, %mul3A_11 : i32
    "tpu.region"() ({
      %run_scoped3A = tpu.sem_alloc : memref<!tpu.dma_semaphore, #tpu.memory_space<semaphore_mem>>
      %dma_start3A = arith.constant 0 : i32
      %dma_start3A_13 = tpu.memref_slice %arg6[%arg0, %mul3A_12, %dma_start3A] : memref<2x10240x128xf32, #tpu.memory_space<hbm>> -> memref<1x640x128xf32, #tpu.memory_space<hbm>>
      %dma_start3A_14 = tpu.memref_squeeze %dma_start3A_13 : memref<1x640x128xf32, #tpu.memory_space<hbm>> -> memref<640x128xf32, #tpu.memory_space<hbm>>
      %dma_start3A_15 = arith.constant 0 : i32
      %dma_start3A_16 = tpu.memref_slice %arg10[%mul3A_10, %dma_start3A_15] : memref<10240x128xf32, #tpu.memory_space<vmem_shared>> -> memref<640x128xf32, #tpu.memory_space<vmem_shared>>
      tpu.enqueue_dma source(%dma_start3A_16 : memref<640x128xf32, #tpu.memory_space<vmem_shared>>) target(%dma_start3A_14 : memref<640x128xf32, #tpu.memory_space<hbm>>) target_semaphore(%run_scoped3A : memref<!tpu.dma_semaphore, #tpu.memory_space<semaphore_mem>>)
      %dma_wait3A = arith.constant 0 : i32
      %dma_wait3A_17 = tpu.memref_slice %arg6[%arg0, %mul3A_12, %dma_wait3A] : memref<2x10240x128xf32, #tpu.memory_space<hbm>> -> memref<1x640x128xf32, #tpu.memory_space<hbm>>
      %dma_wait3A_18 = tpu.memref_squeeze %dma_wait3A_17 : memref<1x640x128xf32, #tpu.memory_space<hbm>> -> memref<640x128xf32, #tpu.memory_space<hbm>>
      %dma_wait3A_19 = arith.constant 0 : i32
      %dma_wait3A_20 = tpu.memref_slice %arg10[%mul3A_10, %dma_wait3A_19] : memref<10240x128xf32, #tpu.memory_space<vmem_shared>> -> memref<640x128xf32, #tpu.memory_space<vmem_shared>>
      tpu.wait_dma2 semaphore(%run_scoped3A : memref<!tpu.dma_semaphore, #tpu.memory_space<semaphore_mem>>) src(%dma_wait3A_20 : memref<640x128xf32, #tpu.memory_space<vmem_shared>>) dst(%dma_wait3A_18 : memref<640x128xf32, #tpu.memory_space<hbm>>)
      tpu.yield
    }) : () -> ()
    return
  }
}

#map = affine_map<(d0, d1) -> (0, 0)>
#map1 = affine_map<(d0, d1) -> (0, 0, 0)>
module attributes {stable_mosaic.version = 14 : i64} {
  func.func @_scatter_body(%arg0: i32, %arg1: i32, %arg2: memref<10240x128xf32, #tpu.memory_space<hbm>>, %arg3: memref<32x79x128xi32, #tpu.memory_space<hbm>>, %arg4: memref<32x79x128xi32, #tpu.memory_space<hbm>>, %arg5: memref<640x128xf32, #tpu.memory_space<hbm>>, %arg6: memref<2x10240x128xf32, #tpu.memory_space<hbm>>, %arg7: memref<79x128xi32, #tpu.memory_space<vmem>>, %arg8: memref<79x128xi32, #tpu.memory_space<vmem>>, %arg9: memref<128x128xf32, #tpu.memory_space<vmem>>, %arg10: memref<10240x128xf32, #tpu.memory_space<vmem_shared>>, %arg11: memref<!tpu.dma_semaphore, #tpu.memory_space<semaphore_mem>>) attributes {dimension_semantics = [#tpu.dimension_semantics<core_parallel>, #tpu.dimension_semantics<subcore_parallel>], iteration_bounds = array<i64: 2, 16>, scalar_prefetch = 0 : i64, scratch_operands = 5 : i64, tpu.core_type = #tpu.core_type<sc_vector_subcore>, window_params = [{transform_indices = #map}, {transform_indices = #map1}, {transform_indices = #map1}, {transform_indices = #map}, {transform_indices = #map1}]} {
    %mul3A = arith.constant 16 : i32
    %mul3A_0 = arith.muli %arg0, %mul3A : i32
    %add3A = arith.addi %mul3A_0, %arg1 : i32
    "tpu.region"() ({
      %run_scoped3A = tpu.sem_alloc : memref<!tpu.dma_semaphore, #tpu.memory_space<semaphore_mem>>
      %dma_start3A = arith.constant 0 : i32
      %dma_start3A_13 = arith.constant 0 : i32
      %dma_start3A_14 = tpu.memref_slice %arg3[%add3A, %dma_start3A, %dma_start3A_13] : memref<32x79x128xi32, #tpu.memory_space<hbm>> -> memref<1x79x128xi32, #tpu.memory_space<hbm>>
      %dma_start3A_15 = tpu.memref_squeeze %dma_start3A_14 : memref<1x79x128xi32, #tpu.memory_space<hbm>> -> memref<79x128xi32, #tpu.memory_space<hbm>>
      %dma_start3A_16 = arith.constant 0 : i32
      %dma_start3A_17 = arith.constant 0 : i32
      %dma_start3A_18 = tpu.memref_slice %arg3[%add3A, %dma_start3A_16, %dma_start3A_17] : memref<32x79x128xi32, #tpu.memory_space<hbm>> -> memref<1x79x128xi32, #tpu.memory_space<hbm>>
      %dma_start3A_19 = tpu.memref_squeeze %dma_start3A_18 : memref<1x79x128xi32, #tpu.memory_space<hbm>> -> memref<79x128xi32, #tpu.memory_space<hbm>>
      tpu.enqueue_dma source(%dma_start3A_19 : memref<79x128xi32, #tpu.memory_space<hbm>>) target(%arg7 : memref<79x128xi32, #tpu.memory_space<vmem>>) target_semaphore(%run_scoped3A : memref<!tpu.dma_semaphore, #tpu.memory_space<semaphore_mem>>)
      %dma_wait3A = arith.constant 0 : i32
      %dma_wait3A_20 = arith.constant 0 : i32
      %dma_wait3A_21 = tpu.memref_slice %arg3[%add3A, %dma_wait3A, %dma_wait3A_20] : memref<32x79x128xi32, #tpu.memory_space<hbm>> -> memref<1x79x128xi32, #tpu.memory_space<hbm>>
      %dma_wait3A_22 = tpu.memref_squeeze %dma_wait3A_21 : memref<1x79x128xi32, #tpu.memory_space<hbm>> -> memref<79x128xi32, #tpu.memory_space<hbm>>
      %dma_wait3A_23 = arith.constant 0 : i32
      %dma_wait3A_24 = arith.constant 0 : i32
      %dma_wait3A_25 = tpu.memref_slice %arg3[%add3A, %dma_wait3A_23, %dma_wait3A_24] : memref<32x79x128xi32, #tpu.memory_space<hbm>> -> memref<1x79x128xi32, #tpu.memory_space<hbm>>
      %dma_wait3A_26 = tpu.memref_squeeze %dma_wait3A_25 : memref<1x79x128xi32, #tpu.memory_space<hbm>> -> memref<79x128xi32, #tpu.memory_space<hbm>>
      tpu.wait_dma2 semaphore(%run_scoped3A : memref<!tpu.dma_semaphore, #tpu.memory_space<semaphore_mem>>) src(%dma_wait3A_26 : memref<79x128xi32, #tpu.memory_space<hbm>>) dst(%arg7 : memref<79x128xi32, #tpu.memory_space<vmem>>)
      tpu.yield
    }) : () -> ()
    "tpu.region"() ({
      %run_scoped3A = tpu.sem_alloc : memref<!tpu.dma_semaphore, #tpu.memory_space<semaphore_mem>>
      %dma_start3A = arith.constant 0 : i32
      %dma_start3A_13 = arith.constant 0 : i32
      %dma_start3A_14 = tpu.memref_slice %arg4[%add3A, %dma_start3A, %dma_start3A_13] : memref<32x79x128xi32, #tpu.memory_space<hbm>> -> memref<1x79x128xi32, #tpu.memory_space<hbm>>
      %dma_start3A_15 = tpu.memref_squeeze %dma_start3A_14 : memref<1x79x128xi32, #tpu.memory_space<hbm>> -> memref<79x128xi32, #tpu.memory_space<hbm>>
      %dma_start3A_16 = arith.constant 0 : i32
      %dma_start3A_17 = arith.constant 0 : i32
      %dma_start3A_18 = tpu.memref_slice %arg4[%add3A, %dma_start3A_16, %dma_start3A_17] : memref<32x79x128xi32, #tpu.memory_space<hbm>> -> memref<1x79x128xi32, #tpu.memory_space<hbm>>
      %dma_start3A_19 = tpu.memref_squeeze %dma_start3A_18 : memref<1x79x128xi32, #tpu.memory_space<hbm>> -> memref<79x128xi32, #tpu.memory_space<hbm>>
      tpu.enqueue_dma source(%dma_start3A_19 : memref<79x128xi32, #tpu.memory_space<hbm>>) target(%arg8 : memref<79x128xi32, #tpu.memory_space<vmem>>) target_semaphore(%run_scoped3A : memref<!tpu.dma_semaphore, #tpu.memory_space<semaphore_mem>>)
      %dma_wait3A = arith.constant 0 : i32
      %dma_wait3A_20 = arith.constant 0 : i32
      %dma_wait3A_21 = tpu.memref_slice %arg4[%add3A, %dma_wait3A, %dma_wait3A_20] : memref<32x79x128xi32, #tpu.memory_space<hbm>> -> memref<1x79x128xi32, #tpu.memory_space<hbm>>
      %dma_wait3A_22 = tpu.memref_squeeze %dma_wait3A_21 : memref<1x79x128xi32, #tpu.memory_space<hbm>> -> memref<79x128xi32, #tpu.memory_space<hbm>>
      %dma_wait3A_23 = arith.constant 0 : i32
      %dma_wait3A_24 = arith.constant 0 : i32
      %dma_wait3A_25 = tpu.memref_slice %arg4[%add3A, %dma_wait3A_23, %dma_wait3A_24] : memref<32x79x128xi32, #tpu.memory_space<hbm>> -> memref<1x79x128xi32, #tpu.memory_space<hbm>>
      %dma_wait3A_26 = tpu.memref_squeeze %dma_wait3A_25 : memref<1x79x128xi32, #tpu.memory_space<hbm>> -> memref<79x128xi32, #tpu.memory_space<hbm>>
      tpu.wait_dma2 semaphore(%run_scoped3A : memref<!tpu.dma_semaphore, #tpu.memory_space<semaphore_mem>>) src(%dma_wait3A_26 : memref<79x128xi32, #tpu.memory_space<hbm>>) dst(%arg8 : memref<79x128xi32, #tpu.memory_space<vmem>>)
      tpu.yield
    }) : () -> ()
    %mul3A_1 = arith.constant 640 : i32
    %mul3A_2 = arith.muli %arg1, %mul3A_1 : i32
    "tpu.region"() ({
      %run_scoped3A = tpu.sem_alloc : memref<!tpu.dma_semaphore, #tpu.memory_space<semaphore_mem>>
      %dma_start3A = arith.constant 0 : i32
      %dma_start3A_13 = tpu.memref_slice %arg10[%mul3A_2, %dma_start3A] : memref<10240x128xf32, #tpu.memory_space<vmem_shared>> -> memref<640x128xf32, #tpu.memory_space<vmem_shared>>
      tpu.enqueue_dma source(%arg5 : memref<640x128xf32, #tpu.memory_space<hbm>>) target(%dma_start3A_13 : memref<640x128xf32, #tpu.memory_space<vmem_shared>>) target_semaphore(%run_scoped3A : memref<!tpu.dma_semaphore, #tpu.memory_space<semaphore_mem>>)
      %dma_wait3A = arith.constant 0 : i32
      %dma_wait3A_14 = tpu.memref_slice %arg10[%mul3A_2, %dma_wait3A] : memref<10240x128xf32, #tpu.memory_space<vmem_shared>> -> memref<640x128xf32, #tpu.memory_space<vmem_shared>>
      tpu.wait_dma2 semaphore(%run_scoped3A : memref<!tpu.dma_semaphore, #tpu.memory_space<semaphore_mem>>) src(%arg5 : memref<640x128xf32, #tpu.memory_space<hbm>>) dst(%dma_wait3A_14 : memref<640x128xf32, #tpu.memory_space<vmem_shared>>)
      tpu.yield
    }) : () -> ()
    %barrier3A = arith.constant 0 : index
    tpu.barrier barrier_id(%barrier3A)
    %scan3A = arith.constant 0 : i32
    %scan3A_3 = arith.constant 0 : i32
    %scan3A_4 = arith.constant 79 : i32
    %scan3A_5 = arith.addi %scan3A_3, %scan3A_4 : i32
    %scan3A_6 = arith.constant 1 : i32
    scf.for %scan3A_13 = %scan3A_3 to %scan3A_5 step %scan3A_6  : i32 {
      %dma_start3A = arith.constant 0 : i32
      %dma_start3A_14 = tpu.memref_slice %arg7[%scan3A_13, %dma_start3A] : memref<79x128xi32, #tpu.memory_space<vmem>> -> memref<1x128xi32, #tpu.memory_space<vmem>>
      %dma_start3A_15 = tpu.memref_squeeze %dma_start3A_14 : memref<1x128xi32, #tpu.memory_space<vmem>> -> memref<128xi32, #tpu.memory_space<vmem>>
      %dma_start3A_16 = arith.constant 0 : i32
      %dma_start3A_17 = arith.constant 0 : i32
      %dma_start3A_18 = tpu.memref_slice %arg2[%dma_start3A_16, %dma_start3A_17] : memref<10240x128xf32, #tpu.memory_space<hbm>> -> memref<10240x128xf32, #tpu.memory_space<hbm>>
      tpu.enqueue_indirect_dma source(%dma_start3A_18 : memref<10240x128xf32, #tpu.memory_space<hbm>>) target(%arg9 : memref<128x128xf32, #tpu.memory_space<vmem>>) offsets(%dma_start3A_15 : memref<128xi32, #tpu.memory_space<vmem>>) semaphore(%arg11 : memref<!tpu.dma_semaphore, #tpu.memory_space<semaphore_mem>>)
      %dma_wait3A = arith.constant 0 : i32
      %dma_wait3A_19 = tpu.memref_slice %arg7[%scan3A_13, %dma_wait3A] : memref<79x128xi32, #tpu.memory_space<vmem>> -> memref<1x128xi32, #tpu.memory_space<vmem>>
      %dma_wait3A_20 = tpu.memref_squeeze %dma_wait3A_19 : memref<1x128xi32, #tpu.memory_space<vmem>> -> memref<128xi32, #tpu.memory_space<vmem>>
      %dma_wait3A_21 = arith.constant 0 : i32
      %dma_wait3A_22 = arith.constant 0 : i32
      %dma_wait3A_23 = tpu.memref_slice %arg2[%dma_wait3A_21, %dma_wait3A_22] : memref<10240x128xf32, #tpu.memory_space<hbm>> -> memref<10240x128xf32, #tpu.memory_space<hbm>>
      tpu.wait_indirect_dma semaphore(%arg11 : memref<!tpu.dma_semaphore, #tpu.memory_space<semaphore_mem>>) src(%dma_wait3A_23 : memref<10240x128xf32, #tpu.memory_space<hbm>>) dst(%arg9 : memref<128x128xf32, #tpu.memory_space<vmem>>)
      "tpu.region"() ({
        %run_scoped3A = tpu.sem_alloc : memref<!tpu.dma_semaphore, #tpu.memory_space<semaphore_mem>>
        %dma_start3A_24 = arith.constant 0 : i32
        %dma_start3A_25 = tpu.memref_slice %arg8[%scan3A_13, %dma_start3A_24] : memref<79x128xi32, #tpu.memory_space<vmem>> -> memref<1x128xi32, #tpu.memory_space<vmem>>
        %dma_start3A_26 = tpu.memref_squeeze %dma_start3A_25 : memref<1x128xi32, #tpu.memory_space<vmem>> -> memref<128xi32, #tpu.memory_space<vmem>>
        %dma_start3A_27 = arith.constant 0 : i32
        %dma_start3A_28 = arith.constant 0 : i32
        %dma_start3A_29 = tpu.memref_slice %arg10[%dma_start3A_27, %dma_start3A_28] : memref<10240x128xf32, #tpu.memory_space<vmem_shared>> -> memref<10240x128xf32, #tpu.memory_space<vmem_shared>>
        tpu.enqueue_indirect_dma source(%arg9 : memref<128x128xf32, #tpu.memory_space<vmem>>) target(%dma_start3A_29 : memref<10240x128xf32, #tpu.memory_space<vmem_shared>>) offsets(%dma_start3A_26 : memref<128xi32, #tpu.memory_space<vmem>>) semaphore(%run_scoped3A : memref<!tpu.dma_semaphore, #tpu.memory_space<semaphore_mem>>) {add = true}
        %dma_wait3A_30 = arith.constant 0 : i32
        %dma_wait3A_31 = tpu.memref_slice %arg8[%scan3A_13, %dma_wait3A_30] : memref<79x128xi32, #tpu.memory_space<vmem>> -> memref<1x128xi32, #tpu.memory_space<vmem>>
        %dma_wait3A_32 = tpu.memref_squeeze %dma_wait3A_31 : memref<1x128xi32, #tpu.memory_space<vmem>> -> memref<128xi32, #tpu.memory_space<vmem>>
        %dma_wait3A_33 = arith.constant 0 : i32
        %dma_wait3A_34 = arith.constant 0 : i32
        %dma_wait3A_35 = tpu.memref_slice %arg10[%dma_wait3A_33, %dma_wait3A_34] : memref<10240x128xf32, #tpu.memory_space<vmem_shared>> -> memref<10240x128xf32, #tpu.memory_space<vmem_shared>>
        tpu.wait_indirect_dma semaphore(%run_scoped3A : memref<!tpu.dma_semaphore, #tpu.memory_space<semaphore_mem>>) src(%arg9 : memref<128x128xf32, #tpu.memory_space<vmem>>) dst(%dma_wait3A_35 : memref<10240x128xf32, #tpu.memory_space<vmem_shared>>)
        tpu.yield
      }) : () -> ()
    }
    %scan3A_7 = arith.constant 79 : i32
    %barrier3A_8 = arith.constant 0 : index
    tpu.barrier barrier_id(%barrier3A_8)
    %mul3A_9 = arith.constant 640 : i32
    %mul3A_10 = arith.muli %arg1, %mul3A_9 : i32
    %mul3A_11 = arith.constant 640 : i32
    %mul3A_12 = arith.muli %arg1, %mul3A_11 : i32
    "tpu.region"() ({
      %run_scoped3A = tpu.sem_alloc : memref<!tpu.dma_semaphore, #tpu.memory_space<semaphore_mem>>
      %dma_start3A = arith.constant 0 : i32
      %dma_start3A_13 = tpu.memref_slice %arg6[%arg0, %mul3A_12, %dma_start3A] : memref<2x10240x128xf32, #tpu.memory_space<hbm>> -> memref<1x640x128xf32, #tpu.memory_space<hbm>>
      %dma_start3A_14 = tpu.memref_squeeze %dma_start3A_13 : memref<1x640x128xf32, #tpu.memory_space<hbm>> -> memref<640x128xf32, #tpu.memory_space<hbm>>
      %dma_start3A_15 = arith.constant 0 : i32
      %dma_start3A_16 = tpu.memref_slice %arg10[%mul3A_10, %dma_start3A_15] : memref<10240x128xf32, #tpu.memory_space<vmem_shared>> -> memref<640x128xf32, #tpu.memory_space<vmem_shared>>
      tpu.enqueue_dma source(%dma_start3A_16 : memref<640x128xf32, #tpu.memory_space<vmem_shared>>) target(%dma_start3A_14 : memref<640x128xf32, #tpu.memory_space<hbm>>) target_semaphore(%run_scoped3A : memref<!tpu.dma_semaphore, #tpu.memory_space<semaphore_mem>>)
      %dma_wait3A = arith.constant 0 : i32
      %dma_wait3A_17 = tpu.memref_slice %arg6[%arg0, %mul3A_12, %dma_wait3A] : memref<2x10240x128xf32, #tpu.memory_space<hbm>> -> memref<1x640x128xf32, #tpu.memory_space<hbm>>
      %dma_wait3A_18 = tpu.memref_squeeze %dma_wait3A_17 : memref<1x640x128xf32, #tpu.memory_space<hbm>> -> memref<640x128xf32, #tpu.memory_space<hbm>>
      %dma_wait3A_19 = arith.constant 0 : i32
      %dma_wait3A_20 = tpu.memref_slice %arg10[%mul3A_10, %dma_wait3A_19] : memref<10240x128xf32, #tpu.memory_space<vmem_shared>> -> memref<640x128xf32, #tpu.memory_space<vmem_shared>>
      tpu.wait_dma2 semaphore(%run_scoped3A : memref<!tpu.dma_semaphore, #tpu.memory_space<semaphore_mem>>) src(%dma_wait3A_20 : memref<640x128xf32, #tpu.memory_space<vmem_shared>>) dst(%dma_wait3A_18 : memref<640x128xf32, #tpu.memory_space<hbm>>)
      tpu.yield
    }) : () -> ()
    return
  }
}

#map = affine_map<(d0, d1) -> (0, 0)>
#map1 = affine_map<(d0, d1) -> (0, 0, 0)>
module attributes {stable_mosaic.version = 14 : i64} {
  func.func @_scatter_body(%arg0: i32, %arg1: i32, %arg2: memref<10240x128xf32, #tpu.memory_space<hbm>>, %arg3: memref<32x79x128xi32, #tpu.memory_space<hbm>>, %arg4: memref<32x79x128xi32, #tpu.memory_space<hbm>>, %arg5: memref<640x128xf32, #tpu.memory_space<hbm>>, %arg6: memref<2x10240x128xf32, #tpu.memory_space<hbm>>, %arg7: memref<79x128xi32, #tpu.memory_space<vmem>>, %arg8: memref<79x128xi32, #tpu.memory_space<vmem>>, %arg9: memref<128x128xf32, #tpu.memory_space<vmem>>, %arg10: memref<10240x128xf32, #tpu.memory_space<vmem_shared>>, %arg11: memref<!tpu.dma_semaphore, #tpu.memory_space<semaphore_mem>>) attributes {dimension_semantics = [#tpu.dimension_semantics<core_parallel>, #tpu.dimension_semantics<subcore_parallel>], iteration_bounds = array<i64: 2, 16>, scalar_prefetch = 0 : i64, scratch_operands = 5 : i64, tpu.core_type = #tpu.core_type<sc_vector_subcore>, window_params = [{transform_indices = #map}, {transform_indices = #map1}, {transform_indices = #map1}, {transform_indices = #map}, {transform_indices = #map1}]} {
    %mul3A = arith.constant 16 : i32
    %mul3A_0 = arith.muli %arg0, %mul3A : i32
    %add3A = arith.addi %mul3A_0, %arg1 : i32
    "tpu.region"() ({
      %run_scoped3A = tpu.sem_alloc : memref<!tpu.dma_semaphore, #tpu.memory_space<semaphore_mem>>
      %dma_start3A = arith.constant 0 : i32
      %dma_start3A_13 = arith.constant 0 : i32
      %dma_start3A_14 = tpu.memref_slice %arg3[%add3A, %dma_start3A, %dma_start3A_13] : memref<32x79x128xi32, #tpu.memory_space<hbm>> -> memref<1x79x128xi32, #tpu.memory_space<hbm>>
      %dma_start3A_15 = tpu.memref_squeeze %dma_start3A_14 : memref<1x79x128xi32, #tpu.memory_space<hbm>> -> memref<79x128xi32, #tpu.memory_space<hbm>>
      %dma_start3A_16 = arith.constant 0 : i32
      %dma_start3A_17 = arith.constant 0 : i32
      %dma_start3A_18 = tpu.memref_slice %arg3[%add3A, %dma_start3A_16, %dma_start3A_17] : memref<32x79x128xi32, #tpu.memory_space<hbm>> -> memref<1x79x128xi32, #tpu.memory_space<hbm>>
      %dma_start3A_19 = tpu.memref_squeeze %dma_start3A_18 : memref<1x79x128xi32, #tpu.memory_space<hbm>> -> memref<79x128xi32, #tpu.memory_space<hbm>>
      tpu.enqueue_dma source(%dma_start3A_19 : memref<79x128xi32, #tpu.memory_space<hbm>>) target(%arg7 : memref<79x128xi32, #tpu.memory_space<vmem>>) target_semaphore(%run_scoped3A : memref<!tpu.dma_semaphore, #tpu.memory_space<semaphore_mem>>)
      %dma_wait3A = arith.constant 0 : i32
      %dma_wait3A_20 = arith.constant 0 : i32
      %dma_wait3A_21 = tpu.memref_slice %arg3[%add3A, %dma_wait3A, %dma_wait3A_20] : memref<32x79x128xi32, #tpu.memory_space<hbm>> -> memref<1x79x128xi32, #tpu.memory_space<hbm>>
      %dma_wait3A_22 = tpu.memref_squeeze %dma_wait3A_21 : memref<1x79x128xi32, #tpu.memory_space<hbm>> -> memref<79x128xi32, #tpu.memory_space<hbm>>
      %dma_wait3A_23 = arith.constant 0 : i32
      %dma_wait3A_24 = arith.constant 0 : i32
      %dma_wait3A_25 = tpu.memref_slice %arg3[%add3A, %dma_wait3A_23, %dma_wait3A_24] : memref<32x79x128xi32, #tpu.memory_space<hbm>> -> memref<1x79x128xi32, #tpu.memory_space<hbm>>
      %dma_wait3A_26 = tpu.memref_squeeze %dma_wait3A_25 : memref<1x79x128xi32, #tpu.memory_space<hbm>> -> memref<79x128xi32, #tpu.memory_space<hbm>>
      tpu.wait_dma2 semaphore(%run_scoped3A : memref<!tpu.dma_semaphore, #tpu.memory_space<semaphore_mem>>) src(%dma_wait3A_26 : memref<79x128xi32, #tpu.memory_space<hbm>>) dst(%arg7 : memref<79x128xi32, #tpu.memory_space<vmem>>)
      tpu.yield
    }) : () -> ()
    "tpu.region"() ({
      %run_scoped3A = tpu.sem_alloc : memref<!tpu.dma_semaphore, #tpu.memory_space<semaphore_mem>>
      %dma_start3A = arith.constant 0 : i32
      %dma_start3A_13 = arith.constant 0 : i32
      %dma_start3A_14 = tpu.memref_slice %arg4[%add3A, %dma_start3A, %dma_start3A_13] : memref<32x79x128xi32, #tpu.memory_space<hbm>> -> memref<1x79x128xi32, #tpu.memory_space<hbm>>
      %dma_start3A_15 = tpu.memref_squeeze %dma_start3A_14 : memref<1x79x128xi32, #tpu.memory_space<hbm>> -> memref<79x128xi32, #tpu.memory_space<hbm>>
      %dma_start3A_16 = arith.constant 0 : i32
      %dma_start3A_17 = arith.constant 0 : i32
      %dma_start3A_18 = tpu.memref_slice %arg4[%add3A, %dma_start3A_16, %dma_start3A_17] : memref<32x79x128xi32, #tpu.memory_space<hbm>> -> memref<1x79x128xi32, #tpu.memory_space<hbm>>
      %dma_start3A_19 = tpu.memref_squeeze %dma_start3A_18 : memref<1x79x128xi32, #tpu.memory_space<hbm>> -> memref<79x128xi32, #tpu.memory_space<hbm>>
      tpu.enqueue_dma source(%dma_start3A_19 : memref<79x128xi32, #tpu.memory_space<hbm>>) target(%arg8 : memref<79x128xi32, #tpu.memory_space<vmem>>) target_semaphore(%run_scoped3A : memref<!tpu.dma_semaphore, #tpu.memory_space<semaphore_mem>>)
      %dma_wait3A = arith.constant 0 : i32
      %dma_wait3A_20 = arith.constant 0 : i32
      %dma_wait3A_21 = tpu.memref_slice %arg4[%add3A, %dma_wait3A, %dma_wait3A_20] : memref<32x79x128xi32, #tpu.memory_space<hbm>> -> memref<1x79x128xi32, #tpu.memory_space<hbm>>
      %dma_wait3A_22 = tpu.memref_squeeze %dma_wait3A_21 : memref<1x79x128xi32, #tpu.memory_space<hbm>> -> memref<79x128xi32, #tpu.memory_space<hbm>>
      %dma_wait3A_23 = arith.constant 0 : i32
      %dma_wait3A_24 = arith.constant 0 : i32
      %dma_wait3A_25 = tpu.memref_slice %arg4[%add3A, %dma_wait3A_23, %dma_wait3A_24] : memref<32x79x128xi32, #tpu.memory_space<hbm>> -> memref<1x79x128xi32, #tpu.memory_space<hbm>>
      %dma_wait3A_26 = tpu.memref_squeeze %dma_wait3A_25 : memref<1x79x128xi32, #tpu.memory_space<hbm>> -> memref<79x128xi32, #tpu.memory_space<hbm>>
      tpu.wait_dma2 semaphore(%run_scoped3A : memref<!tpu.dma_semaphore, #tpu.memory_space<semaphore_mem>>) src(%dma_wait3A_26 : memref<79x128xi32, #tpu.memory_space<hbm>>) dst(%arg8 : memref<79x128xi32, #tpu.memory_space<vmem>>)
      tpu.yield
    }) : () -> ()
    %mul3A_1 = arith.constant 640 : i32
    %mul3A_2 = arith.muli %arg1, %mul3A_1 : i32
    "tpu.region"() ({
      %run_scoped3A = tpu.sem_alloc : memref<!tpu.dma_semaphore, #tpu.memory_space<semaphore_mem>>
      %dma_start3A = arith.constant 0 : i32
      %dma_start3A_13 = tpu.memref_slice %arg10[%mul3A_2, %dma_start3A] : memref<10240x128xf32, #tpu.memory_space<vmem_shared>> -> memref<640x128xf32, #tpu.memory_space<vmem_shared>>
      tpu.enqueue_dma source(%arg5 : memref<640x128xf32, #tpu.memory_space<hbm>>) target(%dma_start3A_13 : memref<640x128xf32, #tpu.memory_space<vmem_shared>>) target_semaphore(%run_scoped3A : memref<!tpu.dma_semaphore, #tpu.memory_space<semaphore_mem>>)
      %dma_wait3A = arith.constant 0 : i32
      %dma_wait3A_14 = tpu.memref_slice %arg10[%mul3A_2, %dma_wait3A] : memref<10240x128xf32, #tpu.memory_space<vmem_shared>> -> memref<640x128xf32, #tpu.memory_space<vmem_shared>>
      tpu.wait_dma2 semaphore(%run_scoped3A : memref<!tpu.dma_semaphore, #tpu.memory_space<semaphore_mem>>) src(%arg5 : memref<640x128xf32, #tpu.memory_space<hbm>>) dst(%dma_wait3A_14 : memref<640x128xf32, #tpu.memory_space<vmem_shared>>)
      tpu.yield
    }) : () -> ()
    %barrier3A = arith.constant 0 : index
    tpu.barrier barrier_id(%barrier3A)
    %scan3A = arith.constant 0 : i32
    %scan3A_3 = arith.constant 0 : i32
    %scan3A_4 = arith.constant 79 : i32
    %scan3A_5 = arith.addi %scan3A_3, %scan3A_4 : i32
    %scan3A_6 = arith.constant 1 : i32
    scf.for %scan3A_13 = %scan3A_3 to %scan3A_5 step %scan3A_6  : i32 {
      %dma_start3A = arith.constant 0 : i32
      %dma_start3A_14 = tpu.memref_slice %arg7[%scan3A_13, %dma_start3A] : memref<79x128xi32, #tpu.memory_space<vmem>> -> memref<1x128xi32, #tpu.memory_space<vmem>>
      %dma_start3A_15 = tpu.memref_squeeze %dma_start3A_14 : memref<1x128xi32, #tpu.memory_space<vmem>> -> memref<128xi32, #tpu.memory_space<vmem>>
      %dma_start3A_16 = arith.constant 0 : i32
      %dma_start3A_17 = arith.constant 0 : i32
      %dma_start3A_18 = tpu.memref_slice %arg2[%dma_start3A_16, %dma_start3A_17] : memref<10240x128xf32, #tpu.memory_space<hbm>> -> memref<10240x128xf32, #tpu.memory_space<hbm>>
      tpu.enqueue_indirect_dma source(%dma_start3A_18 : memref<10240x128xf32, #tpu.memory_space<hbm>>) target(%arg9 : memref<128x128xf32, #tpu.memory_space<vmem>>) offsets(%dma_start3A_15 : memref<128xi32, #tpu.memory_space<vmem>>) semaphore(%arg11 : memref<!tpu.dma_semaphore, #tpu.memory_space<semaphore_mem>>)
      %dma_wait3A = arith.constant 0 : i32
      %dma_wait3A_19 = tpu.memref_slice %arg7[%scan3A_13, %dma_wait3A] : memref<79x128xi32, #tpu.memory_space<vmem>> -> memref<1x128xi32, #tpu.memory_space<vmem>>
      %dma_wait3A_20 = tpu.memref_squeeze %dma_wait3A_19 : memref<1x128xi32, #tpu.memory_space<vmem>> -> memref<128xi32, #tpu.memory_space<vmem>>
      %dma_wait3A_21 = arith.constant 0 : i32
      %dma_wait3A_22 = arith.constant 0 : i32
      %dma_wait3A_23 = tpu.memref_slice %arg2[%dma_wait3A_21, %dma_wait3A_22] : memref<10240x128xf32, #tpu.memory_space<hbm>> -> memref<10240x128xf32, #tpu.memory_space<hbm>>
      tpu.wait_indirect_dma semaphore(%arg11 : memref<!tpu.dma_semaphore, #tpu.memory_space<semaphore_mem>>) src(%dma_wait3A_23 : memref<10240x128xf32, #tpu.memory_space<hbm>>) dst(%arg9 : memref<128x128xf32, #tpu.memory_space<vmem>>)
      "tpu.region"() ({
        %run_scoped3A = tpu.sem_alloc : memref<!tpu.dma_semaphore, #tpu.memory_space<semaphore_mem>>
        %dma_start3A_24 = arith.constant 0 : i32
        %dma_start3A_25 = tpu.memref_slice %arg8[%scan3A_13, %dma_start3A_24] : memref<79x128xi32, #tpu.memory_space<vmem>> -> memref<1x128xi32, #tpu.memory_space<vmem>>
        %dma_start3A_26 = tpu.memref_squeeze %dma_start3A_25 : memref<1x128xi32, #tpu.memory_space<vmem>> -> memref<128xi32, #tpu.memory_space<vmem>>
        %dma_start3A_27 = arith.constant 0 : i32
        %dma_start3A_28 = arith.constant 0 : i32
        %dma_start3A_29 = tpu.memref_slice %arg10[%dma_start3A_27, %dma_start3A_28] : memref<10240x128xf32, #tpu.memory_space<vmem_shared>> -> memref<10240x128xf32, #tpu.memory_space<vmem_shared>>
        tpu.enqueue_indirect_dma source(%arg9 : memref<128x128xf32, #tpu.memory_space<vmem>>) target(%dma_start3A_29 : memref<10240x128xf32, #tpu.memory_space<vmem_shared>>) offsets(%dma_start3A_26 : memref<128xi32, #tpu.memory_space<vmem>>) semaphore(%run_scoped3A : memref<!tpu.dma_semaphore, #tpu.memory_space<semaphore_mem>>) {add = true}
        %dma_wait3A_30 = arith.constant 0 : i32
        %dma_wait3A_31 = tpu.memref_slice %arg8[%scan3A_13, %dma_wait3A_30] : memref<79x128xi32, #tpu.memory_space<vmem>> -> memref<1x128xi32, #tpu.memory_space<vmem>>
        %dma_wait3A_32 = tpu.memref_squeeze %dma_wait3A_31 : memref<1x128xi32, #tpu.memory_space<vmem>> -> memref<128xi32, #tpu.memory_space<vmem>>
        %dma_wait3A_33 = arith.constant 0 : i32
        %dma_wait3A_34 = arith.constant 0 : i32
        %dma_wait3A_35 = tpu.memref_slice %arg10[%dma_wait3A_33, %dma_wait3A_34] : memref<10240x128xf32, #tpu.memory_space<vmem_shared>> -> memref<10240x128xf32, #tpu.memory_space<vmem_shared>>
        tpu.wait_indirect_dma semaphore(%run_scoped3A : memref<!tpu.dma_semaphore, #tpu.memory_space<semaphore_mem>>) src(%arg9 : memref<128x128xf32, #tpu.memory_space<vmem>>) dst(%dma_wait3A_35 : memref<10240x128xf32, #tpu.memory_space<vmem_shared>>)
        tpu.yield
      }) : () -> ()
    }
    %scan3A_7 = arith.constant 79 : i32
    %barrier3A_8 = arith.constant 0 : index
    tpu.barrier barrier_id(%barrier3A_8)
    %mul3A_9 = arith.constant 640 : i32
    %mul3A_10 = arith.muli %arg1, %mul3A_9 : i32
    %mul3A_11 = arith.constant 640 : i32
    %mul3A_12 = arith.muli %arg1, %mul3A_11 : i32
    "tpu.region"() ({
      %run_scoped3A = tpu.sem_alloc : memref<!tpu.dma_semaphore, #tpu.memory_space<semaphore_mem>>
      %dma_start3A = arith.constant 0 : i32
      %dma_start3A_13 = tpu.memref_slice %arg6[%arg0, %mul3A_12, %dma_start3A] : memref<2x10240x128xf32, #tpu.memory_space<hbm>> -> memref<1x640x128xf32, #tpu.memory_space<hbm>>
      %dma_start3A_14 = tpu.memref_squeeze %dma_start3A_13 : memref<1x640x128xf32, #tpu.memory_space<hbm>> -> memref<640x128xf32, #tpu.memory_space<hbm>>
      %dma_start3A_15 = arith.constant 0 : i32
      %dma_start3A_16 = tpu.memref_slice %arg10[%mul3A_10, %dma_start3A_15] : memref<10240x128xf32, #tpu.memory_space<vmem_shared>> -> memref<640x128xf32, #tpu.memory_space<vmem_shared>>
      tpu.enqueue_dma source(%dma_start3A_16 : memref<640x128xf32, #tpu.memory_space<vmem_shared>>) target(%dma_start3A_14 : memref<640x128xf32, #tpu.memory_space<hbm>>) target_semaphore(%run_scoped3A : memref<!tpu.dma_semaphore, #tpu.memory_space<semaphore_mem>>)
      %dma_wait3A = arith.constant 0 : i32
      %dma_wait3A_17 = tpu.memref_slice %arg6[%arg0, %mul3A_12, %dma_wait3A] : memref<2x10240x128xf32, #tpu.memory_space<hbm>> -> memref<1x640x128xf32, #tpu.memory_space<hbm>>
      %dma_wait3A_18 = tpu.memref_squeeze %dma_wait3A_17 : memref<1x640x128xf32, #tpu.memory_space<hbm>> -> memref<640x128xf32, #tpu.memory_space<hbm>>
      %dma_wait3A_19 = arith.constant 0 : i32
      %dma_wait3A_20 = tpu.memref_slice %arg10[%mul3A_10, %dma_wait3A_19] : memref<10240x128xf32, #tpu.memory_space<vmem_shared>> -> memref<640x128xf32, #tpu.memory_space<vmem_shared>>
      tpu.wait_dma2 semaphore(%run_scoped3A : memref<!tpu.dma_semaphore, #tpu.memory_space<semaphore_mem>>) src(%dma_wait3A_20 : memref<640x128xf32, #tpu.memory_space<vmem_shared>>) dst(%dma_wait3A_18 : memref<640x128xf32, #tpu.memory_space<hbm>>)
      tpu.yield
    }) : () -> ()
    return
  }
}

#map = affine_map<(d0, d1) -> (0, 0)>
#map1 = affine_map<(d0, d1) -> (0, 0, 0)>
module attributes {stable_mosaic.version = 14 : i64} {
  func.func @_scatter_body(%arg0: i32, %arg1: i32, %arg2: memref<10240x128xf32, #tpu.memory_space<hbm>>, %arg3: memref<32x79x128xi32, #tpu.memory_space<hbm>>, %arg4: memref<32x79x128xi32, #tpu.memory_space<hbm>>, %arg5: memref<640x128xf32, #tpu.memory_space<hbm>>, %arg6: memref<2x10240x128xf32, #tpu.memory_space<hbm>>, %arg7: memref<79x128xi32, #tpu.memory_space<vmem>>, %arg8: memref<79x128xi32, #tpu.memory_space<vmem>>, %arg9: memref<128x128xf32, #tpu.memory_space<vmem>>, %arg10: memref<10240x128xf32, #tpu.memory_space<vmem_shared>>, %arg11: memref<!tpu.dma_semaphore, #tpu.memory_space<semaphore_mem>>) attributes {dimension_semantics = [#tpu.dimension_semantics<core_parallel>, #tpu.dimension_semantics<subcore_parallel>], iteration_bounds = array<i64: 2, 16>, scalar_prefetch = 0 : i64, scratch_operands = 5 : i64, tpu.core_type = #tpu.core_type<sc_vector_subcore>, window_params = [{transform_indices = #map}, {transform_indices = #map1}, {transform_indices = #map1}, {transform_indices = #map}, {transform_indices = #map1}]} {
    %mul3A = arith.constant 16 : i32
    %mul3A_0 = arith.muli %arg0, %mul3A : i32
    %add3A = arith.addi %mul3A_0, %arg1 : i32
    "tpu.region"() ({
      %run_scoped3A = tpu.sem_alloc : memref<!tpu.dma_semaphore, #tpu.memory_space<semaphore_mem>>
      %dma_start3A = arith.constant 0 : i32
      %dma_start3A_13 = arith.constant 0 : i32
      %dma_start3A_14 = tpu.memref_slice %arg3[%add3A, %dma_start3A, %dma_start3A_13] : memref<32x79x128xi32, #tpu.memory_space<hbm>> -> memref<1x79x128xi32, #tpu.memory_space<hbm>>
      %dma_start3A_15 = tpu.memref_squeeze %dma_start3A_14 : memref<1x79x128xi32, #tpu.memory_space<hbm>> -> memref<79x128xi32, #tpu.memory_space<hbm>>
      %dma_start3A_16 = arith.constant 0 : i32
      %dma_start3A_17 = arith.constant 0 : i32
      %dma_start3A_18 = tpu.memref_slice %arg3[%add3A, %dma_start3A_16, %dma_start3A_17] : memref<32x79x128xi32, #tpu.memory_space<hbm>> -> memref<1x79x128xi32, #tpu.memory_space<hbm>>
      %dma_start3A_19 = tpu.memref_squeeze %dma_start3A_18 : memref<1x79x128xi32, #tpu.memory_space<hbm>> -> memref<79x128xi32, #tpu.memory_space<hbm>>
      tpu.enqueue_dma source(%dma_start3A_19 : memref<79x128xi32, #tpu.memory_space<hbm>>) target(%arg7 : memref<79x128xi32, #tpu.memory_space<vmem>>) target_semaphore(%run_scoped3A : memref<!tpu.dma_semaphore, #tpu.memory_space<semaphore_mem>>)
      %dma_wait3A = arith.constant 0 : i32
      %dma_wait3A_20 = arith.constant 0 : i32
      %dma_wait3A_21 = tpu.memref_slice %arg3[%add3A, %dma_wait3A, %dma_wait3A_20] : memref<32x79x128xi32, #tpu.memory_space<hbm>> -> memref<1x79x128xi32, #tpu.memory_space<hbm>>
      %dma_wait3A_22 = tpu.memref_squeeze %dma_wait3A_21 : memref<1x79x128xi32, #tpu.memory_space<hbm>> -> memref<79x128xi32, #tpu.memory_space<hbm>>
      %dma_wait3A_23 = arith.constant 0 : i32
      %dma_wait3A_24 = arith.constant 0 : i32
      %dma_wait3A_25 = tpu.memref_slice %arg3[%add3A, %dma_wait3A_23, %dma_wait3A_24] : memref<32x79x128xi32, #tpu.memory_space<hbm>> -> memref<1x79x128xi32, #tpu.memory_space<hbm>>
      %dma_wait3A_26 = tpu.memref_squeeze %dma_wait3A_25 : memref<1x79x128xi32, #tpu.memory_space<hbm>> -> memref<79x128xi32, #tpu.memory_space<hbm>>
      tpu.wait_dma2 semaphore(%run_scoped3A : memref<!tpu.dma_semaphore, #tpu.memory_space<semaphore_mem>>) src(%dma_wait3A_26 : memref<79x128xi32, #tpu.memory_space<hbm>>) dst(%arg7 : memref<79x128xi32, #tpu.memory_space<vmem>>)
      tpu.yield
    }) : () -> ()
    "tpu.region"() ({
      %run_scoped3A = tpu.sem_alloc : memref<!tpu.dma_semaphore, #tpu.memory_space<semaphore_mem>>
      %dma_start3A = arith.constant 0 : i32
      %dma_start3A_13 = arith.constant 0 : i32
      %dma_start3A_14 = tpu.memref_slice %arg4[%add3A, %dma_start3A, %dma_start3A_13] : memref<32x79x128xi32, #tpu.memory_space<hbm>> -> memref<1x79x128xi32, #tpu.memory_space<hbm>>
      %dma_start3A_15 = tpu.memref_squeeze %dma_start3A_14 : memref<1x79x128xi32, #tpu.memory_space<hbm>> -> memref<79x128xi32, #tpu.memory_space<hbm>>
      %dma_start3A_16 = arith.constant 0 : i32
      %dma_start3A_17 = arith.constant 0 : i32
      %dma_start3A_18 = tpu.memref_slice %arg4[%add3A, %dma_start3A_16, %dma_start3A_17] : memref<32x79x128xi32, #tpu.memory_space<hbm>> -> memref<1x79x128xi32, #tpu.memory_space<hbm>>
      %dma_start3A_19 = tpu.memref_squeeze %dma_start3A_18 : memref<1x79x128xi32, #tpu.memory_space<hbm>> -> memref<79x128xi32, #tpu.memory_space<hbm>>
      tpu.enqueue_dma source(%dma_start3A_19 : memref<79x128xi32, #tpu.memory_space<hbm>>) target(%arg8 : memref<79x128xi32, #tpu.memory_space<vmem>>) target_semaphore(%run_scoped3A : memref<!tpu.dma_semaphore, #tpu.memory_space<semaphore_mem>>)
      %dma_wait3A = arith.constant 0 : i32
      %dma_wait3A_20 = arith.constant 0 : i32
      %dma_wait3A_21 = tpu.memref_slice %arg4[%add3A, %dma_wait3A, %dma_wait3A_20] : memref<32x79x128xi32, #tpu.memory_space<hbm>> -> memref<1x79x128xi32, #tpu.memory_space<hbm>>
      %dma_wait3A_22 = tpu.memref_squeeze %dma_wait3A_21 : memref<1x79x128xi32, #tpu.memory_space<hbm>> -> memref<79x128xi32, #tpu.memory_space<hbm>>
      %dma_wait3A_23 = arith.constant 0 : i32
      %dma_wait3A_24 = arith.constant 0 : i32
      %dma_wait3A_25 = tpu.memref_slice %arg4[%add3A, %dma_wait3A_23, %dma_wait3A_24] : memref<32x79x128xi32, #tpu.memory_space<hbm>> -> memref<1x79x128xi32, #tpu.memory_space<hbm>>
      %dma_wait3A_26 = tpu.memref_squeeze %dma_wait3A_25 : memref<1x79x128xi32, #tpu.memory_space<hbm>> -> memref<79x128xi32, #tpu.memory_space<hbm>>
      tpu.wait_dma2 semaphore(%run_scoped3A : memref<!tpu.dma_semaphore, #tpu.memory_space<semaphore_mem>>) src(%dma_wait3A_26 : memref<79x128xi32, #tpu.memory_space<hbm>>) dst(%arg8 : memref<79x128xi32, #tpu.memory_space<vmem>>)
      tpu.yield
    }) : () -> ()
    %mul3A_1 = arith.constant 640 : i32
    %mul3A_2 = arith.muli %arg1, %mul3A_1 : i32
    "tpu.region"() ({
      %run_scoped3A = tpu.sem_alloc : memref<!tpu.dma_semaphore, #tpu.memory_space<semaphore_mem>>
      %dma_start3A = arith.constant 0 : i32
      %dma_start3A_13 = tpu.memref_slice %arg10[%mul3A_2, %dma_start3A] : memref<10240x128xf32, #tpu.memory_space<vmem_shared>> -> memref<640x128xf32, #tpu.memory_space<vmem_shared>>
      tpu.enqueue_dma source(%arg5 : memref<640x128xf32, #tpu.memory_space<hbm>>) target(%dma_start3A_13 : memref<640x128xf32, #tpu.memory_space<vmem_shared>>) target_semaphore(%run_scoped3A : memref<!tpu.dma_semaphore, #tpu.memory_space<semaphore_mem>>)
      %dma_wait3A = arith.constant 0 : i32
      %dma_wait3A_14 = tpu.memref_slice %arg10[%mul3A_2, %dma_wait3A] : memref<10240x128xf32, #tpu.memory_space<vmem_shared>> -> memref<640x128xf32, #tpu.memory_space<vmem_shared>>
      tpu.wait_dma2 semaphore(%run_scoped3A : memref<!tpu.dma_semaphore, #tpu.memory_space<semaphore_mem>>) src(%arg5 : memref<640x128xf32, #tpu.memory_space<hbm>>) dst(%dma_wait3A_14 : memref<640x128xf32, #tpu.memory_space<vmem_shared>>)
      tpu.yield
    }) : () -> ()
    %barrier3A = arith.constant 0 : index
    tpu.barrier barrier_id(%barrier3A)
    %scan3A = arith.constant 0 : i32
    %scan3A_3 = arith.constant 0 : i32
    %scan3A_4 = arith.constant 79 : i32
    %scan3A_5 = arith.addi %scan3A_3, %scan3A_4 : i32
    %scan3A_6 = arith.constant 1 : i32
    scf.for %scan3A_13 = %scan3A_3 to %scan3A_5 step %scan3A_6  : i32 {
      %dma_start3A = arith.constant 0 : i32
      %dma_start3A_14 = tpu.memref_slice %arg7[%scan3A_13, %dma_start3A] : memref<79x128xi32, #tpu.memory_space<vmem>> -> memref<1x128xi32, #tpu.memory_space<vmem>>
      %dma_start3A_15 = tpu.memref_squeeze %dma_start3A_14 : memref<1x128xi32, #tpu.memory_space<vmem>> -> memref<128xi32, #tpu.memory_space<vmem>>
      %dma_start3A_16 = arith.constant 0 : i32
      %dma_start3A_17 = arith.constant 0 : i32
      %dma_start3A_18 = tpu.memref_slice %arg2[%dma_start3A_16, %dma_start3A_17] : memref<10240x128xf32, #tpu.memory_space<hbm>> -> memref<10240x128xf32, #tpu.memory_space<hbm>>
      tpu.enqueue_indirect_dma source(%dma_start3A_18 : memref<10240x128xf32, #tpu.memory_space<hbm>>) target(%arg9 : memref<128x128xf32, #tpu.memory_space<vmem>>) offsets(%dma_start3A_15 : memref<128xi32, #tpu.memory_space<vmem>>) semaphore(%arg11 : memref<!tpu.dma_semaphore, #tpu.memory_space<semaphore_mem>>)
      %dma_wait3A = arith.constant 0 : i32
      %dma_wait3A_19 = tpu.memref_slice %arg7[%scan3A_13, %dma_wait3A] : memref<79x128xi32, #tpu.memory_space<vmem>> -> memref<1x128xi32, #tpu.memory_space<vmem>>
      %dma_wait3A_20 = tpu.memref_squeeze %dma_wait3A_19 : memref<1x128xi32, #tpu.memory_space<vmem>> -> memref<128xi32, #tpu.memory_space<vmem>>
      %dma_wait3A_21 = arith.constant 0 : i32
      %dma_wait3A_22 = arith.constant 0 : i32
      %dma_wait3A_23 = tpu.memref_slice %arg2[%dma_wait3A_21, %dma_wait3A_22] : memref<10240x128xf32, #tpu.memory_space<hbm>> -> memref<10240x128xf32, #tpu.memory_space<hbm>>
      tpu.wait_indirect_dma semaphore(%arg11 : memref<!tpu.dma_semaphore, #tpu.memory_space<semaphore_mem>>) src(%dma_wait3A_23 : memref<10240x128xf32, #tpu.memory_space<hbm>>) dst(%arg9 : memref<128x128xf32, #tpu.memory_space<vmem>>)
      "tpu.region"() ({
        %run_scoped3A = tpu.sem_alloc : memref<!tpu.dma_semaphore, #tpu.memory_space<semaphore_mem>>
        %dma_start3A_24 = arith.constant 0 : i32
        %dma_start3A_25 = tpu.memref_slice %arg8[%scan3A_13, %dma_start3A_24] : memref<79x128xi32, #tpu.memory_space<vmem>> -> memref<1x128xi32, #tpu.memory_space<vmem>>
        %dma_start3A_26 = tpu.memref_squeeze %dma_start3A_25 : memref<1x128xi32, #tpu.memory_space<vmem>> -> memref<128xi32, #tpu.memory_space<vmem>>
        %dma_start3A_27 = arith.constant 0 : i32
        %dma_start3A_28 = arith.constant 0 : i32
        %dma_start3A_29 = tpu.memref_slice %arg10[%dma_start3A_27, %dma_start3A_28] : memref<10240x128xf32, #tpu.memory_space<vmem_shared>> -> memref<10240x128xf32, #tpu.memory_space<vmem_shared>>
        tpu.enqueue_indirect_dma source(%arg9 : memref<128x128xf32, #tpu.memory_space<vmem>>) target(%dma_start3A_29 : memref<10240x128xf32, #tpu.memory_space<vmem_shared>>) offsets(%dma_start3A_26 : memref<128xi32, #tpu.memory_space<vmem>>) semaphore(%run_scoped3A : memref<!tpu.dma_semaphore, #tpu.memory_space<semaphore_mem>>) {add = true}
        %dma_wait3A_30 = arith.constant 0 : i32
        %dma_wait3A_31 = tpu.memref_slice %arg8[%scan3A_13, %dma_wait3A_30] : memref<79x128xi32, #tpu.memory_space<vmem>> -> memref<1x128xi32, #tpu.memory_space<vmem>>
        %dma_wait3A_32 = tpu.memref_squeeze %dma_wait3A_31 : memref<1x128xi32, #tpu.memory_space<vmem>> -> memref<128xi32, #tpu.memory_space<vmem>>
        %dma_wait3A_33 = arith.constant 0 : i32
        %dma_wait3A_34 = arith.constant 0 : i32
        %dma_wait3A_35 = tpu.memref_slice %arg10[%dma_wait3A_33, %dma_wait3A_34] : memref<10240x128xf32, #tpu.memory_space<vmem_shared>> -> memref<10240x128xf32, #tpu.memory_space<vmem_shared>>
        tpu.wait_indirect_dma semaphore(%run_scoped3A : memref<!tpu.dma_semaphore, #tpu.memory_space<semaphore_mem>>) src(%arg9 : memref<128x128xf32, #tpu.memory_space<vmem>>) dst(%dma_wait3A_35 : memref<10240x128xf32, #tpu.memory_space<vmem_shared>>)
        tpu.yield
      }) : () -> ()
    }
    %scan3A_7 = arith.constant 79 : i32
    %barrier3A_8 = arith.constant 0 : index
    tpu.barrier barrier_id(%barrier3A_8)
    %mul3A_9 = arith.constant 640 : i32
    %mul3A_10 = arith.muli %arg1, %mul3A_9 : i32
    %mul3A_11 = arith.constant 640 : i32
    %mul3A_12 = arith.muli %arg1, %mul3A_11 : i32
    "tpu.region"() ({
      %run_scoped3A = tpu.sem_alloc : memref<!tpu.dma_semaphore, #tpu.memory_space<semaphore_mem>>
      %dma_start3A = arith.constant 0 : i32
      %dma_start3A_13 = tpu.memref_slice %arg6[%arg0, %mul3A_12, %dma_start3A] : memref<2x10240x128xf32, #tpu.memory_space<hbm>> -> memref<1x640x128xf32, #tpu.memory_space<hbm>>
      %dma_start3A_14 = tpu.memref_squeeze %dma_start3A_13 : memref<1x640x128xf32, #tpu.memory_space<hbm>> -> memref<640x128xf32, #tpu.memory_space<hbm>>
      %dma_start3A_15 = arith.constant 0 : i32
      %dma_start3A_16 = tpu.memref_slice %arg10[%mul3A_10, %dma_start3A_15] : memref<10240x128xf32, #tpu.memory_space<vmem_shared>> -> memref<640x128xf32, #tpu.memory_space<vmem_shared>>
      tpu.enqueue_dma source(%dma_start3A_16 : memref<640x128xf32, #tpu.memory_space<vmem_shared>>) target(%dma_start3A_14 : memref<640x128xf32, #tpu.memory_space<hbm>>) target_semaphore(%run_scoped3A : memref<!tpu.dma_semaphore, #tpu.memory_space<semaphore_mem>>)
      %dma_wait3A = arith.constant 0 : i32
      %dma_wait3A_17 = tpu.memref_slice %arg6[%arg0, %mul3A_12, %dma_wait3A] : memref<2x10240x128xf32, #tpu.memory_space<hbm>> -> memref<1x640x128xf32, #tpu.memory_space<hbm>>
      %dma_wait3A_18 = tpu.memref_squeeze %dma_wait3A_17 : memref<1x640x128xf32, #tpu.memory_space<hbm>> -> memref<640x128xf32, #tpu.memory_space<hbm>>
      %dma_wait3A_19 = arith.constant 0 : i32
      %dma_wait3A_20 = tpu.memref_slice %arg10[%mul3A_10, %dma_wait3A_19] : memref<10240x128xf32, #tpu.memory_space<vmem_shared>> -> memref<640x128xf32, #tpu.memory_space<vmem_shared>>
      tpu.wait_dma2 semaphore(%run_scoped3A : memref<!tpu.dma_semaphore, #tpu.memory_space<semaphore_mem>>) src(%dma_wait3A_20 : memref<640x128xf32, #tpu.memory_space<vmem_shared>>) dst(%dma_wait3A_18 : memref<640x128xf32, #tpu.memory_space<hbm>>)
      tpu.yield
    }) : () -> ()
    return
  }
}

#map = affine_map<(d0, d1) -> (0, 0)>
#map1 = affine_map<(d0, d1) -> (0, 0, 0)>
module attributes {stable_mosaic.version = 14 : i64} {
  func.func @_scatter_body(%arg0: i32, %arg1: i32, %arg2: memref<10240x128xf32, #tpu.memory_space<hbm>>, %arg3: memref<32x79x128xi32, #tpu.memory_space<hbm>>, %arg4: memref<32x79x128xi32, #tpu.memory_space<hbm>>, %arg5: memref<640x128xf32, #tpu.memory_space<hbm>>, %arg6: memref<2x10240x128xf32, #tpu.memory_space<hbm>>, %arg7: memref<79x128xi32, #tpu.memory_space<vmem>>, %arg8: memref<79x128xi32, #tpu.memory_space<vmem>>, %arg9: memref<128x128xf32, #tpu.memory_space<vmem>>, %arg10: memref<10240x128xf32, #tpu.memory_space<vmem_shared>>, %arg11: memref<!tpu.dma_semaphore, #tpu.memory_space<semaphore_mem>>) attributes {dimension_semantics = [#tpu.dimension_semantics<core_parallel>, #tpu.dimension_semantics<subcore_parallel>], iteration_bounds = array<i64: 2, 16>, scalar_prefetch = 0 : i64, scratch_operands = 5 : i64, tpu.core_type = #tpu.core_type<sc_vector_subcore>, window_params = [{transform_indices = #map}, {transform_indices = #map1}, {transform_indices = #map1}, {transform_indices = #map}, {transform_indices = #map1}]} {
    %mul3A = arith.constant 16 : i32
    %mul3A_0 = arith.muli %arg0, %mul3A : i32
    %add3A = arith.addi %mul3A_0, %arg1 : i32
    "tpu.region"() ({
      %run_scoped3A = tpu.sem_alloc : memref<!tpu.dma_semaphore, #tpu.memory_space<semaphore_mem>>
      %dma_start3A = arith.constant 0 : i32
      %dma_start3A_13 = arith.constant 0 : i32
      %dma_start3A_14 = tpu.memref_slice %arg3[%add3A, %dma_start3A, %dma_start3A_13] : memref<32x79x128xi32, #tpu.memory_space<hbm>> -> memref<1x79x128xi32, #tpu.memory_space<hbm>>
      %dma_start3A_15 = tpu.memref_squeeze %dma_start3A_14 : memref<1x79x128xi32, #tpu.memory_space<hbm>> -> memref<79x128xi32, #tpu.memory_space<hbm>>
      %dma_start3A_16 = arith.constant 0 : i32
      %dma_start3A_17 = arith.constant 0 : i32
      %dma_start3A_18 = tpu.memref_slice %arg3[%add3A, %dma_start3A_16, %dma_start3A_17] : memref<32x79x128xi32, #tpu.memory_space<hbm>> -> memref<1x79x128xi32, #tpu.memory_space<hbm>>
      %dma_start3A_19 = tpu.memref_squeeze %dma_start3A_18 : memref<1x79x128xi32, #tpu.memory_space<hbm>> -> memref<79x128xi32, #tpu.memory_space<hbm>>
      tpu.enqueue_dma source(%dma_start3A_19 : memref<79x128xi32, #tpu.memory_space<hbm>>) target(%arg7 : memref<79x128xi32, #tpu.memory_space<vmem>>) target_semaphore(%run_scoped3A : memref<!tpu.dma_semaphore, #tpu.memory_space<semaphore_mem>>)
      %dma_wait3A = arith.constant 0 : i32
      %dma_wait3A_20 = arith.constant 0 : i32
      %dma_wait3A_21 = tpu.memref_slice %arg3[%add3A, %dma_wait3A, %dma_wait3A_20] : memref<32x79x128xi32, #tpu.memory_space<hbm>> -> memref<1x79x128xi32, #tpu.memory_space<hbm>>
      %dma_wait3A_22 = tpu.memref_squeeze %dma_wait3A_21 : memref<1x79x128xi32, #tpu.memory_space<hbm>> -> memref<79x128xi32, #tpu.memory_space<hbm>>
      %dma_wait3A_23 = arith.constant 0 : i32
      %dma_wait3A_24 = arith.constant 0 : i32
      %dma_wait3A_25 = tpu.memref_slice %arg3[%add3A, %dma_wait3A_23, %dma_wait3A_24] : memref<32x79x128xi32, #tpu.memory_space<hbm>> -> memref<1x79x128xi32, #tpu.memory_space<hbm>>
      %dma_wait3A_26 = tpu.memref_squeeze %dma_wait3A_25 : memref<1x79x128xi32, #tpu.memory_space<hbm>> -> memref<79x128xi32, #tpu.memory_space<hbm>>
      tpu.wait_dma2 semaphore(%run_scoped3A : memref<!tpu.dma_semaphore, #tpu.memory_space<semaphore_mem>>) src(%dma_wait3A_26 : memref<79x128xi32, #tpu.memory_space<hbm>>) dst(%arg7 : memref<79x128xi32, #tpu.memory_space<vmem>>)
      tpu.yield
    }) : () -> ()
    "tpu.region"() ({
      %run_scoped3A = tpu.sem_alloc : memref<!tpu.dma_semaphore, #tpu.memory_space<semaphore_mem>>
      %dma_start3A = arith.constant 0 : i32
      %dma_start3A_13 = arith.constant 0 : i32
      %dma_start3A_14 = tpu.memref_slice %arg4[%add3A, %dma_start3A, %dma_start3A_13] : memref<32x79x128xi32, #tpu.memory_space<hbm>> -> memref<1x79x128xi32, #tpu.memory_space<hbm>>
      %dma_start3A_15 = tpu.memref_squeeze %dma_start3A_14 : memref<1x79x128xi32, #tpu.memory_space<hbm>> -> memref<79x128xi32, #tpu.memory_space<hbm>>
      %dma_start3A_16 = arith.constant 0 : i32
      %dma_start3A_17 = arith.constant 0 : i32
      %dma_start3A_18 = tpu.memref_slice %arg4[%add3A, %dma_start3A_16, %dma_start3A_17] : memref<32x79x128xi32, #tpu.memory_space<hbm>> -> memref<1x79x128xi32, #tpu.memory_space<hbm>>
      %dma_start3A_19 = tpu.memref_squeeze %dma_start3A_18 : memref<1x79x128xi32, #tpu.memory_space<hbm>> -> memref<79x128xi32, #tpu.memory_space<hbm>>
      tpu.enqueue_dma source(%dma_start3A_19 : memref<79x128xi32, #tpu.memory_space<hbm>>) target(%arg8 : memref<79x128xi32, #tpu.memory_space<vmem>>) target_semaphore(%run_scoped3A : memref<!tpu.dma_semaphore, #tpu.memory_space<semaphore_mem>>)
      %dma_wait3A = arith.constant 0 : i32
      %dma_wait3A_20 = arith.constant 0 : i32
      %dma_wait3A_21 = tpu.memref_slice %arg4[%add3A, %dma_wait3A, %dma_wait3A_20] : memref<32x79x128xi32, #tpu.memory_space<hbm>> -> memref<1x79x128xi32, #tpu.memory_space<hbm>>
      %dma_wait3A_22 = tpu.memref_squeeze %dma_wait3A_21 : memref<1x79x128xi32, #tpu.memory_space<hbm>> -> memref<79x128xi32, #tpu.memory_space<hbm>>
      %dma_wait3A_23 = arith.constant 0 : i32
      %dma_wait3A_24 = arith.constant 0 : i32
      %dma_wait3A_25 = tpu.memref_slice %arg4[%add3A, %dma_wait3A_23, %dma_wait3A_24] : memref<32x79x128xi32, #tpu.memory_space<hbm>> -> memref<1x79x128xi32, #tpu.memory_space<hbm>>
      %dma_wait3A_26 = tpu.memref_squeeze %dma_wait3A_25 : memref<1x79x128xi32, #tpu.memory_space<hbm>> -> memref<79x128xi32, #tpu.memory_space<hbm>>
      tpu.wait_dma2 semaphore(%run_scoped3A : memref<!tpu.dma_semaphore, #tpu.memory_space<semaphore_mem>>) src(%dma_wait3A_26 : memref<79x128xi32, #tpu.memory_space<hbm>>) dst(%arg8 : memref<79x128xi32, #tpu.memory_space<vmem>>)
      tpu.yield
    }) : () -> ()
    %mul3A_1 = arith.constant 640 : i32
    %mul3A_2 = arith.muli %arg1, %mul3A_1 : i32
    "tpu.region"() ({
      %run_scoped3A = tpu.sem_alloc : memref<!tpu.dma_semaphore, #tpu.memory_space<semaphore_mem>>
      %dma_start3A = arith.constant 0 : i32
      %dma_start3A_13 = tpu.memref_slice %arg10[%mul3A_2, %dma_start3A] : memref<10240x128xf32, #tpu.memory_space<vmem_shared>> -> memref<640x128xf32, #tpu.memory_space<vmem_shared>>
      tpu.enqueue_dma source(%arg5 : memref<640x128xf32, #tpu.memory_space<hbm>>) target(%dma_start3A_13 : memref<640x128xf32, #tpu.memory_space<vmem_shared>>) target_semaphore(%run_scoped3A : memref<!tpu.dma_semaphore, #tpu.memory_space<semaphore_mem>>)
      %dma_wait3A = arith.constant 0 : i32
      %dma_wait3A_14 = tpu.memref_slice %arg10[%mul3A_2, %dma_wait3A] : memref<10240x128xf32, #tpu.memory_space<vmem_shared>> -> memref<640x128xf32, #tpu.memory_space<vmem_shared>>
      tpu.wait_dma2 semaphore(%run_scoped3A : memref<!tpu.dma_semaphore, #tpu.memory_space<semaphore_mem>>) src(%arg5 : memref<640x128xf32, #tpu.memory_space<hbm>>) dst(%dma_wait3A_14 : memref<640x128xf32, #tpu.memory_space<vmem_shared>>)
      tpu.yield
    }) : () -> ()
    %barrier3A = arith.constant 0 : index
    tpu.barrier barrier_id(%barrier3A)
    %scan3A = arith.constant 0 : i32
    %scan3A_3 = arith.constant 0 : i32
    %scan3A_4 = arith.constant 79 : i32
    %scan3A_5 = arith.addi %scan3A_3, %scan3A_4 : i32
    %scan3A_6 = arith.constant 1 : i32
    scf.for %scan3A_13 = %scan3A_3 to %scan3A_5 step %scan3A_6  : i32 {
      %dma_start3A = arith.constant 0 : i32
      %dma_start3A_14 = tpu.memref_slice %arg7[%scan3A_13, %dma_start3A] : memref<79x128xi32, #tpu.memory_space<vmem>> -> memref<1x128xi32, #tpu.memory_space<vmem>>
      %dma_start3A_15 = tpu.memref_squeeze %dma_start3A_14 : memref<1x128xi32, #tpu.memory_space<vmem>> -> memref<128xi32, #tpu.memory_space<vmem>>
      %dma_start3A_16 = arith.constant 0 : i32
      %dma_start3A_17 = arith.constant 0 : i32
      %dma_start3A_18 = tpu.memref_slice %arg2[%dma_start3A_16, %dma_start3A_17] : memref<10240x128xf32, #tpu.memory_space<hbm>> -> memref<10240x128xf32, #tpu.memory_space<hbm>>
      tpu.enqueue_indirect_dma source(%dma_start3A_18 : memref<10240x128xf32, #tpu.memory_space<hbm>>) target(%arg9 : memref<128x128xf32, #tpu.memory_space<vmem>>) offsets(%dma_start3A_15 : memref<128xi32, #tpu.memory_space<vmem>>) semaphore(%arg11 : memref<!tpu.dma_semaphore, #tpu.memory_space<semaphore_mem>>)
      %dma_wait3A = arith.constant 0 : i32
      %dma_wait3A_19 = tpu.memref_slice %arg7[%scan3A_13, %dma_wait3A] : memref<79x128xi32, #tpu.memory_space<vmem>> -> memref<1x128xi32, #tpu.memory_space<vmem>>
      %dma_wait3A_20 = tpu.memref_squeeze %dma_wait3A_19 : memref<1x128xi32, #tpu.memory_space<vmem>> -> memref<128xi32, #tpu.memory_space<vmem>>
      %dma_wait3A_21 = arith.constant 0 : i32
      %dma_wait3A_22 = arith.constant 0 : i32
      %dma_wait3A_23 = tpu.memref_slice %arg2[%dma_wait3A_21, %dma_wait3A_22] : memref<10240x128xf32, #tpu.memory_space<hbm>> -> memref<10240x128xf32, #tpu.memory_space<hbm>>
      tpu.wait_indirect_dma semaphore(%arg11 : memref<!tpu.dma_semaphore, #tpu.memory_space<semaphore_mem>>) src(%dma_wait3A_23 : memref<10240x128xf32, #tpu.memory_space<hbm>>) dst(%arg9 : memref<128x128xf32, #tpu.memory_space<vmem>>)
      "tpu.region"() ({
        %run_scoped3A = tpu.sem_alloc : memref<!tpu.dma_semaphore, #tpu.memory_space<semaphore_mem>>
        %dma_start3A_24 = arith.constant 0 : i32
        %dma_start3A_25 = tpu.memref_slice %arg8[%scan3A_13, %dma_start3A_24] : memref<79x128xi32, #tpu.memory_space<vmem>> -> memref<1x128xi32, #tpu.memory_space<vmem>>
        %dma_start3A_26 = tpu.memref_squeeze %dma_start3A_25 : memref<1x128xi32, #tpu.memory_space<vmem>> -> memref<128xi32, #tpu.memory_space<vmem>>
        %dma_start3A_27 = arith.constant 0 : i32
        %dma_start3A_28 = arith.constant 0 : i32
        %dma_start3A_29 = tpu.memref_slice %arg10[%dma_start3A_27, %dma_start3A_28] : memref<10240x128xf32, #tpu.memory_space<vmem_shared>> -> memref<10240x128xf32, #tpu.memory_space<vmem_shared>>
        tpu.enqueue_indirect_dma source(%arg9 : memref<128x128xf32, #tpu.memory_space<vmem>>) target(%dma_start3A_29 : memref<10240x128xf32, #tpu.memory_space<vmem_shared>>) offsets(%dma_start3A_26 : memref<128xi32, #tpu.memory_space<vmem>>) semaphore(%run_scoped3A : memref<!tpu.dma_semaphore, #tpu.memory_space<semaphore_mem>>) {add = true}
        %dma_wait3A_30 = arith.constant 0 : i32
        %dma_wait3A_31 = tpu.memref_slice %arg8[%scan3A_13, %dma_wait3A_30] : memref<79x128xi32, #tpu.memory_space<vmem>> -> memref<1x128xi32, #tpu.memory_space<vmem>>
        %dma_wait3A_32 = tpu.memref_squeeze %dma_wait3A_31 : memref<1x128xi32, #tpu.memory_space<vmem>> -> memref<128xi32, #tpu.memory_space<vmem>>
        %dma_wait3A_33 = arith.constant 0 : i32
        %dma_wait3A_34 = arith.constant 0 : i32
        %dma_wait3A_35 = tpu.memref_slice %arg10[%dma_wait3A_33, %dma_wait3A_34] : memref<10240x128xf32, #tpu.memory_space<vmem_shared>> -> memref<10240x128xf32, #tpu.memory_space<vmem_shared>>
        tpu.wait_indirect_dma semaphore(%run_scoped3A : memref<!tpu.dma_semaphore, #tpu.memory_space<semaphore_mem>>) src(%arg9 : memref<128x128xf32, #tpu.memory_space<vmem>>) dst(%dma_wait3A_35 : memref<10240x128xf32, #tpu.memory_space<vmem_shared>>)
        tpu.yield
      }) : () -> ()
    }
    %scan3A_7 = arith.constant 79 : i32
    %barrier3A_8 = arith.constant 0 : index
    tpu.barrier barrier_id(%barrier3A_8)
    %mul3A_9 = arith.constant 640 : i32
    %mul3A_10 = arith.muli %arg1, %mul3A_9 : i32
    %mul3A_11 = arith.constant 640 : i32
    %mul3A_12 = arith.muli %arg1, %mul3A_11 : i32
    "tpu.region"() ({
      %run_scoped3A = tpu.sem_alloc : memref<!tpu.dma_semaphore, #tpu.memory_space<semaphore_mem>>
      %dma_start3A = arith.constant 0 : i32
      %dma_start3A_13 = tpu.memref_slice %arg6[%arg0, %mul3A_12, %dma_start3A] : memref<2x10240x128xf32, #tpu.memory_space<hbm>> -> memref<1x640x128xf32, #tpu.memory_space<hbm>>
      %dma_start3A_14 = tpu.memref_squeeze %dma_start3A_13 : memref<1x640x128xf32, #tpu.memory_space<hbm>> -> memref<640x128xf32, #tpu.memory_space<hbm>>
      %dma_start3A_15 = arith.constant 0 : i32
      %dma_start3A_16 = tpu.memref_slice %arg10[%mul3A_10, %dma_start3A_15] : memref<10240x128xf32, #tpu.memory_space<vmem_shared>> -> memref<640x128xf32, #tpu.memory_space<vmem_shared>>
      tpu.enqueue_dma source(%dma_start3A_16 : memref<640x128xf32, #tpu.memory_space<vmem_shared>>) target(%dma_start3A_14 : memref<640x128xf32, #tpu.memory_space<hbm>>) target_semaphore(%run_scoped3A : memref<!tpu.dma_semaphore, #tpu.memory_space<semaphore_mem>>)
      %dma_wait3A = arith.constant 0 : i32
      %dma_wait3A_17 = tpu.memref_slice %arg6[%arg0, %mul3A_12, %dma_wait3A] : memref<2x10240x128xf32, #tpu.memory_space<hbm>> -> memref<1x640x128xf32, #tpu.memory_space<hbm>>
      %dma_wait3A_18 = tpu.memref_squeeze %dma_wait3A_17 : memref<1x640x128xf32, #tpu.memory_space<hbm>> -> memref<640x128xf32, #tpu.memory_space<hbm>>
      %dma_wait3A_19 = arith.constant 0 : i32
      %dma_wait3A_20 = tpu.memref_slice %arg10[%mul3A_10, %dma_wait3A_19] : memref<10240x128xf32, #tpu.memory_space<vmem_shared>> -> memref<640x128xf32, #tpu.memory_space<vmem_shared>>
      tpu.wait_dma2 semaphore(%run_scoped3A : memref<!tpu.dma_semaphore, #tpu.memory_space<semaphore_mem>>) src(%dma_wait3A_20 : memref<640x128xf32, #tpu.memory_space<vmem_shared>>) dst(%dma_wait3A_18 : memref<640x128xf32, #tpu.memory_space<hbm>>)
      tpu.yield
    }) : () -> ()
    return
  }
}

module attributes {stable_mosaic.version = 14 : i64} {
  func.func @_dinv_body(%arg0: memref<2x10240x128xf32, #tpu.memory_space<vmem>>, %arg1: memref<10240x1xf32, #tpu.memory_space<vmem>>) attributes {dimension_semantics = [], scalar_prefetch = 0 : i64, scratch_operands = 0 : i64, tpu.core_type = #tpu.core_type<tc>} {
    %get3A = arith.constant 0 : index
    %get3A_0 = arith.constant 0 : index
    %get3A_1 = arith.constant 0 : index
    %get3A_2 = vector.load %arg0[%get3A, %get3A_0, %get3A_1] : memref<2x10240x128xf32, #tpu.memory_space<vmem>>, vector<1x10240x128xf32>
    %get3A_3 = vector.shape_cast %get3A_2 : vector<1x10240x128xf32> to vector<10240x128xf32>
    %slice3A = vector.extract_strided_slice %get3A_3 {offsets = [0, 0], sizes = [10240, 1], strides = [1, 1]} : vector<10240x128xf32> to vector<10240x1xf32>
    %get3A_4 = arith.constant 1 : index
    %get3A_5 = arith.constant 0 : index
    %get3A_6 = arith.constant 0 : index
    %get3A_7 = vector.load %arg0[%get3A_4, %get3A_5, %get3A_6] : memref<2x10240x128xf32, #tpu.memory_space<vmem>>, vector<1x10240x128xf32>
    %get3A_8 = vector.shape_cast %get3A_7 : vector<1x10240x128xf32> to vector<10240x128xf32>
    %slice3A_9 = vector.extract_strided_slice %get3A_8 {offsets = [0, 0], sizes = [10240, 1], strides = [1, 1]} : vector<10240x128xf32> to vector<10240x1xf32>
    %add3A = arith.addf %slice3A, %slice3A_9 : vector<10240x1xf32>
    %add3A_10 = arith.constant 1.000000e+00 : f32
    %add3A_11 = vector.broadcast %add3A_10 : f32 to vector<10240x1xf32>
    %add3A_12 = arith.addf %add3A, %add3A_11 : vector<10240x1xf32>
    %iota3A = tpu.iota {dimensions = array<i32: 0>} : vector<10240x1xi32>
    %lt3A = arith.constant 10000 : i32
    %lt3A_13 = vector.broadcast %lt3A : i32 to vector<10240x1xi32>
    %lt3A_14 = arith.cmpi slt, %iota3A, %lt3A_13 : vector<10240x1xi32>
    %convert_element_type3A = arith.extui %lt3A_14 : vector<10240x1xi1> to vector<10240x1xi32>
    %convert_element_type3A_15 = arith.sitofp %convert_element_type3A : vector<10240x1xi32> to vector<10240x1xf32>
    %rsqrt3A = math.rsqrt %add3A_12 : vector<10240x1xf32>
    %mul3A = arith.mulf %rsqrt3A, %convert_element_type3A_15 : vector<10240x1xf32>
    %swap3A = arith.constant 0 : index
    %swap3A_16 = arith.constant 0 : index
    %swap3A_17 = vector.load %arg1[%swap3A, %swap3A_16] : memref<10240x1xf32, #tpu.memory_space<vmem>>, vector<10240x1xf32>
    tpu.vector_store %arg1[%swap3A, %swap3A_16], %mul3A {strides = array<i32>} : memref<10240x1xf32, #tpu.memory_space<vmem>>, vector<10240x1xf32>,
    return
  }
}

module attributes {stable_mosaic.version = 14 : i64} {
  func.func @_layer_body(%arg0: memref<2x10240x128xf32, #tpu.memory_space<vmem>>, %arg1: memref<10240x128xf32, #tpu.memory_space<vmem>>, %arg2: memref<10240x1xf32, #tpu.memory_space<vmem>>, %arg3: memref<1x128xf32, #tpu.memory_space<vmem>>, %arg4: memref<1x128xf32, #tpu.memory_space<vmem>>, %arg5: memref<1x128xf32, #tpu.memory_space<vmem>>, %arg6: memref<128x128xf32, #tpu.memory_space<vmem>>, %arg7: memref<10240x128xf32, #tpu.memory_space<vmem>>, %arg8: memref<10240x128xf32, #tpu.memory_space<vmem>>) attributes {dimension_semantics = [], scalar_prefetch = 0 : i64, scratch_operands = 0 : i64, tpu.core_type = #tpu.core_type<tc>} {
    %get3A = arith.constant 0 : index
    %get3A_0 = arith.constant 0 : index
    %get3A_1 = arith.constant 0 : index
    %get3A_2 = vector.load %arg0[%get3A, %get3A_0, %get3A_1] : memref<2x10240x128xf32, #tpu.memory_space<vmem>>, vector<1x10240x128xf32>
    %get3A_3 = vector.shape_cast %get3A_2 : vector<1x10240x128xf32> to vector<10240x128xf32>
    %get3A_4 = arith.constant 1 : index
    %get3A_5 = arith.constant 0 : index
    %get3A_6 = arith.constant 0 : index
    %get3A_7 = vector.load %arg0[%get3A_4, %get3A_5, %get3A_6] : memref<2x10240x128xf32, #tpu.memory_space<vmem>>, vector<1x10240x128xf32>
    %get3A_8 = vector.shape_cast %get3A_7 : vector<1x10240x128xf32> to vector<10240x128xf32>
    %add3A = arith.addf %get3A_3, %get3A_8 : vector<10240x128xf32>
    %get3A_9 = arith.constant 0 : index
    %get3A_10 = arith.constant 0 : index
    %get3A_11 = vector.load %arg1[%get3A_9, %get3A_10] : memref<10240x128xf32, #tpu.memory_space<vmem>>, vector<10240x128xf32>
    %add3A_12 = arith.addf %add3A, %get3A_11 : vector<10240x128xf32>
    %get3A_13 = arith.constant 0 : index
    %get3A_14 = arith.constant 0 : index
    %get3A_15 = vector.load %arg2[%get3A_13, %get3A_14] : memref<10240x1xf32, #tpu.memory_space<vmem>>, vector<10240x1xf32>
    %mul3A = vector.broadcast %get3A_15 : vector<10240x1xf32> to vector<10240x128xf32>
    %mul3A_16 = arith.mulf %mul3A, %add3A_12 : vector<10240x128xf32>
    %get3A_17 = arith.constant 0 : index
    %get3A_18 = arith.constant 0 : index
    %get3A_19 = vector.load %arg3[%get3A_17, %get3A_18] : memref<1x128xf32, #tpu.memory_space<vmem>>, vector<1x128xf32>
    %add3A_20 = vector.broadcast %get3A_19 : vector<1x128xf32> to vector<10240x128xf32>
    %add3A_21 = arith.addf %mul3A_16, %add3A_20 : vector<10240x128xf32>
    %iota3A = tpu.iota {dimensions = array<i32: 0>} : vector<10240x128xi32>
    %lt3A = arith.constant 10000 : i32
    %lt3A_22 = vector.broadcast %lt3A : i32 to vector<10240x128xi32>
    %lt3A_23 = arith.cmpi slt, %iota3A, %lt3A_22 : vector<10240x128xi32>
    %convert_element_type3A = arith.extui %lt3A_23 : vector<10240x128xi1> to vector<10240x128xi32>
    %convert_element_type3A_24 = arith.sitofp %convert_element_type3A : vector<10240x128xi32> to vector<10240x128xf32>
    %mul3A_25 = arith.mulf %add3A_21, %convert_element_type3A_24 : vector<10240x128xf32>
    %reduce_sum3A = arith.constant dense<0.000000e+00> : vector<128xf32>
    %reduce_sum3A_26 = vector.multi_reduction <add>, %mul3A_25, %reduce_sum3A [0] : vector<10240x128xf32> to vector<128xf32>
    %broadcast_in_dim3A = vector.shape_cast %reduce_sum3A_26 : vector<128xf32> to vector<1x128xf32>
    %mul3A_27 = arith.constant 9.99999974E-5 : f32
    %mul3A_28 = vector.broadcast %mul3A_27 : f32 to vector<1x128xf32>
    %mul3A_29 = arith.mulf %broadcast_in_dim3A, %mul3A_28 : vector<1x128xf32>
    %mul3A_30 = arith.mulf %mul3A_25, %mul3A_25 : vector<10240x128xf32>
    %reduce_sum3A_31 = arith.constant dense<0.000000e+00> : vector<128xf32>
    %reduce_sum3A_32 = vector.multi_reduction <add>, %mul3A_30, %reduce_sum3A_31 [0] : vector<10240x128xf32> to vector<128xf32>
    %broadcast_in_dim3A_33 = vector.shape_cast %reduce_sum3A_32 : vector<128xf32> to vector<1x128xf32>
    %mul3A_34 = arith.constant 9.99999974E-5 : f32
    %mul3A_35 = vector.broadcast %mul3A_34 : f32 to vector<1x128xf32>
    %mul3A_36 = arith.mulf %broadcast_in_dim3A_33, %mul3A_35 : vector<1x128xf32>
    %mul3A_37 = arith.mulf %mul3A_29, %mul3A_29 : vector<1x128xf32>
    %sub3A = arith.subf %mul3A_36, %mul3A_37 : vector<1x128xf32>
    %add3A_38 = arith.constant 9.99999974E-6 : f32
    %add3A_39 = vector.broadcast %add3A_38 : f32 to vector<1x128xf32>
    %add3A_40 = arith.addf %sub3A, %add3A_39 : vector<1x128xf32>
    %rsqrt3A = math.rsqrt %add3A_40 : vector<1x128xf32>
    %sub3A_41 = vector.broadcast %mul3A_29 : vector<1x128xf32> to vector<10240x128xf32>
    %sub3A_42 = arith.subf %mul3A_25, %sub3A_41 : vector<10240x128xf32>
    %mul3A_43 = vector.broadcast %rsqrt3A : vector<1x128xf32> to vector<10240x128xf32>
    %mul3A_44 = arith.mulf %sub3A_42, %mul3A_43 : vector<10240x128xf32>
    %get3A_45 = arith.constant 0 : index
    %get3A_46 = arith.constant 0 : index
    %get3A_47 = vector.load %arg4[%get3A_45, %get3A_46] : memref<1x128xf32, #tpu.memory_space<vmem>>, vector<1x128xf32>
    %mul3A_48 = vector.broadcast %get3A_47 : vector<1x128xf32> to vector<10240x128xf32>
    %mul3A_49 = arith.mulf %mul3A_44, %mul3A_48 : vector<10240x128xf32>
    %get3A_50 = arith.constant 0 : index
    %get3A_51 = arith.constant 0 : index
    %get3A_52 = vector.load %arg5[%get3A_50, %get3A_51] : memref<1x128xf32, #tpu.memory_space<vmem>>, vector<1x128xf32>
    %add3A_53 = vector.broadcast %get3A_52 : vector<1x128xf32> to vector<10240x128xf32>
    %add3A_54 = arith.addf %mul3A_49, %add3A_53 : vector<10240x128xf32>
    %swap3A = arith.constant 0 : index
    %swap3A_55 = arith.constant 0 : index
    %swap3A_56 = vector.load %arg7[%swap3A, %swap3A_55] : memref<10240x128xf32, #tpu.memory_space<vmem>>, vector<10240x128xf32>
    tpu.vector_store %arg7[%swap3A, %swap3A_55], %add3A_54 {strides = array<i32>} : memref<10240x128xf32, #tpu.memory_space<vmem>>, vector<10240x128xf32>,
    %max3A = arith.constant 0.000000e+00 : f32
    %max3A_57 = vector.broadcast %max3A : f32 to vector<10240x128xf32>
    %max3A_58 = arith.maximumf %add3A_54, %max3A_57 : vector<10240x128xf32>
    %get3A_59 = arith.constant 0 : index
    %get3A_60 = arith.constant 0 : index
    %get3A_61 = vector.load %arg6[%get3A_59, %get3A_60] : memref<128x128xf32, #tpu.memory_space<vmem>>, vector<128x128xf32>
    %dot_general3A = arith.constant dense<0.000000e+00> : vector<10240x128xf32>
    %dot_general3A_62 = tpu.matmul %max3A_58, %get3A_61, %dot_general3A {dimension_numbers = #tpu.dot_dimension_numbers<[1], [0], [0], [1], [0, 0, 1, 1], [], []>, transpose_lhs_hint = false} : vector<10240x128xf32>, vector<128x128xf32>, vector<10240x128xf32> -> vector<10240x128xf32>
    %get3A_63 = arith.constant 0 : index
    %get3A_64 = arith.constant 0 : index
    %get3A_65 = vector.load %arg2[%get3A_63, %get3A_64] : memref<10240x1xf32, #tpu.memory_space<vmem>>, vector<10240x1xf32>
    %mul3A_66 = vector.broadcast %get3A_65 : vector<10240x1xf32> to vector<10240x128xf32>
    %mul3A_67 = arith.mulf %dot_general3A_62, %mul3A_66 : vector<10240x128xf32>
    %swap3A_68 = arith.constant 0 : index
    %swap3A_69 = arith.constant 0 : index
    %swap3A_70 = vector.load %arg8[%swap3A_68, %swap3A_69] : memref<10240x128xf32, #tpu.memory_space<vmem>>, vector<10240x128xf32>
    tpu.vector_store %arg8[%swap3A_68, %swap3A_69], %mul3A_67 {strides = array<i32>} : memref<10240x128xf32, #tpu.memory_space<vmem>>, vector<10240x128xf32>,
    return
  }
}

module attributes {stable_mosaic.version = 14 : i64} {
  func.func @_s0_body(%arg0: memref<10240x128xf32, #tpu.memory_space<vmem>>, %arg1: memref<128x128xf32, #tpu.memory_space<vmem>>, %arg2: memref<10240x1xf32, #tpu.memory_space<vmem>>, %arg3: memref<10240x128xf32, #tpu.memory_space<vmem>>) attributes {dimension_semantics = [], scalar_prefetch = 0 : i64, scratch_operands = 0 : i64, tpu.core_type = #tpu.core_type<tc>} {
    %get3A = arith.constant 0 : index
    %get3A_0 = arith.constant 0 : index
    %get3A_1 = vector.load %arg0[%get3A, %get3A_0] : memref<10240x128xf32, #tpu.memory_space<vmem>>, vector<10240x128xf32>
    %get3A_2 = arith.constant 0 : index
    %get3A_3 = arith.constant 0 : index
    %get3A_4 = vector.load %arg1[%get3A_2, %get3A_3] : memref<128x128xf32, #tpu.memory_space<vmem>>, vector<128x128xf32>
    %dot_general3A = arith.constant dense<0.000000e+00> : vector<10240x128xf32>
    %dot_general3A_5 = tpu.matmul %get3A_1, %get3A_4, %dot_general3A {dimension_numbers = #tpu.dot_dimension_numbers<[1], [0], [0], [1], [0, 0, 1, 1], [], []>, transpose_lhs_hint = false} : vector<10240x128xf32>, vector<128x128xf32>, vector<10240x128xf32> -> vector<10240x128xf32>
    %get3A_6 = arith.constant 0 : index
    %get3A_7 = arith.constant 0 : index
    %get3A_8 = vector.load %arg2[%get3A_6, %get3A_7] : memref<10240x1xf32, #tpu.memory_space<vmem>>, vector<10240x1xf32>
    %mul3A = vector.broadcast %get3A_8 : vector<10240x1xf32> to vector<10240x128xf32>
    %mul3A_9 = arith.mulf %dot_general3A_5, %mul3A : vector<10240x128xf32>
    %swap3A = arith.constant 0 : index
    %swap3A_10 = arith.constant 0 : index
    %swap3A_11 = vector.load %arg3[%swap3A, %swap3A_10] : memref<10240x128xf32, #tpu.memory_space<vmem>>, vector<10240x128xf32>
    tpu.vector_store %arg3[%swap3A, %swap3A_10], %mul3A_9 {strides = array<i32>} : memref<10240x128xf32, #tpu.memory_space<vmem>>, vector<10240x128xf32>,
    return
  }
}

module attributes {stable_mosaic.version = 14 : i64} {
  func.func @_layer_body(%arg0: memref<2x10240x128xf32, #tpu.memory_space<vmem>>, %arg1: memref<10240x128xf32, #tpu.memory_space<vmem>>, %arg2: memref<10240x1xf32, #tpu.memory_space<vmem>>, %arg3: memref<1x128xf32, #tpu.memory_space<vmem>>, %arg4: memref<1x128xf32, #tpu.memory_space<vmem>>, %arg5: memref<1x128xf32, #tpu.memory_space<vmem>>, %arg6: memref<128x128xf32, #tpu.memory_space<vmem>>, %arg7: memref<10240x128xf32, #tpu.memory_space<vmem>>, %arg8: memref<10240x128xf32, #tpu.memory_space<vmem>>) attributes {dimension_semantics = [], scalar_prefetch = 0 : i64, scratch_operands = 0 : i64, tpu.core_type = #tpu.core_type<tc>} {
    %get3A = arith.constant 0 : index
    %get3A_0 = arith.constant 0 : index
    %get3A_1 = arith.constant 0 : index
    %get3A_2 = vector.load %arg0[%get3A, %get3A_0, %get3A_1] : memref<2x10240x128xf32, #tpu.memory_space<vmem>>, vector<1x10240x128xf32>
    %get3A_3 = vector.shape_cast %get3A_2 : vector<1x10240x128xf32> to vector<10240x128xf32>
    %get3A_4 = arith.constant 1 : index
    %get3A_5 = arith.constant 0 : index
    %get3A_6 = arith.constant 0 : index
    %get3A_7 = vector.load %arg0[%get3A_4, %get3A_5, %get3A_6] : memref<2x10240x128xf32, #tpu.memory_space<vmem>>, vector<1x10240x128xf32>
    %get3A_8 = vector.shape_cast %get3A_7 : vector<1x10240x128xf32> to vector<10240x128xf32>
    %add3A = arith.addf %get3A_3, %get3A_8 : vector<10240x128xf32>
    %get3A_9 = arith.constant 0 : index
    %get3A_10 = arith.constant 0 : index
    %get3A_11 = vector.load %arg1[%get3A_9, %get3A_10] : memref<10240x128xf32, #tpu.memory_space<vmem>>, vector<10240x128xf32>
    %add3A_12 = arith.addf %add3A, %get3A_11 : vector<10240x128xf32>
    %get3A_13 = arith.constant 0 : index
    %get3A_14 = arith.constant 0 : index
    %get3A_15 = vector.load %arg2[%get3A_13, %get3A_14] : memref<10240x1xf32, #tpu.memory_space<vmem>>, vector<10240x1xf32>
    %mul3A = vector.broadcast %get3A_15 : vector<10240x1xf32> to vector<10240x128xf32>
    %mul3A_16 = arith.mulf %mul3A, %add3A_12 : vector<10240x128xf32>
    %get3A_17 = arith.constant 0 : index
    %get3A_18 = arith.constant 0 : index
    %get3A_19 = vector.load %arg3[%get3A_17, %get3A_18] : memref<1x128xf32, #tpu.memory_space<vmem>>, vector<1x128xf32>
    %add3A_20 = vector.broadcast %get3A_19 : vector<1x128xf32> to vector<10240x128xf32>
    %add3A_21 = arith.addf %mul3A_16, %add3A_20 : vector<10240x128xf32>
    %iota3A = tpu.iota {dimensions = array<i32: 0>} : vector<10240x128xi32>
    %lt3A = arith.constant 10000 : i32
    %lt3A_22 = vector.broadcast %lt3A : i32 to vector<10240x128xi32>
    %lt3A_23 = arith.cmpi slt, %iota3A, %lt3A_22 : vector<10240x128xi32>
    %convert_element_type3A = arith.extui %lt3A_23 : vector<10240x128xi1> to vector<10240x128xi32>
    %convert_element_type3A_24 = arith.sitofp %convert_element_type3A : vector<10240x128xi32> to vector<10240x128xf32>
    %mul3A_25 = arith.mulf %add3A_21, %convert_element_type3A_24 : vector<10240x128xf32>
    %reduce_sum3A = arith.constant dense<0.000000e+00> : vector<128xf32>
    %reduce_sum3A_26 = vector.multi_reduction <add>, %mul3A_25, %reduce_sum3A [0] : vector<10240x128xf32> to vector<128xf32>
    %broadcast_in_dim3A = vector.shape_cast %reduce_sum3A_26 : vector<128xf32> to vector<1x128xf32>
    %mul3A_27 = arith.constant 9.99999974E-5 : f32
    %mul3A_28 = vector.broadcast %mul3A_27 : f32 to vector<1x128xf32>
    %mul3A_29 = arith.mulf %broadcast_in_dim3A, %mul3A_28 : vector<1x128xf32>
    %mul3A_30 = arith.mulf %mul3A_25, %mul3A_25 : vector<10240x128xf32>
    %reduce_sum3A_31 = arith.constant dense<0.000000e+00> : vector<128xf32>
    %reduce_sum3A_32 = vector.multi_reduction <add>, %mul3A_30, %reduce_sum3A_31 [0] : vector<10240x128xf32> to vector<128xf32>
    %broadcast_in_dim3A_33 = vector.shape_cast %reduce_sum3A_32 : vector<128xf32> to vector<1x128xf32>
    %mul3A_34 = arith.constant 9.99999974E-5 : f32
    %mul3A_35 = vector.broadcast %mul3A_34 : f32 to vector<1x128xf32>
    %mul3A_36 = arith.mulf %broadcast_in_dim3A_33, %mul3A_35 : vector<1x128xf32>
    %mul3A_37 = arith.mulf %mul3A_29, %mul3A_29 : vector<1x128xf32>
    %sub3A = arith.subf %mul3A_36, %mul3A_37 : vector<1x128xf32>
    %add3A_38 = arith.constant 9.99999974E-6 : f32
    %add3A_39 = vector.broadcast %add3A_38 : f32 to vector<1x128xf32>
    %add3A_40 = arith.addf %sub3A, %add3A_39 : vector<1x128xf32>
    %rsqrt3A = math.rsqrt %add3A_40 : vector<1x128xf32>
    %sub3A_41 = vector.broadcast %mul3A_29 : vector<1x128xf32> to vector<10240x128xf32>
    %sub3A_42 = arith.subf %mul3A_25, %sub3A_41 : vector<10240x128xf32>
    %mul3A_43 = vector.broadcast %rsqrt3A : vector<1x128xf32> to vector<10240x128xf32>
    %mul3A_44 = arith.mulf %sub3A_42, %mul3A_43 : vector<10240x128xf32>
    %get3A_45 = arith.constant 0 : index
    %get3A_46 = arith.constant 0 : index
    %get3A_47 = vector.load %arg4[%get3A_45, %get3A_46] : memref<1x128xf32, #tpu.memory_space<vmem>>, vector<1x128xf32>
    %mul3A_48 = vector.broadcast %get3A_47 : vector<1x128xf32> to vector<10240x128xf32>
    %mul3A_49 = arith.mulf %mul3A_44, %mul3A_48 : vector<10240x128xf32>
    %get3A_50 = arith.constant 0 : index
    %get3A_51 = arith.constant 0 : index
    %get3A_52 = vector.load %arg5[%get3A_50, %get3A_51] : memref<1x128xf32, #tpu.memory_space<vmem>>, vector<1x128xf32>
    %add3A_53 = vector.broadcast %get3A_52 : vector<1x128xf32> to vector<10240x128xf32>
    %add3A_54 = arith.addf %mul3A_49, %add3A_53 : vector<10240x128xf32>
    %swap3A = arith.constant 0 : index
    %swap3A_55 = arith.constant 0 : index
    %swap3A_56 = vector.load %arg7[%swap3A, %swap3A_55] : memref<10240x128xf32, #tpu.memory_space<vmem>>, vector<10240x128xf32>
    tpu.vector_store %arg7[%swap3A, %swap3A_55], %add3A_54 {strides = array<i32>} : memref<10240x128xf32, #tpu.memory_space<vmem>>, vector<10240x128xf32>,
    %max3A = arith.constant 0.000000e+00 : f32
    %max3A_57 = vector.broadcast %max3A : f32 to vector<10240x128xf32>
    %max3A_58 = arith.maximumf %add3A_54, %max3A_57 : vector<10240x128xf32>
    %get3A_59 = arith.constant 0 : index
    %get3A_60 = arith.constant 0 : index
    %get3A_61 = vector.load %arg6[%get3A_59, %get3A_60] : memref<128x128xf32, #tpu.memory_space<vmem>>, vector<128x128xf32>
    %dot_general3A = arith.constant dense<0.000000e+00> : vector<10240x128xf32>
    %dot_general3A_62 = tpu.matmul %max3A_58, %get3A_61, %dot_general3A {dimension_numbers = #tpu.dot_dimension_numbers<[1], [0], [0], [1], [0, 0, 1, 1], [], []>, transpose_lhs_hint = false} : vector<10240x128xf32>, vector<128x128xf32>, vector<10240x128xf32> -> vector<10240x128xf32>
    %get3A_63 = arith.constant 0 : index
    %get3A_64 = arith.constant 0 : index
    %get3A_65 = vector.load %arg2[%get3A_63, %get3A_64] : memref<10240x1xf32, #tpu.memory_space<vmem>>, vector<10240x1xf32>
    %mul3A_66 = vector.broadcast %get3A_65 : vector<10240x1xf32> to vector<10240x128xf32>
    %mul3A_67 = arith.mulf %dot_general3A_62, %mul3A_66 : vector<10240x128xf32>
    %swap3A_68 = arith.constant 0 : index
    %swap3A_69 = arith.constant 0 : index
    %swap3A_70 = vector.load %arg8[%swap3A_68, %swap3A_69] : memref<10240x128xf32, #tpu.memory_space<vmem>>, vector<10240x128xf32>
    tpu.vector_store %arg8[%swap3A_68, %swap3A_69], %mul3A_67 {strides = array<i32>} : memref<10240x128xf32, #tpu.memory_space<vmem>>, vector<10240x128xf32>,
    return
  }
}

module attributes {stable_mosaic.version = 14 : i64} {
  func.func @_pool_body(%arg0: memref<10240x128xf32, #tpu.memory_space<vmem>>, %arg1: memref<1x10240xi32, #tpu.memory_space<vmem>>, %arg2: memref<64x128xf32, #tpu.memory_space<vmem>>) attributes {dimension_semantics = [], scalar_prefetch = 0 : i64, scratch_operands = 0 : i64, tpu.core_type = #tpu.core_type<tc>} {
    %iota3A = tpu.iota {dimensions = array<i32: 0>} : vector<64x10240xi32>
    %get3A = arith.constant 0 : index
    %get3A_0 = arith.constant 0 : index
    %get3A_1 = vector.load %arg1[%get3A, %get3A_0] : memref<1x10240xi32, #tpu.memory_space<vmem>>, vector<1x10240xi32>
    %eq3A = vector.broadcast %get3A_1 : vector<1x10240xi32> to vector<64x10240xi32>
    %eq3A_2 = arith.cmpi eq, %iota3A, %eq3A : vector<64x10240xi32>
    %convert_element_type3A = arith.extui %eq3A_2 : vector<64x10240xi1> to vector<64x10240xi32>
    %convert_element_type3A_3 = arith.sitofp %convert_element_type3A : vector<64x10240xi32> to vector<64x10240xf32>
    %get3A_4 = arith.constant 0 : index
    %get3A_5 = arith.constant 0 : index
    %get3A_6 = vector.load %arg0[%get3A_4, %get3A_5] : memref<10240x128xf32, #tpu.memory_space<vmem>>, vector<10240x128xf32>
    %dot_general3A = arith.constant dense<0.000000e+00> : vector<64x128xf32>
    %dot_general3A_7 = tpu.matmul %convert_element_type3A_3, %get3A_6, %dot_general3A {dimension_numbers = #tpu.dot_dimension_numbers<[1], [0], [0], [1], [0, 0, 1, 1], [], []>, transpose_lhs_hint = false} : vector<64x10240xf32>, vector<10240x128xf32>, vector<64x128xf32> -> vector<64x128xf32>
    %swap3A = arith.constant 0 : index
    %swap3A_8 = arith.constant 0 : index
    %swap3A_9 = vector.load %arg2[%swap3A, %swap3A_8] : memref<64x128xf32, #tpu.memory_space<vmem>>, vector<64x128xf32>
    tpu.vector_store %arg2[%swap3A, %swap3A_8], %dot_general3A_7 {strides = array<i32>} : memref<64x128xf32, #tpu.memory_space<vmem>>, vector<64x128xf32>,
    return
  }
}

</mosaic_0001>

<sc_bundles>
// kernel: kernel.16.cloned.1.call-start
scs
__scs_entry_jumppad:
0x0: {  	(pc) =	sbr.rel $0x88, $3  }
0x1: {  	(tag) =	ssettag $0x0;
	lr =	simm.s32 $0x1  }
0x2: {  	[smem:$0x3F9A] =	sst lr;
	_ =	strace $0xD0000000  }
0x3: {  	_ = 	snop  }
0x4: {  	_ = 	snop  }
0x5: {  	_ = 	snop  }
0x6: {  	_ = 	snop  }
0x7: {  	_ = 	snop  }
__scs_overlays_trampoline_lowered:
0x8: {  	[smem:$0x3FA9] =	sst s0  }
0x9: {  	[smem:$0x3FAA] =	sst s1  }
0xa: {  	[smem:$0x3FAB] =	sst s2  }
0xb: {  	[smem:$0x3FAC] =	sst s3  }
0xc: {  	[smem:$0x3FAD] =	sst s4  }
0xd: {  	[smem:$0x3FAE] =	sst s5  }
0xe: {  	[smem:$0x3FAF] =	sst s6  }
0xf: {  	[smem:$0x3FB0] =	sst s7  }
0x10: {  	[smem:$0x3FB1] =	sst s8  }
0x11: {  	[smem:$0x3FB2] =	sst s9;
	s0 =	simm.s32 @!p0 $0x0  }
0x12: {  	s1 =	sld [smem:$0x3F98];
	s0 =	simm.s32 @p0 $0x1  }
0x13: {  	[smem:$0x3FB3] =	sst s0;
	s0 =	simm.s32 @!p1 $0x0  }
0x14: {  	s2 =	sld [smem:$0x3F97];
	s0 =	simm.s32 @p1 $0x1  }
0x15: {  	[smem:$0x3FB4] =	sst s0;
	s0 =	simm.s32 @!p2 $0x0  }
0x16: {  	s3 =	sld [smem:$0x3FDB];
	s0 =	simm.s32 @p2 $0x1  }
0x17: {  	s4 =	simm.s32 $0x1BF5;
	[smem:$0x3FB6] =	sst s0  }
0x18: {  	s0 =	sld [smem:$0x3F99];
	_ =	swait.ge [sflag:s4], $0x0  }
0x19: {  	s7 =	sld [smem:$0x3F9A]  }
0x1a: {  	s8 =	sadd.s32 $0xFFFFE003, lr  }
0x1b: {  	s9 =	sadd.s32 $0xFFFFFEF7, lr;
	s5 =	simm.s32 $0xFFFFFFFF;
	p2 =	slt.u32 s8, $0xFFFFF086  }
0x1c: {  	p1 =	slt.u32 s9, $0xF7A;
	s5 =	simm.s32 @!p2 $0x0  }
0x1d: {  	s5 =	simm.s32 @p1 $0x1;
	p0 =	seq.s32 s7, s2  }
0x1e: {  	s7 =	smul.u32 @!p0 $0xF7A, s2;
	p2 =	seq.s32 @!p0 s5, $0x0  }
0x1f: {  	s9 =	smul.u32 $0xF7A, s1;
	s8 =	simm.s32 @!p0 $0x1BF5;
	p2 =	por !p2, p0  }
0x20: {  	[sflag:s8] =	ssyncset.s32 @!p0 $0xFFFFF086;
	s6 =	sadd.s32 @!p0 s3, s7;
	s7 =	simm.s32 @!p0 $0x108  }
0x21: {  	s3 =	sadd.s32 s3, s9;
	s6 =	sadd.s32 @!p0 $0x88, s6;
	s7 =	simm.s32 @p2 $0x1082  }
0x22: {  	[simem:s7], [sflag:s8] =	dma.local @!p0 [hbm:s6], $0xF7A  }
0x23: {  	s9 =	sor.u32 $0xD0000000, s2;
	s6 =	simm.s32 $0x108;
	_ =	swait.ge @!p0 [sflag:s8], $0x0  }
0x24: {  	s3 =	sadd.s32 $0x88, s3;
	s6 =	simm.s32 @!p1 $0x1082;
	[sflag:s4] =	ssyncset.s32 $0xFFFFF086  }
0x25: {  	[simem:s6], [sflag:s4] =	dma.local [hbm:s3], $0xF7A  }
0x26: {  	[smem:$0x3F9A] =	sst s1;
	(tag) =	ssettag s2;
	_ =	strace s9  }
0x27: {  	s1 =	sld [smem:$0x3FAA]  }
0x28: {  	s2 =	sld [smem:$0x3FAB]  }
0x29: {  	s4 =	sld [smem:$0x3FAD]  }
0x2a: {  	p0 =	seq.s32 s5, $0x0;
	s5 =	sld [smem:$0x3FAE]  }
0x2b: {  	s6 =	sld [smem:$0x3FAF]  }
0x2c: {  	s7 =	sld [smem:$0x3FB0]  }
0x2d: {  	s3 =	simm.s32 $0x108;
	s8 =	sld [smem:$0x3FB1]  }
0x2e: {  	s3 =	simm.s32 @!p0 $0x1082;
	s9 =	sld [smem:$0x3FB2]  }
0x2f: {  	lr =	sadd.s32 s0, s3;
	s0 =	sld [smem:$0x3FA9]  }
0x30: {  	s3 =	sld [smem:$0x3FAC]  }
0x31: {  	[smem:$0x3FB5] =	sst s10  }
0x32: {  	s10 =	sld [smem:$0x3FB3];
	_ =	sdelay $0x3  }
0x33: {  	p0 =	seq.s32 s10, $0x1;
	s10 =	sld [smem:$0x3FB5];
	_ =	sdelay $0x3  }
0x34: {  	[smem:$0x3FB5] =	sst s10  }
0x35: {  	s10 =	sld [smem:$0x3FB4];
	_ =	sdelay $0x3  }
0x36: {  	p1 =	seq.s32 s10, $0x1;
	s10 =	sld [smem:$0x3FB5];
	_ =	sdelay $0x3  }
0x37: {  	[smem:$0x3FB5] =	sst s10  }
0x38: {  	s10 =	sld [smem:$0x3FB6]  }
0x39: {  	_ = 	snop;
	(pc) =	sbr.ind lr, $3  }
0x3a: {  	_ = 	snop  }
0x3b: {  	_ = 	snop  }
0x3c: {  	p2 =	seq.s32 s10, $0x1;
	s10 =	sld [smem:$0x3FB5]  }
0x3d: {  	_ =	shalt  }
0x3e: {  	_ =	shalt  }
0x3f: {  	_ =	shalt  }
0x40: {  	_ =	shalt  }
0x41: {  	_ =	shalt  }
0x42: {  	_ =	shalt  }
0x43: {  	_ =	shalt  }
0x44: {  	_ =	shalt  }
0x45: {  	_ =	shalt  }
0x46: {  	_ =	shalt  }
0x47: {  	_ =	shalt  }
0x48: {  	_ =	shalt  }
0x49: {  	_ =	shalt  }
0x4a: {  	_ =	shalt  }
0x4b: {  	_ =	shalt  }
0x4c: {  	_ =	shalt  }
0x4d: {  	_ =	shalt  }
0x4e: {  	_ =	shalt  }
0x4f: {  	_ =	shalt  }
0x50: {  	_ =	shalt  }
0x51: {  	_ =	shalt  }
0x52: {  	_ =	shalt  }
0x53: {  	_ =	shalt  }
0x54: {  	_ =	shalt  }
0x55: {  	_ =	shalt  }
0x56: {  	_ =	shalt  }
0x57: {  	_ =	shalt  }
0x58: {  	_ =	shalt  }
0x59: {  	_ =	shalt  }
0x5a: {  	_ =	shalt  }
0x5b: {  	_ =	shalt  }
0x5c: {  	_ =	shalt  }
0x5d: {  	_ =	shalt  }
0x5e: {  	_ =	shalt  }
0x5f: {  	_ =	shalt  }
0x60: {  	_ =	shalt  }
0x61: {  	_ =	shalt  }
0x62: {  	_ =	shalt  }
0x63: {  	_ =	shalt  }
0x64: {  	_ =	shalt  }
0x65: {  	_ =	shalt  }
0x66: {  	_ =	shalt  }
0x67: {  	_ =	shalt  }
0x68: {  	_ =	shalt  }
0x69: {  	_ =	shalt  }
0x6a: {  	_ =	shalt  }
0x6b: {  	_ =	shalt  }
0x6c: {  	_ =	shalt  }
0x6d: {  	_ =	shalt  }
0x6e: {  	_ =	shalt  }
0x6f: {  	_ =	shalt  }
0x70: {  	_ =	shalt  }
0x71: {  	_ =	shalt  }
0x72: {  	_ =	shalt  }
0x73: {  	_ =	shalt  }
0x74: {  	_ =	shalt  }
0x75: {  	_ =	shalt  }
0x76: {  	_ =	shalt  }
0x77: {  	_ =	shalt  }
0x78: {  	_ =	shalt  }
0x79: {  	_ =	shalt  }
0x7a: {  	_ =	shalt  }
0x7b: {  	_ =	shalt  }
0x7c: {  	_ =	shalt  }
0x7d: {  	_ =	shalt  }
0x7e: {  	_ =	shalt  }
0x7f: {  	_ =	shalt  }
0x80: {  	_ =	shalt  }
0x81: {  	_ =	shalt  }
0x82: {  	_ =	shalt  }
0x83: {  	_ =	shalt  }
0x84: {  	_ =	shalt  }
0x85: {  	_ =	shalt  }
0x86: {  	_ =	shalt  }
0x87: {  	_ =	shalt  }
.Lfunc_end0:
.L_simem_size_0:
called_computation_lowered:
.L_overlay_start_0:
0x88: {  	s2 =	sld [smem:$0x3FD9]  }
0x89: {  	s3 =	sld [smem:$0x3FFE];
	_ =	sdelay $0x1  }
0x8a: {  	s1 =	srdreg.scid  }
0x8b: {  	s0 =	sand.u32 $0x1, s1  }
0x8c: {  	s14 =	sshll.u32 s0, $0xA;
	s2 =	sadd.s32 s3, s2  }
0x8d: {  	s2 =	sadd.s32 s2, s14  }
0x8e: {  	[smem:$0x3FC1] =	sst s2  }
0x8f: {  	_ = 	snop  }
0x90: {  	s2 =	sld [smem:$0x3FD0];
	_ =	sdelay $0x2  }
0x91: {  	s15 =	simm.s32 $0xA;
	s4 =	simm.s32 $0x10  }
0x92: {  	[smem:s4], [sflag:s15] =	dma.local [hbm:s2], $0x1  }
0x93: {  	_ =	swait.eq [sflag:s15], $0x1  }
0x94: {  	[sflag:s15] =	ssyncset.done $0x0  }
0x95: {  	[sflag:s15] =	ssyncadd.s32 $0xFFFFFFFF  }
0x96: {  	s16 =	sld [smem:$0x11];
	(tm) =	ssettm $0x1  }
0x97: {  	s17 =	sld [smem:$0x3FFB];
	_ =	sdelay $0x3  }
0x98: {  	_ =	strace s17  }
0x99: {  	s3 =	sld [smem:$0x3FFC];
	_ =	sdelay $0x3  }
0x9a: {  	_ =	strace s3  }
0x9b: {  	s3 =	sld [smem:$0x3FFD];
	_ =	sdelay $0x3  }
0x9c: {  	_ =	strace s3  }
0x9d: {  	_ =	strace $0x8FFFFFFF  }
0x9e: {  	s18 =	sld [smem:$0x3FDB];
	_ =	sdelay $0x1  }
0x9f: {  	s19 =	simm.s32 $_scs_section_size  }
0xa0: {  	s5 =	simm.s32 $_size__tile_overlayer_lowered;
	s6 =	simm.s32 $_tile_overlayer_lowered  }
0xa1: {  	s22 =	simm.s32 $0x1BFF;
	s21 =	sshll.u32 s6, $0x1;
	s3 =	sadd.s32 s19, s18  }
0xa2: {  	s7 =	simm.s32 $0x0;
	s20 =	sshll.u32 s5, $0x1;
	s5 =	sadd.s32 s21, s3  }
0xa3: {  	[timem:s7], [sflag:s22] =	dma.local [hbm:s5], s20  }
0xa4: {  	_ =	swait.ge [sflag:s22], s20  }
0xa5: {  	s4 =	ssub.s32 $0x0, s20;
	[sflag:s22] =	ssyncset.done $0x0  }
0xa6: {  	[sflag:s22] =	ssyncadd.s32 s4;
	_ =	sdelay $0x1  }
0xa7: {  	s23 =	simm.s32 $0x1B8B  }
0xa8: {  	_ =	swait.ge [sflag:s23], $0x1  }
0xa9: {  	[sflag:s23] =	ssyncset.done $0x0  }
0xaa: {  	s25 =	simm.s32 $0x1B8E;
	s24 =	sld [smem:$0x3FFE];
	[sflag:s23] =	ssyncadd.s32 $0xFFFFFFFF  }
0xab: {  	s26 =	simm.s32 $execute0_lowered;
	[smem:$0x3FD2] =	sst s25  }
0xac: {  	s5 =	sshll.u32 s26, $0x1;
	_ =	strace $0x80000046;
	[dreg:$0x1] =	wrdreg $0xFFFFFFFF  }
0xad: {  	s28 =	simm.s32 $_size_execute0_lowered;
	s3 =	sadd.s32 s3, s5;
	[dreg:$0x0] =	wrdreg $0x0  }
0xae: {  	s5 =	sshll.u32 s28, $0x1;
	[dreg:$0x2] =	wrdreg s3  }
0xaf: {  	[dreg:$0x3] =	wrdreg s5  }
0xb0: {  	[dreg:$0x4] =	wrdreg $0xC0  }
0xb1: {  	_ =	task [dreg:s7], $0x5FFFF  }
0xb2: {  	[dreg:$0x1] =	wrdreg $0xFFFFFFFF  }
0xb3: {  	[dreg:$0x0] =	wrdreg $0x60  }
0xb4: {  	[dreg:$0x2] =	wrdreg s24  }
0xb5: {  	[dreg:$0x3] =	wrdreg s16  }
0xb6: {  	[dreg:$0x4] =	wrdreg $0x90000  }
0xb7: {  	[dreg:$0x5] =	wrdreg $0x9  }
0xb8: {  	_ =	task.clear_ibuf [dreg:s7], $0x6FFFF;
	_ =	strace $0x90000046  }
0xb9: {  	s29 =	simm.s32 $0x9;
	_ =	strace $0x80000048  }
0xba: {  	_ =	swait.ge [sflag:s29], $0x1  }
0xbb: {  	[sflag:s29] =	ssyncadd.s32 $0xFFFFFFFF  }
0xbc: {  	_ =	strace $0x90000048  }
0xbd: {  	_ =	sfence  }
0xbe: {  	s30 =	sld [smem:$0x0];
	_ =	sdelay $0x2  }
0xbf: {  	s31 =	sshll.u32 s1, $0xD;
	s1 =	sshrl.u32 s1, $0x2  }
0xc0: {  	s3 =	sand.u32 $0x4000, s31;
	s1 =	sadd.s32 s1, s30  }
0xc1: {  	s0 =	sor.u32 s3, s0;
	s1 =	sshll.u32 s1, $0x11  }
0xc2: {  	s0 =	sor.u32 s1, s0  }
0xc3: {  	s0 =	sadd.s32 $0x8F2B, s0  }
0xc4: {  	[sflag:s0] =	ssyncadd.remote.s32 $0x1  }
0xc5: {  	_ =	sfence.sel $0xFFFF  }
0xc6: {  	[dreg:$0x0] =	wrdreg $0xFFFFFFFF;
	(pc) =	sbr.abs _section_cstart, $3  }
0xc7: {  	[dreg:$0x1] =	wrdreg $0xFFFFFFFF  }
0xc8: {  	_ =	task.clear_ibuf [dreg:s7], $0x2FFFF;
	_ =	strace $0x9FFFFFFF  }
0xc9: {  	(tm) =	ssettm $0x7FFFFFFF  }
tec
execute0_lowered:
.L_overlay_start_1:
0x0: {  	(tag) =	ssettag $0x1  }
0x1: {  	s6 =	rddreg [dreg:$0x0]  }
0x2: {  	s7 =	rddreg [dreg:$0x1]  }
0x3: {  	s0 =	srdreg.scid;
	s2 =	rddreg [dreg:$0x2]  }
0x4: {  	s3 =	simm.s32 $0x0;
	s14 =	simm.s32 $0x80;
	s15 =	simm.s32 $0x5000  }
0x5: {  	s16 =	simm.s32 $0x1;
	s5 =	sand.u32 $0x1, s0;
	s0 =	stileid.u32  }
0x6: {  	s17 =	simm.s32 $0x0;
	[smem:$0x7FF] =	sst s3;
	s9 =	smul.u32 $0x140000, s5  }
0x7: {  	s4 =	sadd.s32 $0xE800, s6;
	s1 =	sshll.u32 s5, $0x4;
	s10 =	smul.u32 $0x14000, s0  }
0x8: {  	s29 =	ssub.s32 $0x2, s5;
	s13 =	smul.u32 $0x50000, s0;
	s5 =	sadd.s32 $0x36800, s6  }
0x9: {  	s31 =	sshll.u32 s0, $0x6;
	s1 =	sor.u32 s0, s1;
	s12 =	sshrl.u32 s29, $0x1  }
0xa: {  	s8 =	smul.u32 $0x500, s1;
	s1 =	rddreg [dreg:$0x3];
	_ =	strace $0x80000047  }
0xb: {  	s9 =	sadd.s32 s10, s9;
	s10 =	ssub.s32 s29, s12;
	s30 =	sshrl.u32 s13, $0x2  }
0xc: {  	s12 =	sor.u32 $0x1C02, s31;
	s9 =	sshrl.u32 s9, $0x3;
	s13 =	sadd.s32 s30, s2  }
0xd: {  	s11 =	sadd.s32 s8, s6;
	s9 =	sadd.s32 s9, s6;
	s6 =	sadd.s32 s7, s8  }
0xe: {  	s13 =	sshrl.u32 s13, $0x3;
	s7 =	sadd.s32 $0x4800, s11;
	s8 =	sadd.s32 $0x39000, s9  }
0xf: {  	s9 =	smax.u32 s10, $0x1;
	s10 =	simm.s32 $0x2;
	s11 =	simm.s32 $0x2800  }
.LBB2_1:
0x10: {  	[tilespmem:s3], [sflag:$0x2] =	stream.linear.gather [hbm4b:s6+s3], $0x2780, $0x38;
	[tilespmem:$0x1D000] =	vst v63  }
0x11: {  	_ =	swait.ge [sflag:s10], $0x2780  }
0x12: {  	[sflag:s10] =	ssyncset.done $0x0  }
0x13: {  	[sflag:s10] =	ssyncadd.s32 $0xFFFFD880  }
0x14: {  	[tilespmem:s11], [sflag:$0x2] =	stream.linear.gather [hbm4b:s7+s3], $0x2780, $0x38;
	[tilespmem:$0x1D000] =	vst v63  }
0x15: {  	_ =	swait.ge [sflag:s10], $0x2780  }
0x16: {  	[sflag:s10] =	ssyncset.done $0x0  }
0x17: {  	[sflag:s10] =	ssyncadd.s32 $0xFFFFD880  }
0x18: {  	[spmem:s13], [sflag:s12] =	dma.local [hbm:s5], $0x2800  }
0x19: {  	_ =	swait.ge [sflag:s10], $0x2800  }
0x1a: {  	[sflag:s10] =	ssyncset.done $0x0  }
0x1b: {  	[sflag:s10] =	ssyncadd.s32 $0xFFFFD800  }
0x1c: {  	s18 =	simm.s32 $0x0;
	[bflag:$0x0] =	sbarrier.arrive $0xFFFF  }
0x1d: {  	[tilespmem:s15], [sflag:$0x1] =	stream.indirect.gather [hbm4b:s4+s14], $0x80, s18, s14, $0xb8;
	[tilespmem:$0x1D000] =	vst v63  }
0x1e: {  	_ =	swait.ge [sflag:s16], $0x4000  }
0x1f: {  	[sflag:s16] =	ssyncset.done $0x0  }
0x20: {  	s31 =	simm.s32 $0x2800;
	[sflag:s16] =	ssyncadd.s32 $0xFFFFC000  }
0x21: {  	[spmem:s2] =	stream.indirect.scatter.add.f32 [tilespmem:s15], [sflag:$0x2], $0x80, s31, s14, $0xb8;
	[tilespmem:$0x1D000] =	vst v63  }
0x22: {  	_ =	swait.ge [sflag:s10], $0x4000  }
0x23: {  	s19 =	simm.s32 $0x400;
	s18 =	simm.s32 $0x200;
	[sflag:s10] =	ssyncset.done $0x0  }
.LBB2_2:
0x24: {  	s20 =	sshra.s32 s18, $0x2  }
0x25: {  	[sflag:s10] =	ssyncadd.s32 $0xFFFFC000;
	s18 =	smov.u32 s19;
	s21 =	sadd.s32 $0x200, s19  }
0x26: {  	[tilespmem:s15], [sflag:$0x1] =	stream.indirect.gather [hbm4b:s4+s14], $0x80, s20, s14, $0xb8;
	[tilespmem:$0x1D000] =	vst v63  }
0x27: {  	p0 =	sne.s32 s19, $0x9C00;
	_ =	swait.ge [sflag:s16], $0x4000  }
.Ltmp0:
0x28: {  	[sflag:s16] =	ssyncset.done $0x0;
	(pc) =	sbr.rel @p0 .LBB2_2-.Ltmp0, $4  }
0x29: {  	s19 =	sadd.s32 $0x2800, s20;
	[sflag:s16] =	ssyncadd.s32 $0xFFFFC000  }
0x2a: {  	[spmem:s2] =	stream.indirect.scatter.add.f32 [tilespmem:s15], [sflag:$0x2], $0x80, s19, s14, $0xb8;
	[tilespmem:$0x1D000] =	vst v63  }
0x2b: {  	_ =	swait.ge [sflag:s10], $0x4000  }
0x2c: {  	s19 =	smov.u32 s21;
	[sflag:s10] =	ssyncset.done $0x0  }
0x2d: {  	s18 =	sshra.s32 s18, $0x2;
	[sflag:s10] =	ssyncadd.s32 $0xFFFFC000  }
0x2e: {  	[tilespmem:s15], [sflag:$0x1] =	stream.indirect.gather [hbm4b:s4+s14], $0x80, s18, s14, $0xb8;
	[tilespmem:$0x1D000] =	vst v63  }
0x2f: {  	_ =	swait.ge [sflag:s16], $0x4000  }
0x30: {  	[sflag:s16] =	ssyncset.done $0x0  }
0x31: {  	s18 =	sadd.s32 $0x2800, s18;
	[sflag:s16] =	ssyncadd.s32 $0xFFFFC000  }
0x32: {  	[spmem:s2] =	stream.indirect.scatter.add.f32 [tilespmem:s15], [sflag:$0x2], $0x80, s18, s14, $0xb8;
	[tilespmem:$0x1D000] =	vst v63  }
0x33: {  	_ =	swait.ge [sflag:s10], $0x4000  }
0x34: {  	s17 =	sadd.s32 $0x1, s17;
	[sflag:s10] =	ssyncset.done $0x0  }
0x35: {  	p0 =	sne.s32 s17, s9;
	[sflag:s10] =	ssyncadd.s32 $0xFFFFC000  }
.Ltmp1:
0x36: {  	[bflag:$0x0] =	sbarrier.arrive $0xFFFF;
	(pc) =	sbr.rel @p0 .LBB2_1-.Ltmp1, $4  }
0x37: {  	[hbm:s8], [sflag:s12] =	dma.local [spmem:s13], $0x2800  }
0x38: {  	_ =	swait.ge [sflag:s10], $0x2800  }
0x39: {  	[sflag:s10] =	ssyncset.done $0x0  }
0x3a: {  	[sflag:s10] =	ssyncadd.s32 $0xFFFFD800  }
0x3b: {  	_ =	sfence.sel $0x180000  }
0x3c: {  	[bflag:$0x0] =	sbarrier.arrive $0xFFFF  }
0x3d: {  	p0 =	sne.s32 s0, $0x0;
	_ =	strace $0x90000047  }
0x3e: {  	s0 =	sadd.s32 @!p0 $0x100000, s1;
	[bflag:$0x2] =	sbarrier.arrive $0xFFFF  }
0x3f: {  	[sflag:s0] =	ssyncadd.tile.s32 @!p0 $0x1;
	_ =	shalt  }
.Lfunc_end2:
_tile_overlayer_lowered:
.L_overlay_start_2:
0x40: {  	(tag) =	ssettag $0x2  }
0x41: {  	s0 =	rddreg [dreg:$0x0];
	s2 =	stileid.u32  }
0x42: {  	s1 =	rddreg [dreg:$0x1];
	p0 =	sne.s32 s2, $0x0  }
0x43: {  	s3 =	rddreg [dreg:$0x2];
	[bflag:$0x3] =	sbarrier.arrive $0xFFFF;
	s2 =	simm.s32 @!p0 $0x1C02  }
0x44: {  	[timem:s3], [sflag:s2] =	dma.local @!p0 [hbm:s0], s1  }
0x45: {  	s0 =	simm.s32 @!p0 $0x2  }
0x46: {  	_ =	swait.ge @!p0 [sflag:s0], s1  }
0x47: {  	s1 =	ssub.s32 @!p0 $0x0, s1;
	[sflag:s0] =	ssyncset.done @!p0 $0x0  }
0x48: {  	[sflag:s0] =	ssyncadd.s32 @!p0 s1  }
0x49: {  	[bflag:$0x3] =	sbarrier.arrive $0xFFFF  }
0x4a: {  	_ =	shalt  }

// kernel: kernel.19.cloned.1.call-start
scs
__scs_entry_jumppad:
0x0: {  	(pc) =	sbr.rel $0x88, $3  }
0x1: {  	(tag) =	ssettag $0x0;
	lr =	simm.s32 $0x1  }
0x2: {  	[smem:$0x3F9A] =	sst lr;
	_ =	strace $0xD0000000  }
0x3: {  	_ = 	snop  }
0x4: {  	_ = 	snop  }
0x5: {  	_ = 	snop  }
0x6: {  	_ = 	snop  }
0x7: {  	_ = 	snop  }
__scs_overlays_trampoline_lowered:
0x8: {  	[smem:$0x3FA9] =	sst s0  }
0x9: {  	[smem:$0x3FAA] =	sst s1  }
0xa: {  	[smem:$0x3FAB] =	sst s2  }
0xb: {  	[smem:$0x3FAC] =	sst s3  }
0xc: {  	[smem:$0x3FAD] =	sst s4  }
0xd: {  	[smem:$0x3FAE] =	sst s5  }
0xe: {  	[smem:$0x3FAF] =	sst s6  }
0xf: {  	[smem:$0x3FB0] =	sst s7  }
0x10: {  	[smem:$0x3FB1] =	sst s8  }
0x11: {  	[smem:$0x3FB2] =	sst s9;
	s0 =	simm.s32 @!p0 $0x0  }
0x12: {  	s1 =	sld [smem:$0x3F98];
	s0 =	simm.s32 @p0 $0x1  }
0x13: {  	[smem:$0x3FB3] =	sst s0;
	s0 =	simm.s32 @!p1 $0x0  }
0x14: {  	s2 =	sld [smem:$0x3F97];
	s0 =	simm.s32 @p1 $0x1  }
0x15: {  	[smem:$0x3FB4] =	sst s0;
	s0 =	simm.s32 @!p2 $0x0  }
0x16: {  	s3 =	sld [smem:$0x3FDB];
	s0 =	simm.s32 @p2 $0x1  }
0x17: {  	s4 =	simm.s32 $0x1BF5;
	[smem:$0x3FB6] =	sst s0  }
0x18: {  	s0 =	sld [smem:$0x3F99];
	_ =	swait.ge [sflag:s4], $0x0  }
0x19: {  	s7 =	sld [smem:$0x3F9A]  }
0x1a: {  	s8 =	sadd.s32 $0xFFFFE003, lr  }
0x1b: {  	s9 =	sadd.s32 $0xFFFFFEF7, lr;
	s5 =	simm.s32 $0xFFFFFFFF;
	p2 =	slt.u32 s8, $0xFFFFF086  }
0x1c: {  	p1 =	slt.u32 s9, $0xF7A;
	s5 =	simm.s32 @!p2 $0x0  }
0x1d: {  	s5 =	simm.s32 @p1 $0x1;
	p0 =	seq.s32 s7, s2  }
0x1e: {  	s7 =	smul.u32 @!p0 $0xF7A, s2;
	p2 =	seq.s32 @!p0 s5, $0x0  }
0x1f: {  	s9 =	smul.u32 $0xF7A, s1;
	s8 =	simm.s32 @!p0 $0x1BF5;
	p2 =	por !p2, p0  }
0x20: {  	[sflag:s8] =	ssyncset.s32 @!p0 $0xFFFFF086;
	s6 =	sadd.s32 @!p0 s3, s7;
	s7 =	simm.s32 @!p0 $0x108  }
0x21: {  	s3 =	sadd.s32 s3, s9;
	s6 =	sadd.s32 @!p0 $0x88, s6;
	s7 =	simm.s32 @p2 $0x1082  }
0x22: {  	[simem:s7], [sflag:s8] =	dma.local @!p0 [hbm:s6], $0xF7A  }
0x23: {  	s9 =	sor.u32 $0xD0000000, s2;
	s6 =	simm.s32 $0x108;
	_ =	swait.ge @!p0 [sflag:s8], $0x0  }
0x24: {  	s3 =	sadd.s32 $0x88, s3;
	s6 =	simm.s32 @!p1 $0x1082;
	[sflag:s4] =	ssyncset.s32 $0xFFFFF086  }
0x25: {  	[simem:s6], [sflag:s4] =	dma.local [hbm:s3], $0xF7A  }
0x26: {  	[smem:$0x3F9A] =	sst s1;
	(tag) =	ssettag s2;
	_ =	strace s9  }
0x27: {  	s1 =	sld [smem:$0x3FAA]  }
0x28: {  	s2 =	sld [smem:$0x3FAB]  }
0x29: {  	s4 =	sld [smem:$0x3FAD]  }
0x2a: {  	p0 =	seq.s32 s5, $0x0;
	s5 =	sld [smem:$0x3FAE]  }
0x2b: {  	s6 =	sld [smem:$0x3FAF]  }
0x2c: {  	s7 =	sld [smem:$0x3FB0]  }
0x2d: {  	s3 =	simm.s32 $0x108;
	s8 =	sld [smem:$0x3FB1]  }
0x2e: {  	s3 =	simm.s32 @!p0 $0x1082;
	s9 =	sld [smem:$0x3FB2]  }
0x2f: {  	lr =	sadd.s32 s0, s3;
	s0 =	sld [smem:$0x3FA9]  }
0x30: {  	s3 =	sld [smem:$0x3FAC]  }
0x31: {  	[smem:$0x3FB5] =	sst s10  }
0x32: {  	s10 =	sld [smem:$0x3FB3];
	_ =	sdelay $0x3  }
0x33: {  	p0 =	seq.s32 s10, $0x1;
	s10 =	sld [smem:$0x3FB5];
	_ =	sdelay $0x3  }
0x34: {  	[smem:$0x3FB5] =	sst s10  }
0x35: {  	s10 =	sld [smem:$0x3FB4];
	_ =	sdelay $0x3  }
0x36: {  	p1 =	seq.s32 s10, $0x1;
	s10 =	sld [smem:$0x3FB5];
	_ =	sdelay $0x3  }
0x37: {  	[smem:$0x3FB5] =	sst s10  }
0x38: {  	s10 =	sld [smem:$0x3FB6]  }
0x39: {  	_ = 	snop;
	(pc) =	sbr.ind lr, $3  }
0x3a: {  	_ = 	snop  }
0x3b: {  	_ = 	snop  }
0x3c: {  	p2 =	seq.s32 s10, $0x1;
	s10 =	sld [smem:$0x3FB5]  }
0x3d: {  	_ =	shalt  }
0x3e: {  	_ =	shalt  }
0x3f: {  	_ =	shalt  }
0x40: {  	_ =	shalt  }
0x41: {  	_ =	shalt  }
0x42: {  	_ =	shalt  }
0x43: {  	_ =	shalt  }
0x44: {  	_ =	shalt  }
0x45: {  	_ =	shalt  }
0x46: {  	_ =	shalt  }
0x47: {  	_ =	shalt  }
0x48: {  	_ =	shalt  }
0x49: {  	_ =	shalt  }
0x4a: {  	_ =	shalt  }
0x4b: {  	_ =	shalt  }
0x4c: {  	_ =	shalt  }
0x4d: {  	_ =	shalt  }
0x4e: {  	_ =	shalt  }
0x4f: {  	_ =	shalt  }
0x50: {  	_ =	shalt  }
0x51: {  	_ =	shalt  }
0x52: {  	_ =	shalt  }
0x53: {  	_ =	shalt  }
0x54: {  	_ =	shalt  }
0x55: {  	_ =	shalt  }
0x56: {  	_ =	shalt  }
0x57: {  	_ =	shalt  }
0x58: {  	_ =	shalt  }
0x59: {  	_ =	shalt  }
0x5a: {  	_ =	shalt  }
0x5b: {  	_ =	shalt  }
0x5c: {  	_ =	shalt  }
0x5d: {  	_ =	shalt  }
0x5e: {  	_ =	shalt  }
0x5f: {  	_ =	shalt  }
0x60: {  	_ =	shalt  }
0x61: {  	_ =	shalt  }
0x62: {  	_ =	shalt  }
0x63: {  	_ =	shalt  }
0x64: {  	_ =	shalt  }
0x65: {  	_ =	shalt  }
0x66: {  	_ =	shalt  }
0x67: {  	_ =	shalt  }
0x68: {  	_ =	shalt  }
0x69: {  	_ =	shalt  }
0x6a: {  	_ =	shalt  }
0x6b: {  	_ =	shalt  }
0x6c: {  	_ =	shalt  }
0x6d: {  	_ =	shalt  }
0x6e: {  	_ =	shalt  }
0x6f: {  	_ =	shalt  }
0x70: {  	_ =	shalt  }
0x71: {  	_ =	shalt  }
0x72: {  	_ =	shalt  }
0x73: {  	_ =	shalt  }
0x74: {  	_ =	shalt  }
0x75: {  	_ =	shalt  }
0x76: {  	_ =	shalt  }
0x77: {  	_ =	shalt  }
0x78: {  	_ =	shalt  }
0x79: {  	_ =	shalt  }
0x7a: {  	_ =	shalt  }
0x7b: {  	_ =	shalt  }
0x7c: {  	_ =	shalt  }
0x7d: {  	_ =	shalt  }
0x7e: {  	_ =	shalt  }
0x7f: {  	_ =	shalt  }
0x80: {  	_ =	shalt  }
0x81: {  	_ =	shalt  }
0x82: {  	_ =	shalt  }
0x83: {  	_ =	shalt  }
0x84: {  	_ =	shalt  }
0x85: {  	_ =	shalt  }
0x86: {  	_ =	shalt  }
0x87: {  	_ =	shalt  }
.Lfunc_end0:
.L_simem_size_0:
called_computation.1_lowered:
.L_overlay_start_0:
0x88: {  	s2 =	sld [smem:$0x3FD9]  }
0x89: {  	s3 =	sld [smem:$0x3FFE];
	_ =	sdelay $0x1  }
0x8a: {  	s1 =	srdreg.scid  }
0x8b: {  	s0 =	sand.u32 $0x1, s1  }
0x8c: {  	s14 =	sshll.u32 s0, $0xA;
	s2 =	sadd.s32 s3, s2  }
0x8d: {  	s2 =	sadd.s32 s2, s14  }
0x8e: {  	[smem:$0x3FC1] =	sst s2  }
0x8f: {  	_ = 	snop  }
0x90: {  	s2 =	sld [smem:$0x3FD0];
	_ =	sdelay $0x2  }
0x91: {  	s15 =	simm.s32 $0xA;
	s4 =	simm.s32 $0x10  }
0x92: {  	[smem:s4], [sflag:s15] =	dma.local [hbm:s2], $0x1  }
0x93: {  	_ =	swait.eq [sflag:s15], $0x1  }
0x94: {  	[sflag:s15] =	ssyncset.done $0x0  }
0x95: {  	[sflag:s15] =	ssyncadd.s32 $0xFFFFFFFF  }
0x96: {  	s16 =	sld [smem:$0x11];
	(tm) =	ssettm $0x1  }
0x97: {  	s17 =	sld [smem:$0x3FFB];
	_ =	sdelay $0x3  }
0x98: {  	_ =	strace s17  }
0x99: {  	s3 =	sld [smem:$0x3FFC];
	_ =	sdelay $0x3  }
0x9a: {  	_ =	strace s3  }
0x9b: {  	s3 =	sld [smem:$0x3FFD];
	_ =	sdelay $0x3  }
0x9c: {  	_ =	strace s3  }
0x9d: {  	_ =	strace $0x8FFFFFFF  }
0x9e: {  	s18 =	sld [smem:$0x3FDB];
	_ =	sdelay $0x1  }
0x9f: {  	s19 =	simm.s32 $_scs_section_size  }
0xa0: {  	s5 =	simm.s32 $_size__tile_overlayer_lowered;
	s6 =	simm.s32 $_tile_overlayer_lowered  }
0xa1: {  	s22 =	simm.s32 $0x1BFF;
	s21 =	sshll.u32 s6, $0x1;
	s3 =	sadd.s32 s19, s18  }
0xa2: {  	s7 =	simm.s32 $0x0;
	s20 =	sshll.u32 s5, $0x1;
	s5 =	sadd.s32 s21, s3  }
0xa3: {  	[timem:s7], [sflag:s22] =	dma.local [hbm:s5], s20  }
0xa4: {  	_ =	swait.ge [sflag:s22], s20  }
0xa5: {  	s4 =	ssub.s32 $0x0, s20;
	[sflag:s22] =	ssyncset.done $0x0  }
0xa6: {  	[sflag:s22] =	ssyncadd.s32 s4;
	_ =	sdelay $0x1  }
0xa7: {  	s23 =	simm.s32 $0x1B8B  }
0xa8: {  	_ =	swait.ge [sflag:s23], $0x1  }
0xa9: {  	[sflag:s23] =	ssyncset.done $0x0  }
0xaa: {  	s25 =	simm.s32 $0x1B8E;
	s24 =	sld [smem:$0x3FFE];
	[sflag:s23] =	ssyncadd.s32 $0xFFFFFFFF  }
0xab: {  	s26 =	simm.s32 $execute0_lowered;
	[smem:$0x3FD2] =	sst s25  }
0xac: {  	s5 =	sshll.u32 s26, $0x1;
	_ =	strace $0x80000049;
	[dreg:$0x1] =	wrdreg $0xFFFFFFFF  }
0xad: {  	s28 =	simm.s32 $_size_execute0_lowered;
	s3 =	sadd.s32 s3, s5;
	[dreg:$0x0] =	wrdreg $0x0  }
0xae: {  	s5 =	sshll.u32 s28, $0x1;
	[dreg:$0x2] =	wrdreg s3  }
0xaf: {  	[dreg:$0x3] =	wrdreg s5  }
0xb0: {  	[dreg:$0x4] =	wrdreg $0xC0  }
0xb1: {  	_ =	task [dreg:s7], $0x5FFFF  }
0xb2: {  	[dreg:$0x1] =	wrdreg $0xFFFFFFFF  }
0xb3: {  	[dreg:$0x0] =	wrdreg $0x60  }
0xb4: {  	[dreg:$0x2] =	wrdreg s24  }
0xb5: {  	[dreg:$0x3] =	wrdreg s16  }
0xb6: {  	[dreg:$0x4] =	wrdreg $0x90000  }
0xb7: {  	[dreg:$0x5] =	wrdreg $0x9  }
0xb8: {  	_ =	task.clear_ibuf [dreg:s7], $0x6FFFF;
	_ =	strace $0x90000049  }
0xb9: {  	s29 =	simm.s32 $0x9;
	_ =	strace $0x8000004B  }
0xba: {  	_ =	swait.ge [sflag:s29], $0x1  }
0xbb: {  	[sflag:s29] =	ssyncadd.s32 $0xFFFFFFFF  }
0xbc: {  	_ =	strace $0x9000004B  }
0xbd: {  	_ =	sfence  }
0xbe: {  	s30 =	sld [smem:$0x0];
	_ =	sdelay $0x2  }
0xbf: {  	s31 =	sshll.u32 s1, $0xD;
	s1 =	sshrl.u32 s1, $0x2  }
0xc0: {  	s3 =	sand.u32 $0x4000, s31;
	s1 =	sadd.s32 s1, s30  }
0xc1: {  	s0 =	sor.u32 s3, s0;
	s1 =	sshll.u32 s1, $0x11  }
0xc2: {  	s0 =	sor.u32 s1, s0  }
0xc3: {  	s0 =	sadd.s32 $0x8F2B, s0  }
0xc4: {  	[sflag:s0] =	ssyncadd.remote.s32 $0x1  }
0xc5: {  	_ =	sfence.sel $0xFFFF  }
0xc6: {  	[dreg:$0x0] =	wrdreg $0xFFFFFFFF;
	(pc) =	sbr.abs _section_cstart, $3  }
0xc7: {  	[dreg:$0x1] =	wrdreg $0xFFFFFFFF  }
0xc8: {  	_ =	task.clear_ibuf [dreg:s7], $0x2FFFF;
	_ =	strace $0x9FFFFFFF  }
0xc9: {  	(tm) =	ssettm $0x7FFFFFFF  }
tec
execute0_lowered:
.L_overlay_start_1:
0x0: {  	(tag) =	ssettag $0x1  }
0x1: {  	s6 =	rddreg [dreg:$0x0]  }
0x2: {  	s7 =	rddreg [dreg:$0x1]  }
0x3: {  	s0 =	srdreg.scid;
	s2 =	rddreg [dreg:$0x2]  }
0x4: {  	s3 =	simm.s32 $0x0;
	s14 =	simm.s32 $0x80;
	s15 =	simm.s32 $0x5000  }
0x5: {  	s16 =	simm.s32 $0x1;
	s5 =	sand.u32 $0x1, s0;
	s0 =	stileid.u32  }
0x6: {  	s17 =	simm.s32 $0x0;
	[smem:$0x7FF] =	sst s3;
	s9 =	smul.u32 $0x140000, s5  }
0x7: {  	s4 =	sadd.s32 $0xE800, s6;
	s1 =	sshll.u32 s5, $0x4;
	s10 =	smul.u32 $0x14000, s0  }
0x8: {  	s29 =	ssub.s32 $0x2, s5;
	s13 =	smul.u32 $0x50000, s0;
	s5 =	sadd.s32 $0x36800, s6  }
0x9: {  	s31 =	sshll.u32 s0, $0x6;
	s1 =	sor.u32 s0, s1;
	s12 =	sshrl.u32 s29, $0x1  }
0xa: {  	s8 =	smul.u32 $0x500, s1;
	s1 =	rddreg [dreg:$0x3];
	_ =	strace $0x8000004A  }
0xb: {  	s9 =	sadd.s32 s10, s9;
	s10 =	ssub.s32 s29, s12;
	s30 =	sshrl.u32 s13, $0x2  }
0xc: {  	s12 =	sor.u32 $0x1C02, s31;
	s9 =	sshrl.u32 s9, $0x3;
	s13 =	sadd.s32 s30, s2  }
0xd: {  	s11 =	sadd.s32 s8, s6;
	s9 =	sadd.s32 s9, s6;
	s6 =	sadd.s32 s7, s8  }
0xe: {  	s13 =	sshrl.u32 s13, $0x3;
	s7 =	sadd.s32 $0x4800, s11;
	s8 =	sadd.s32 $0x39000, s9  }
0xf: {  	s9 =	smax.u32 s10, $0x1;
	s10 =	simm.s32 $0x2;
	s11 =	simm.s32 $0x2800  }
.LBB2_1:
0x10: {  	[tilespmem:s3], [sflag:$0x2] =	stream.linear.gather [hbm4b:s6+s3], $0x2780, $0x38;
	[tilespmem:$0x1D000] =	vst v63  }
0x11: {  	_ =	swait.ge [sflag:s10], $0x2780  }
0x12: {  	[sflag:s10] =	ssyncset.done $0x0  }
0x13: {  	[sflag:s10] =	ssyncadd.s32 $0xFFFFD880  }
0x14: {  	[tilespmem:s11], [sflag:$0x2] =	stream.linear.gather [hbm4b:s7+s3], $0x2780, $0x38;
	[tilespmem:$0x1D000] =	vst v63  }
0x15: {  	_ =	swait.ge [sflag:s10], $0x2780  }
0x16: {  	[sflag:s10] =	ssyncset.done $0x0  }
0x17: {  	[sflag:s10] =	ssyncadd.s32 $0xFFFFD880  }
0x18: {  	[spmem:s13], [sflag:s12] =	dma.local [hbm:s5], $0x2800  }
0x19: {  	_ =	swait.ge [sflag:s10], $0x2800  }
0x1a: {  	[sflag:s10] =	ssyncset.done $0x0  }
0x1b: {  	[sflag:s10] =	ssyncadd.s32 $0xFFFFD800  }
0x1c: {  	s18 =	simm.s32 $0x0;
	[bflag:$0x0] =	sbarrier.arrive $0xFFFF  }
0x1d: {  	[tilespmem:s15], [sflag:$0x1] =	stream.indirect.gather [hbm4b:s4+s14], $0x80, s18, s14, $0xb8;
	[tilespmem:$0x1D000] =	vst v63  }
0x1e: {  	_ =	swait.ge [sflag:s16], $0x4000  }
0x1f: {  	[sflag:s16] =	ssyncset.done $0x0  }
0x20: {  	s31 =	simm.s32 $0x2800;
	[sflag:s16] =	ssyncadd.s32 $0xFFFFC000  }
0x21: {  	[spmem:s2] =	stream.indirect.scatter.add.f32 [tilespmem:s15], [sflag:$0x2], $0x80, s31, s14, $0xb8;
	[tilespmem:$0x1D000] =	vst v63  }
0x22: {  	_ =	swait.ge [sflag:s10], $0x4000  }
0x23: {  	s19 =	simm.s32 $0x400;
	s18 =	simm.s32 $0x200;
	[sflag:s10] =	ssyncset.done $0x0  }
.LBB2_2:
0x24: {  	s20 =	sshra.s32 s18, $0x2  }
0x25: {  	[sflag:s10] =	ssyncadd.s32 $0xFFFFC000;
	s18 =	smov.u32 s19;
	s21 =	sadd.s32 $0x200, s19  }
0x26: {  	[tilespmem:s15], [sflag:$0x1] =	stream.indirect.gather [hbm4b:s4+s14], $0x80, s20, s14, $0xb8;
	[tilespmem:$0x1D000] =	vst v63  }
0x27: {  	p0 =	sne.s32 s19, $0x9C00;
	_ =	swait.ge [sflag:s16], $0x4000  }
.Ltmp0:
0x28: {  	[sflag:s16] =	ssyncset.done $0x0;
	(pc) =	sbr.rel @p0 .LBB2_2-.Ltmp0, $4  }
0x29: {  	s19 =	sadd.s32 $0x2800, s20;
	[sflag:s16] =	ssyncadd.s32 $0xFFFFC000  }
0x2a: {  	[spmem:s2] =	stream.indirect.scatter.add.f32 [tilespmem:s15], [sflag:$0x2], $0x80, s19, s14, $0xb8;
	[tilespmem:$0x1D000] =	vst v63  }
0x2b: {  	_ =	swait.ge [sflag:s10], $0x4000  }
0x2c: {  	s19 =	smov.u32 s21;
	[sflag:s10] =	ssyncset.done $0x0  }
0x2d: {  	s18 =	sshra.s32 s18, $0x2;
	[sflag:s10] =	ssyncadd.s32 $0xFFFFC000  }
0x2e: {  	[tilespmem:s15], [sflag:$0x1] =	stream.indirect.gather [hbm4b:s4+s14], $0x80, s18, s14, $0xb8;
	[tilespmem:$0x1D000] =	vst v63  }
0x2f: {  	_ =	swait.ge [sflag:s16], $0x4000  }
0x30: {  	[sflag:s16] =	ssyncset.done $0x0  }
0x31: {  	s18 =	sadd.s32 $0x2800, s18;
	[sflag:s16] =	ssyncadd.s32 $0xFFFFC000  }
0x32: {  	[spmem:s2] =	stream.indirect.scatter.add.f32 [tilespmem:s15], [sflag:$0x2], $0x80, s18, s14, $0xb8;
	[tilespmem:$0x1D000] =	vst v63  }
0x33: {  	_ =	swait.ge [sflag:s10], $0x4000  }
0x34: {  	s17 =	sadd.s32 $0x1, s17;
	[sflag:s10] =	ssyncset.done $0x0  }
0x35: {  	p0 =	sne.s32 s17, s9;
	[sflag:s10] =	ssyncadd.s32 $0xFFFFC000  }
.Ltmp1:
0x36: {  	[bflag:$0x0] =	sbarrier.arrive $0xFFFF;
	(pc) =	sbr.rel @p0 .LBB2_1-.Ltmp1, $4  }
0x37: {  	[hbm:s8], [sflag:s12] =	dma.local [spmem:s13], $0x2800  }
0x38: {  	_ =	swait.ge [sflag:s10], $0x2800  }
0x39: {  	[sflag:s10] =	ssyncset.done $0x0  }
0x3a: {  	[sflag:s10] =	ssyncadd.s32 $0xFFFFD800  }
0x3b: {  	_ =	sfence.sel $0x180000  }
0x3c: {  	[bflag:$0x0] =	sbarrier.arrive $0xFFFF  }
0x3d: {  	p0 =	sne.s32 s0, $0x0;
	_ =	strace $0x9000004A  }
0x3e: {  	s0 =	sadd.s32 @!p0 $0x100000, s1;
	[bflag:$0x2] =	sbarrier.arrive $0xFFFF  }
0x3f: {  	[sflag:s0] =	ssyncadd.tile.s32 @!p0 $0x1;
	_ =	shalt  }
.Lfunc_end2:
_tile_overlayer_lowered:
.L_overlay_start_2:
0x40: {  	(tag) =	ssettag $0x2  }
0x41: {  	s0 =	rddreg [dreg:$0x0];
	s2 =	stileid.u32  }
0x42: {  	s1 =	rddreg [dreg:$0x1];
	p0 =	sne.s32 s2, $0x0  }
0x43: {  	s3 =	rddreg [dreg:$0x2];
	[bflag:$0x3] =	sbarrier.arrive $0xFFFF;
	s2 =	simm.s32 @!p0 $0x1C02  }
0x44: {  	[timem:s3], [sflag:s2] =	dma.local @!p0 [hbm:s0], s1  }
0x45: {  	s0 =	simm.s32 @!p0 $0x2  }
0x46: {  	_ =	swait.ge @!p0 [sflag:s0], s1  }
0x47: {  	s1 =	ssub.s32 @!p0 $0x0, s1;
	[sflag:s0] =	ssyncset.done @!p0 $0x0  }
0x48: {  	[sflag:s0] =	ssyncadd.s32 @!p0 s1  }
0x49: {  	[bflag:$0x3] =	sbarrier.arrive $0xFFFF  }
0x4a: {  	_ =	shalt  }

// kernel: kernel.22.cloned.1.call-start
scs
__scs_entry_jumppad:
0x0: {  	(pc) =	sbr.rel $0x88, $3  }
0x1: {  	(tag) =	ssettag $0x0;
	lr =	simm.s32 $0x1  }
0x2: {  	[smem:$0x3F9A] =	sst lr;
	_ =	strace $0xD0000000  }
0x3: {  	_ = 	snop  }
0x4: {  	_ = 	snop  }
0x5: {  	_ = 	snop  }
0x6: {  	_ = 	snop  }
0x7: {  	_ = 	snop  }
__scs_overlays_trampoline_lowered:
0x8: {  	[smem:$0x3FA9] =	sst s0  }
0x9: {  	[smem:$0x3FAA] =	sst s1  }
0xa: {  	[smem:$0x3FAB] =	sst s2  }
0xb: {  	[smem:$0x3FAC] =	sst s3  }
0xc: {  	[smem:$0x3FAD] =	sst s4  }
0xd: {  	[smem:$0x3FAE] =	sst s5  }
0xe: {  	[smem:$0x3FAF] =	sst s6  }
0xf: {  	[smem:$0x3FB0] =	sst s7  }
0x10: {  	[smem:$0x3FB1] =	sst s8  }
0x11: {  	[smem:$0x3FB2] =	sst s9;
	s0 =	simm.s32 @!p0 $0x0  }
0x12: {  	s1 =	sld [smem:$0x3F98];
	s0 =	simm.s32 @p0 $0x1  }
0x13: {  	[smem:$0x3FB3] =	sst s0;
	s0 =	simm.s32 @!p1 $0x0  }
0x14: {  	s2 =	sld [smem:$0x3F97];
	s0 =	simm.s32 @p1 $0x1  }
0x15: {  	[smem:$0x3FB4] =	sst s0;
	s0 =	simm.s32 @!p2 $0x0  }
0x16: {  	s3 =	sld [smem:$0x3FDB];
	s0 =	simm.s32 @p2 $0x1  }
0x17: {  	s4 =	simm.s32 $0x1BF5;
	[smem:$0x3FB6] =	sst s0  }
0x18: {  	s0 =	sld [smem:$0x3F99];
	_ =	swait.ge [sflag:s4], $0x0  }
0x19: {  	s7 =	sld [smem:$0x3F9A]  }
0x1a: {  	s8 =	sadd.s32 $0xFFFFE003, lr  }
0x1b: {  	s9 =	sadd.s32 $0xFFFFFEF7, lr;
	s5 =	simm.s32 $0xFFFFFFFF;
	p2 =	slt.u32 s8, $0xFFFFF086  }
0x1c: {  	p1 =	slt.u32 s9, $0xF7A;
	s5 =	simm.s32 @!p2 $0x0  }
0x1d: {  	s5 =	simm.s32 @p1 $0x1;
	p0 =	seq.s32 s7, s2  }
0x1e: {  	s7 =	smul.u32 @!p0 $0xF7A, s2;
	p2 =	seq.s32 @!p0 s5, $0x0  }
0x1f: {  	s9 =	smul.u32 $0xF7A, s1;
	s8 =	simm.s32 @!p0 $0x1BF5;
	p2 =	por !p2, p0  }
0x20: {  	[sflag:s8] =	ssyncset.s32 @!p0 $0xFFFFF086;
	s6 =	sadd.s32 @!p0 s3, s7;
	s7 =	simm.s32 @!p0 $0x108  }
0x21: {  	s3 =	sadd.s32 s3, s9;
	s6 =	sadd.s32 @!p0 $0x88, s6;
	s7 =	simm.s32 @p2 $0x1082  }
0x22: {  	[simem:s7], [sflag:s8] =	dma.local @!p0 [hbm:s6], $0xF7A  }
0x23: {  	s9 =	sor.u32 $0xD0000000, s2;
	s6 =	simm.s32 $0x108;
	_ =	swait.ge @!p0 [sflag:s8], $0x0  }
0x24: {  	s3 =	sadd.s32 $0x88, s3;
	s6 =	simm.s32 @!p1 $0x1082;
	[sflag:s4] =	ssyncset.s32 $0xFFFFF086  }
0x25: {  	[simem:s6], [sflag:s4] =	dma.local [hbm:s3], $0xF7A  }
0x26: {  	[smem:$0x3F9A] =	sst s1;
	(tag) =	ssettag s2;
	_ =	strace s9  }
0x27: {  	s1 =	sld [smem:$0x3FAA]  }
0x28: {  	s2 =	sld [smem:$0x3FAB]  }
0x29: {  	s4 =	sld [smem:$0x3FAD]  }
0x2a: {  	p0 =	seq.s32 s5, $0x0;
	s5 =	sld [smem:$0x3FAE]  }
0x2b: {  	s6 =	sld [smem:$0x3FAF]  }
0x2c: {  	s7 =	sld [smem:$0x3FB0]  }
0x2d: {  	s3 =	simm.s32 $0x108;
	s8 =	sld [smem:$0x3FB1]  }
0x2e: {  	s3 =	simm.s32 @!p0 $0x1082;
	s9 =	sld [smem:$0x3FB2]  }
0x2f: {  	lr =	sadd.s32 s0, s3;
	s0 =	sld [smem:$0x3FA9]  }
0x30: {  	s3 =	sld [smem:$0x3FAC]  }
0x31: {  	[smem:$0x3FB5] =	sst s10  }
0x32: {  	s10 =	sld [smem:$0x3FB3];
	_ =	sdelay $0x3  }
0x33: {  	p0 =	seq.s32 s10, $0x1;
	s10 =	sld [smem:$0x3FB5];
	_ =	sdelay $0x3  }
0x34: {  	[smem:$0x3FB5] =	sst s10  }
0x35: {  	s10 =	sld [smem:$0x3FB4];
	_ =	sdelay $0x3  }
0x36: {  	p1 =	seq.s32 s10, $0x1;
	s10 =	sld [smem:$0x3FB5];
	_ =	sdelay $0x3  }
0x37: {  	[smem:$0x3FB5] =	sst s10  }
0x38: {  	s10 =	sld [smem:$0x3FB6]  }
0x39: {  	_ = 	snop;
	(pc) =	sbr.ind lr, $3  }
0x3a: {  	_ = 	snop  }
0x3b: {  	_ = 	snop  }
0x3c: {  	p2 =	seq.s32 s10, $0x1;
	s10 =	sld [smem:$0x3FB5]  }
0x3d: {  	_ =	shalt  }
0x3e: {  	_ =	shalt  }
0x3f: {  	_ =	shalt  }
0x40: {  	_ =	shalt  }
0x41: {  	_ =	shalt  }
0x42: {  	_ =	shalt  }
0x43: {  	_ =	shalt  }
0x44: {  	_ =	shalt  }
0x45: {  	_ =	shalt  }
0x46: {  	_ =	shalt  }
0x47: {  	_ =	shalt  }
0x48: {  	_ =	shalt  }
0x49: {  	_ =	shalt  }
0x4a: {  	_ =	shalt  }
0x4b: {  	_ =	shalt  }
0x4c: {  	_ =	shalt  }
0x4d: {  	_ =	shalt  }
0x4e: {  	_ =	shalt  }
0x4f: {  	_ =	shalt  }
0x50: {  	_ =	shalt  }
0x51: {  	_ =	shalt  }
0x52: {  	_ =	shalt  }
0x53: {  	_ =	shalt  }
0x54: {  	_ =	shalt  }
0x55: {  	_ =	shalt  }
0x56: {  	_ =	shalt  }
0x57: {  	_ =	shalt  }
0x58: {  	_ =	shalt  }
0x59: {  	_ =	shalt  }
0x5a: {  	_ =	shalt  }
0x5b: {  	_ =	shalt  }
0x5c: {  	_ =	shalt  }
0x5d: {  	_ =	shalt  }
0x5e: {  	_ =	shalt  }
0x5f: {  	_ =	shalt  }
0x60: {  	_ =	shalt  }
0x61: {  	_ =	shalt  }
0x62: {  	_ =	shalt  }
0x63: {  	_ =	shalt  }
0x64: {  	_ =	shalt  }
0x65: {  	_ =	shalt  }
0x66: {  	_ =	shalt  }
0x67: {  	_ =	shalt  }
0x68: {  	_ =	shalt  }
0x69: {  	_ =	shalt  }
0x6a: {  	_ =	shalt  }
0x6b: {  	_ =	shalt  }
0x6c: {  	_ =	shalt  }
0x6d: {  	_ =	shalt  }
0x6e: {  	_ =	shalt  }
0x6f: {  	_ =	shalt  }
0x70: {  	_ =	shalt  }
0x71: {  	_ =	shalt  }
0x72: {  	_ =	shalt  }
0x73: {  	_ =	shalt  }
0x74: {  	_ =	shalt  }
0x75: {  	_ =	shalt  }
0x76: {  	_ =	shalt  }
0x77: {  	_ =	shalt  }
0x78: {  	_ =	shalt  }
0x79: {  	_ =	shalt  }
0x7a: {  	_ =	shalt  }
0x7b: {  	_ =	shalt  }
0x7c: {  	_ =	shalt  }
0x7d: {  	_ =	shalt  }
0x7e: {  	_ =	shalt  }
0x7f: {  	_ =	shalt  }
0x80: {  	_ =	shalt  }
0x81: {  	_ =	shalt  }
0x82: {  	_ =	shalt  }
0x83: {  	_ =	shalt  }
0x84: {  	_ =	shalt  }
0x85: {  	_ =	shalt  }
0x86: {  	_ =	shalt  }
0x87: {  	_ =	shalt  }
.Lfunc_end0:
.L_simem_size_0:
called_computation.2_lowered:
.L_overlay_start_0:
0x88: {  	s2 =	sld [smem:$0x3FD9]  }
0x89: {  	s3 =	sld [smem:$0x3FFE];
	_ =	sdelay $0x1  }
0x8a: {  	s1 =	srdreg.scid  }
0x8b: {  	s0 =	sand.u32 $0x1, s1  }
0x8c: {  	s14 =	sshll.u32 s0, $0xA;
	s2 =	sadd.s32 s3, s2  }
0x8d: {  	s2 =	sadd.s32 s2, s14  }
0x8e: {  	[smem:$0x3FC1] =	sst s2  }
0x8f: {  	_ = 	snop  }
0x90: {  	s2 =	sld [smem:$0x3FD0];
	_ =	sdelay $0x2  }
0x91: {  	s15 =	simm.s32 $0xA;
	s4 =	simm.s32 $0x10  }
0x92: {  	[smem:s4], [sflag:s15] =	dma.local [hbm:s2], $0x1  }
0x93: {  	_ =	swait.eq [sflag:s15], $0x1  }
0x94: {  	[sflag:s15] =	ssyncset.done $0x0  }
0x95: {  	[sflag:s15] =	ssyncadd.s32 $0xFFFFFFFF  }
0x96: {  	s16 =	sld [smem:$0x11];
	(tm) =	ssettm $0x1  }
0x97: {  	s17 =	sld [smem:$0x3FFB];
	_ =	sdelay $0x3  }
0x98: {  	_ =	strace s17  }
0x99: {  	s3 =	sld [smem:$0x3FFC];
	_ =	sdelay $0x3  }
0x9a: {  	_ =	strace s3  }
0x9b: {  	s3 =	sld [smem:$0x3FFD];
	_ =	sdelay $0x3  }
0x9c: {  	_ =	strace s3  }
0x9d: {  	_ =	strace $0x8FFFFFFF  }
0x9e: {  	s18 =	sld [smem:$0x3FDB];
	_ =	sdelay $0x1  }
0x9f: {  	s19 =	simm.s32 $_scs_section_size  }
0xa0: {  	s5 =	simm.s32 $_size__tile_overlayer_lowered;
	s6 =	simm.s32 $_tile_overlayer_lowered  }
0xa1: {  	s22 =	simm.s32 $0x1BFF;
	s21 =	sshll.u32 s6, $0x1;
	s3 =	sadd.s32 s19, s18  }
0xa2: {  	s7 =	simm.s32 $0x0;
	s20 =	sshll.u32 s5, $0x1;
	s5 =	sadd.s32 s21, s3  }
0xa3: {  	[timem:s7], [sflag:s22] =	dma.local [hbm:s5], s20  }
0xa4: {  	_ =	swait.ge [sflag:s22], s20  }
0xa5: {  	s4 =	ssub.s32 $0x0, s20;
	[sflag:s22] =	ssyncset.done $0x0  }
0xa6: {  	[sflag:s22] =	ssyncadd.s32 s4;
	_ =	sdelay $0x1  }
0xa7: {  	s23 =	simm.s32 $0x1B8B  }
0xa8: {  	_ =	swait.ge [sflag:s23], $0x1  }
0xa9: {  	[sflag:s23] =	ssyncset.done $0x0  }
0xaa: {  	s25 =	simm.s32 $0x1B8E;
	s24 =	sld [smem:$0x3FFE];
	[sflag:s23] =	ssyncadd.s32 $0xFFFFFFFF  }
0xab: {  	s26 =	simm.s32 $execute0_lowered;
	[smem:$0x3FD2] =	sst s25  }
0xac: {  	s5 =	sshll.u32 s26, $0x1;
	_ =	strace $0x8000004C;
	[dreg:$0x1] =	wrdreg $0xFFFFFFFF  }
0xad: {  	s28 =	simm.s32 $_size_execute0_lowered;
	s3 =	sadd.s32 s3, s5;
	[dreg:$0x0] =	wrdreg $0x0  }
0xae: {  	s5 =	sshll.u32 s28, $0x1;
	[dreg:$0x2] =	wrdreg s3  }
0xaf: {  	[dreg:$0x3] =	wrdreg s5  }
0xb0: {  	[dreg:$0x4] =	wrdreg $0xC0  }
0xb1: {  	_ =	task [dreg:s7], $0x5FFFF  }
0xb2: {  	[dreg:$0x1] =	wrdreg $0xFFFFFFFF  }
0xb3: {  	[dreg:$0x0] =	wrdreg $0x60  }
0xb4: {  	[dreg:$0x2] =	wrdreg s24  }
0xb5: {  	[dreg:$0x3] =	wrdreg s16  }
0xb6: {  	[dreg:$0x4] =	wrdreg $0x90000  }
0xb7: {  	[dreg:$0x5] =	wrdreg $0x9  }
0xb8: {  	_ =	task.clear_ibuf [dreg:s7], $0x6FFFF;
	_ =	strace $0x9000004C  }
0xb9: {  	s29 =	simm.s32 $0x9;
	_ =	strace $0x8000004E  }
0xba: {  	_ =	swait.ge [sflag:s29], $0x1  }
0xbb: {  	[sflag:s29] =	ssyncadd.s32 $0xFFFFFFFF  }
0xbc: {  	_ =	strace $0x9000004E  }
0xbd: {  	_ =	sfence  }
0xbe: {  	s30 =	sld [smem:$0x0];
	_ =	sdelay $0x2  }
0xbf: {  	s31 =	sshll.u32 s1, $0xD;
	s1 =	sshrl.u32 s1, $0x2  }
0xc0: {  	s3 =	sand.u32 $0x4000, s31;
	s1 =	sadd.s32 s1, s30  }
0xc1: {  	s0 =	sor.u32 s3, s0;
	s1 =	sshll.u32 s1, $0x11  }
0xc2: {  	s0 =	sor.u32 s1, s0  }
0xc3: {  	s0 =	sadd.s32 $0x8F2B, s0  }
0xc4: {  	[sflag:s0] =	ssyncadd.remote.s32 $0x1  }
0xc5: {  	_ =	sfence.sel $0xFFFF  }
0xc6: {  	[dreg:$0x0] =	wrdreg $0xFFFFFFFF;
	(pc) =	sbr.abs _section_cstart, $3  }
0xc7: {  	[dreg:$0x1] =	wrdreg $0xFFFFFFFF  }
0xc8: {  	_ =	task.clear_ibuf [dreg:s7], $0x2FFFF;
	_ =	strace $0x9FFFFFFF  }
0xc9: {  	(tm) =	ssettm $0x7FFFFFFF  }
tec
execute0_lowered:
.L_overlay_start_1:
0x0: {  	(tag) =	ssettag $0x1  }
0x1: {  	s6 =	rddreg [dreg:$0x0]  }
0x2: {  	s7 =	rddreg [dreg:$0x1]  }
0x3: {  	s0 =	srdreg.scid;
	s2 =	rddreg [dreg:$0x2]  }
0x4: {  	s3 =	simm.s32 $0x0;
	s14 =	simm.s32 $0x80;
	s15 =	simm.s32 $0x5000  }
0x5: {  	s16 =	simm.s32 $0x1;
	s5 =	sand.u32 $0x1, s0;
	s0 =	stileid.u32  }
0x6: {  	s17 =	simm.s32 $0x0;
	[smem:$0x7FF] =	sst s3;
	s9 =	smul.u32 $0x140000, s5  }
0x7: {  	s4 =	sadd.s32 $0xE800, s6;
	s1 =	sshll.u32 s5, $0x4;
	s10 =	smul.u32 $0x14000, s0  }
0x8: {  	s29 =	ssub.s32 $0x2, s5;
	s13 =	smul.u32 $0x50000, s0;
	s5 =	sadd.s32 $0x36800, s6  }
0x9: {  	s31 =	sshll.u32 s0, $0x6;
	s1 =	sor.u32 s0, s1;
	s12 =	sshrl.u32 s29, $0x1  }
0xa: {  	s8 =	smul.u32 $0x500, s1;
	s1 =	rddreg [dreg:$0x3];
	_ =	strace $0x8000004D  }
0xb: {  	s9 =	sadd.s32 s10, s9;
	s10 =	ssub.s32 s29, s12;
	s30 =	sshrl.u32 s13, $0x2  }
0xc: {  	s12 =	sor.u32 $0x1C02, s31;
	s9 =	sshrl.u32 s9, $0x3;
	s13 =	sadd.s32 s30, s2  }
0xd: {  	s11 =	sadd.s32 s8, s6;
	s9 =	sadd.s32 s9, s6;
	s6 =	sadd.s32 s7, s8  }
0xe: {  	s13 =	sshrl.u32 s13, $0x3;
	s7 =	sadd.s32 $0x4800, s11;
	s8 =	sadd.s32 $0x39000, s9  }
0xf: {  	s9 =	smax.u32 s10, $0x1;
	s10 =	simm.s32 $0x2;
	s11 =	simm.s32 $0x2800  }
.LBB2_1:
0x10: {  	[tilespmem:s3], [sflag:$0x2] =	stream.linear.gather [hbm4b:s6+s3], $0x2780, $0x38;
	[tilespmem:$0x1D000] =	vst v63  }
0x11: {  	_ =	swait.ge [sflag:s10], $0x2780  }
0x12: {  	[sflag:s10] =	ssyncset.done $0x0  }
0x13: {  	[sflag:s10] =	ssyncadd.s32 $0xFFFFD880  }
0x14: {  	[tilespmem:s11], [sflag:$0x2] =	stream.linear.gather [hbm4b:s7+s3], $0x2780, $0x38;
	[tilespmem:$0x1D000] =	vst v63  }
0x15: {  	_ =	swait.ge [sflag:s10], $0x2780  }
0x16: {  	[sflag:s10] =	ssyncset.done $0x0  }
0x17: {  	[sflag:s10] =	ssyncadd.s32 $0xFFFFD880  }
0x18: {  	[spmem:s13], [sflag:s12] =	dma.local [hbm:s5], $0x2800  }
0x19: {  	_ =	swait.ge [sflag:s10], $0x2800  }
0x1a: {  	[sflag:s10] =	ssyncset.done $0x0  }
0x1b: {  	[sflag:s10] =	ssyncadd.s32 $0xFFFFD800  }
0x1c: {  	s18 =	simm.s32 $0x0;
	[bflag:$0x0] =	sbarrier.arrive $0xFFFF  }
0x1d: {  	[tilespmem:s15], [sflag:$0x1] =	stream.indirect.gather [hbm4b:s4+s14], $0x80, s18, s14, $0xb8;
	[tilespmem:$0x1D000] =	vst v63  }
0x1e: {  	_ =	swait.ge [sflag:s16], $0x4000  }
0x1f: {  	[sflag:s16] =	ssyncset.done $0x0  }
0x20: {  	s31 =	simm.s32 $0x2800;
	[sflag:s16] =	ssyncadd.s32 $0xFFFFC000  }
0x21: {  	[spmem:s2] =	stream.indirect.scatter.add.f32 [tilespmem:s15], [sflag:$0x2], $0x80, s31, s14, $0xb8;
	[tilespmem:$0x1D000] =	vst v63  }
0x22: {  	_ =	swait.ge [sflag:s10], $0x4000  }
0x23: {  	s19 =	simm.s32 $0x400;
	s18 =	simm.s32 $0x200;
	[sflag:s10] =	ssyncset.done $0x0  }
.LBB2_2:
0x24: {  	s20 =	sshra.s32 s18, $0x2  }
0x25: {  	[sflag:s10] =	ssyncadd.s32 $0xFFFFC000;
	s18 =	smov.u32 s19;
	s21 =	sadd.s32 $0x200, s19  }
0x26: {  	[tilespmem:s15], [sflag:$0x1] =	stream.indirect.gather [hbm4b:s4+s14], $0x80, s20, s14, $0xb8;
	[tilespmem:$0x1D000] =	vst v63  }
0x27: {  	p0 =	sne.s32 s19, $0x9C00;
	_ =	swait.ge [sflag:s16], $0x4000  }
.Ltmp0:
0x28: {  	[sflag:s16] =	ssyncset.done $0x0;
	(pc) =	sbr.rel @p0 .LBB2_2-.Ltmp0, $4  }
0x29: {  	s19 =	sadd.s32 $0x2800, s20;
	[sflag:s16] =	ssyncadd.s32 $0xFFFFC000  }
0x2a: {  	[spmem:s2] =	stream.indirect.scatter.add.f32 [tilespmem:s15], [sflag:$0x2], $0x80, s19, s14, $0xb8;
	[tilespmem:$0x1D000] =	vst v63  }
0x2b: {  	_ =	swait.ge [sflag:s10], $0x4000  }
0x2c: {  	s19 =	smov.u32 s21;
	[sflag:s10] =	ssyncset.done $0x0  }
0x2d: {  	s18 =	sshra.s32 s18, $0x2;
	[sflag:s10] =	ssyncadd.s32 $0xFFFFC000  }
0x2e: {  	[tilespmem:s15], [sflag:$0x1] =	stream.indirect.gather [hbm4b:s4+s14], $0x80, s18, s14, $0xb8;
	[tilespmem:$0x1D000] =	vst v63  }
0x2f: {  	_ =	swait.ge [sflag:s16], $0x4000  }
0x30: {  	[sflag:s16] =	ssyncset.done $0x0  }
0x31: {  	s18 =	sadd.s32 $0x2800, s18;
	[sflag:s16] =	ssyncadd.s32 $0xFFFFC000  }
0x32: {  	[spmem:s2] =	stream.indirect.scatter.add.f32 [tilespmem:s15], [sflag:$0x2], $0x80, s18, s14, $0xb8;
	[tilespmem:$0x1D000] =	vst v63  }
0x33: {  	_ =	swait.ge [sflag:s10], $0x4000  }
0x34: {  	s17 =	sadd.s32 $0x1, s17;
	[sflag:s10] =	ssyncset.done $0x0  }
0x35: {  	p0 =	sne.s32 s17, s9;
	[sflag:s10] =	ssyncadd.s32 $0xFFFFC000  }
.Ltmp1:
0x36: {  	[bflag:$0x0] =	sbarrier.arrive $0xFFFF;
	(pc) =	sbr.rel @p0 .LBB2_1-.Ltmp1, $4  }
0x37: {  	[hbm:s8], [sflag:s12] =	dma.local [spmem:s13], $0x2800  }
0x38: {  	_ =	swait.ge [sflag:s10], $0x2800  }
0x39: {  	[sflag:s10] =	ssyncset.done $0x0  }
0x3a: {  	[sflag:s10] =	ssyncadd.s32 $0xFFFFD800  }
0x3b: {  	_ =	sfence.sel $0x180000  }
0x3c: {  	[bflag:$0x0] =	sbarrier.arrive $0xFFFF  }
0x3d: {  	p0 =	sne.s32 s0, $0x0;
	_ =	strace $0x9000004D  }
0x3e: {  	s0 =	sadd.s32 @!p0 $0x100000, s1;
	[bflag:$0x2] =	sbarrier.arrive $0xFFFF  }
0x3f: {  	[sflag:s0] =	ssyncadd.tile.s32 @!p0 $0x1;
	_ =	shalt  }
.Lfunc_end2:
_tile_overlayer_lowered:
.L_overlay_start_2:
0x40: {  	(tag) =	ssettag $0x2  }
0x41: {  	s0 =	rddreg [dreg:$0x0];
	s2 =	stileid.u32  }
0x42: {  	s1 =	rddreg [dreg:$0x1];
	p0 =	sne.s32 s2, $0x0  }
0x43: {  	s3 =	rddreg [dreg:$0x2];
	[bflag:$0x3] =	sbarrier.arrive $0xFFFF;
	s2 =	simm.s32 @!p0 $0x1C02  }
0x44: {  	[timem:s3], [sflag:s2] =	dma.local @!p0 [hbm:s0], s1  }
0x45: {  	s0 =	simm.s32 @!p0 $0x2  }
0x46: {  	_ =	swait.ge @!p0 [sflag:s0], s1  }
0x47: {  	s1 =	ssub.s32 @!p0 $0x0, s1;
	[sflag:s0] =	ssyncset.done @!p0 $0x0  }
0x48: {  	[sflag:s0] =	ssyncadd.s32 @!p0 s1  }
0x49: {  	[bflag:$0x3] =	sbarrier.arrive $0xFFFF  }
0x4a: {  	_ =	shalt  }

// kernel: kernel.25.cloned.1.call-start
scs
__scs_entry_jumppad:
0x0: {  	(pc) =	sbr.rel $0x88, $3  }
0x1: {  	(tag) =	ssettag $0x0;
	lr =	simm.s32 $0x1  }
0x2: {  	[smem:$0x3F9A] =	sst lr;
	_ =	strace $0xD0000000  }
0x3: {  	_ = 	snop  }
0x4: {  	_ = 	snop  }
0x5: {  	_ = 	snop  }
0x6: {  	_ = 	snop  }
0x7: {  	_ = 	snop  }
__scs_overlays_trampoline_lowered:
0x8: {  	[smem:$0x3FA9] =	sst s0  }
0x9: {  	[smem:$0x3FAA] =	sst s1  }
0xa: {  	[smem:$0x3FAB] =	sst s2  }
0xb: {  	[smem:$0x3FAC] =	sst s3  }
0xc: {  	[smem:$0x3FAD] =	sst s4  }
0xd: {  	[smem:$0x3FAE] =	sst s5  }
0xe: {  	[smem:$0x3FAF] =	sst s6  }
0xf: {  	[smem:$0x3FB0] =	sst s7  }
0x10: {  	[smem:$0x3FB1] =	sst s8  }
0x11: {  	[smem:$0x3FB2] =	sst s9;
	s0 =	simm.s32 @!p0 $0x0  }
0x12: {  	s1 =	sld [smem:$0x3F98];
	s0 =	simm.s32 @p0 $0x1  }
0x13: {  	[smem:$0x3FB3] =	sst s0;
	s0 =	simm.s32 @!p1 $0x0  }
0x14: {  	s2 =	sld [smem:$0x3F97];
	s0 =	simm.s32 @p1 $0x1  }
0x15: {  	[smem:$0x3FB4] =	sst s0;
	s0 =	simm.s32 @!p2 $0x0  }
0x16: {  	s3 =	sld [smem:$0x3FDB];
	s0 =	simm.s32 @p2 $0x1  }
0x17: {  	s4 =	simm.s32 $0x1BF5;
	[smem:$0x3FB6] =	sst s0  }
0x18: {  	s0 =	sld [smem:$0x3F99];
	_ =	swait.ge [sflag:s4], $0x0  }
0x19: {  	s7 =	sld [smem:$0x3F9A]  }
0x1a: {  	s8 =	sadd.s32 $0xFFFFE003, lr  }
0x1b: {  	s9 =	sadd.s32 $0xFFFFFEF7, lr;
	s5 =	simm.s32 $0xFFFFFFFF;
	p2 =	slt.u32 s8, $0xFFFFF086  }
0x1c: {  	p1 =	slt.u32 s9, $0xF7A;
	s5 =	simm.s32 @!p2 $0x0  }
0x1d: {  	s5 =	simm.s32 @p1 $0x1;
	p0 =	seq.s32 s7, s2  }
0x1e: {  	s7 =	smul.u32 @!p0 $0xF7A, s2;
	p2 =	seq.s32 @!p0 s5, $0x0  }
0x1f: {  	s9 =	smul.u32 $0xF7A, s1;
	s8 =	simm.s32 @!p0 $0x1BF5;
	p2 =	por !p2, p0  }
0x20: {  	[sflag:s8] =	ssyncset.s32 @!p0 $0xFFFFF086;
	s6 =	sadd.s32 @!p0 s3, s7;
	s7 =	simm.s32 @!p0 $0x108  }
0x21: {  	s3 =	sadd.s32 s3, s9;
	s6 =	sadd.s32 @!p0 $0x88, s6;
	s7 =	simm.s32 @p2 $0x1082  }
0x22: {  	[simem:s7], [sflag:s8] =	dma.local @!p0 [hbm:s6], $0xF7A  }
0x23: {  	s9 =	sor.u32 $0xD0000000, s2;
	s6 =	simm.s32 $0x108;
	_ =	swait.ge @!p0 [sflag:s8], $0x0  }
0x24: {  	s3 =	sadd.s32 $0x88, s3;
	s6 =	simm.s32 @!p1 $0x1082;
	[sflag:s4] =	ssyncset.s32 $0xFFFFF086  }
0x25: {  	[simem:s6], [sflag:s4] =	dma.local [hbm:s3], $0xF7A  }
0x26: {  	[smem:$0x3F9A] =	sst s1;
	(tag) =	ssettag s2;
	_ =	strace s9  }
0x27: {  	s1 =	sld [smem:$0x3FAA]  }
0x28: {  	s2 =	sld [smem:$0x3FAB]  }
0x29: {  	s4 =	sld [smem:$0x3FAD]  }
0x2a: {  	p0 =	seq.s32 s5, $0x0;
	s5 =	sld [smem:$0x3FAE]  }
0x2b: {  	s6 =	sld [smem:$0x3FAF]  }
0x2c: {  	s7 =	sld [smem:$0x3FB0]  }
0x2d: {  	s3 =	simm.s32 $0x108;
	s8 =	sld [smem:$0x3FB1]  }
0x2e: {  	s3 =	simm.s32 @!p0 $0x1082;
	s9 =	sld [smem:$0x3FB2]  }
0x2f: {  	lr =	sadd.s32 s0, s3;
	s0 =	sld [smem:$0x3FA9]  }
0x30: {  	s3 =	sld [smem:$0x3FAC]  }
0x31: {  	[smem:$0x3FB5] =	sst s10  }
0x32: {  	s10 =	sld [smem:$0x3FB3];
	_ =	sdelay $0x3  }
0x33: {  	p0 =	seq.s32 s10, $0x1;
	s10 =	sld [smem:$0x3FB5];
	_ =	sdelay $0x3  }
0x34: {  	[smem:$0x3FB5] =	sst s10  }
0x35: {  	s10 =	sld [smem:$0x3FB4];
	_ =	sdelay $0x3  }
0x36: {  	p1 =	seq.s32 s10, $0x1;
	s10 =	sld [smem:$0x3FB5];
	_ =	sdelay $0x3  }
0x37: {  	[smem:$0x3FB5] =	sst s10  }
0x38: {  	s10 =	sld [smem:$0x3FB6]  }
0x39: {  	_ = 	snop;
	(pc) =	sbr.ind lr, $3  }
0x3a: {  	_ = 	snop  }
0x3b: {  	_ = 	snop  }
0x3c: {  	p2 =	seq.s32 s10, $0x1;
	s10 =	sld [smem:$0x3FB5]  }
0x3d: {  	_ =	shalt  }
0x3e: {  	_ =	shalt  }
0x3f: {  	_ =	shalt  }
0x40: {  	_ =	shalt  }
0x41: {  	_ =	shalt  }
0x42: {  	_ =	shalt  }
0x43: {  	_ =	shalt  }
0x44: {  	_ =	shalt  }
0x45: {  	_ =	shalt  }
0x46: {  	_ =	shalt  }
0x47: {  	_ =	shalt  }
0x48: {  	_ =	shalt  }
0x49: {  	_ =	shalt  }
0x4a: {  	_ =	shalt  }
0x4b: {  	_ =	shalt  }
0x4c: {  	_ =	shalt  }
0x4d: {  	_ =	shalt  }
0x4e: {  	_ =	shalt  }
0x4f: {  	_ =	shalt  }
0x50: {  	_ =	shalt  }
0x51: {  	_ =	shalt  }
0x52: {  	_ =	shalt  }
0x53: {  	_ =	shalt  }
0x54: {  	_ =	shalt  }
0x55: {  	_ =	shalt  }
0x56: {  	_ =	shalt  }
0x57: {  	_ =	shalt  }
0x58: {  	_ =	shalt  }
0x59: {  	_ =	shalt  }
0x5a: {  	_ =	shalt  }
0x5b: {  	_ =	shalt  }
0x5c: {  	_ =	shalt  }
0x5d: {  	_ =	shalt  }
0x5e: {  	_ =	shalt  }
0x5f: {  	_ =	shalt  }
0x60: {  	_ =	shalt  }
0x61: {  	_ =	shalt  }
0x62: {  	_ =	shalt  }
0x63: {  	_ =	shalt  }
0x64: {  	_ =	shalt  }
0x65: {  	_ =	shalt  }
0x66: {  	_ =	shalt  }
0x67: {  	_ =	shalt  }
0x68: {  	_ =	shalt  }
0x69: {  	_ =	shalt  }
0x6a: {  	_ =	shalt  }
0x6b: {  	_ =	shalt  }
0x6c: {  	_ =	shalt  }
0x6d: {  	_ =	shalt  }
0x6e: {  	_ =	shalt  }
0x6f: {  	_ =	shalt  }
0x70: {  	_ =	shalt  }
0x71: {  	_ =	shalt  }
0x72: {  	_ =	shalt  }
0x73: {  	_ =	shalt  }
0x74: {  	_ =	shalt  }
0x75: {  	_ =	shalt  }
0x76: {  	_ =	shalt  }
0x77: {  	_ =	shalt  }
0x78: {  	_ =	shalt  }
0x79: {  	_ =	shalt  }
0x7a: {  	_ =	shalt  }
0x7b: {  	_ =	shalt  }
0x7c: {  	_ =	shalt  }
0x7d: {  	_ =	shalt  }
0x7e: {  	_ =	shalt  }
0x7f: {  	_ =	shalt  }
0x80: {  	_ =	shalt  }
0x81: {  	_ =	shalt  }
0x82: {  	_ =	shalt  }
0x83: {  	_ =	shalt  }
0x84: {  	_ =	shalt  }
0x85: {  	_ =	shalt  }
0x86: {  	_ =	shalt  }
0x87: {  	_ =	shalt  }
.Lfunc_end0:
.L_simem_size_0:
called_computation.3_lowered:
.L_overlay_start_0:
0x88: {  	s2 =	sld [smem:$0x3FD9]  }
0x89: {  	s3 =	sld [smem:$0x3FFE];
	_ =	sdelay $0x1  }
0x8a: {  	s1 =	srdreg.scid  }
0x8b: {  	s0 =	sand.u32 $0x1, s1  }
0x8c: {  	s14 =	sshll.u32 s0, $0xA;
	s2 =	sadd.s32 s3, s2  }
0x8d: {  	s2 =	sadd.s32 s2, s14  }
0x8e: {  	[smem:$0x3FC1] =	sst s2  }
0x8f: {  	_ = 	snop  }
0x90: {  	s2 =	sld [smem:$0x3FD0];
	_ =	sdelay $0x2  }
0x91: {  	s15 =	simm.s32 $0xA;
	s4 =	simm.s32 $0x10  }
0x92: {  	[smem:s4], [sflag:s15] =	dma.local [hbm:s2], $0x1  }
0x93: {  	_ =	swait.eq [sflag:s15], $0x1  }
0x94: {  	[sflag:s15] =	ssyncset.done $0x0  }
0x95: {  	[sflag:s15] =	ssyncadd.s32 $0xFFFFFFFF  }
0x96: {  	s16 =	sld [smem:$0x11];
	(tm) =	ssettm $0x1  }
0x97: {  	s17 =	sld [smem:$0x3FFB];
	_ =	sdelay $0x3  }
0x98: {  	_ =	strace s17  }
0x99: {  	s3 =	sld [smem:$0x3FFC];
	_ =	sdelay $0x3  }
0x9a: {  	_ =	strace s3  }
0x9b: {  	s3 =	sld [smem:$0x3FFD];
	_ =	sdelay $0x3  }
0x9c: {  	_ =	strace s3  }
0x9d: {  	_ =	strace $0x8FFFFFFF  }
0x9e: {  	s18 =	sld [smem:$0x3FDB];
	_ =	sdelay $0x1  }
0x9f: {  	s19 =	simm.s32 $_scs_section_size  }
0xa0: {  	s5 =	simm.s32 $_size__tile_overlayer_lowered;
	s6 =	simm.s32 $_tile_overlayer_lowered  }
0xa1: {  	s22 =	simm.s32 $0x1BFF;
	s21 =	sshll.u32 s6, $0x1;
	s3 =	sadd.s32 s19, s18  }
0xa2: {  	s7 =	simm.s32 $0x0;
	s20 =	sshll.u32 s5, $0x1;
	s5 =	sadd.s32 s21, s3  }
0xa3: {  	[timem:s7], [sflag:s22] =	dma.local [hbm:s5], s20  }
0xa4: {  	_ =	swait.ge [sflag:s22], s20  }
0xa5: {  	s4 =	ssub.s32 $0x0, s20;
	[sflag:s22] =	ssyncset.done $0x0  }
0xa6: {  	[sflag:s22] =	ssyncadd.s32 s4;
	_ =	sdelay $0x1  }
0xa7: {  	s23 =	simm.s32 $0x1B8B  }
0xa8: {  	_ =	swait.ge [sflag:s23], $0x1  }
0xa9: {  	[sflag:s23] =	ssyncset.done $0x0  }
0xaa: {  	s25 =	simm.s32 $0x1B8E;
	s24 =	sld [smem:$0x3FFE];
	[sflag:s23] =	ssyncadd.s32 $0xFFFFFFFF  }
0xab: {  	s26 =	simm.s32 $execute0_lowered;
	[smem:$0x3FD2] =	sst s25  }
0xac: {  	s5 =	sshll.u32 s26, $0x1;
	_ =	strace $0x8000004F;
	[dreg:$0x1] =	wrdreg $0xFFFFFFFF  }
0xad: {  	s28 =	simm.s32 $_size_execute0_lowered;
	s3 =	sadd.s32 s3, s5;
	[dreg:$0x0] =	wrdreg $0x0  }
0xae: {  	s5 =	sshll.u32 s28, $0x1;
	[dreg:$0x2] =	wrdreg s3  }
0xaf: {  	[dreg:$0x3] =	wrdreg s5  }
0xb0: {  	[dreg:$0x4] =	wrdreg $0xC0  }
0xb1: {  	_ =	task [dreg:s7], $0x5FFFF  }
0xb2: {  	[dreg:$0x1] =	wrdreg $0xFFFFFFFF  }
0xb3: {  	[dreg:$0x0] =	wrdreg $0x60  }
0xb4: {  	[dreg:$0x2] =	wrdreg s24  }
0xb5: {  	[dreg:$0x3] =	wrdreg s16  }
0xb6: {  	[dreg:$0x4] =	wrdreg $0x90000  }
0xb7: {  	[dreg:$0x5] =	wrdreg $0x9  }
0xb8: {  	_ =	task.clear_ibuf [dreg:s7], $0x6FFFF;
	_ =	strace $0x9000004F  }
0xb9: {  	s29 =	simm.s32 $0x9;
	_ =	strace $0x80000051  }
0xba: {  	_ =	swait.ge [sflag:s29], $0x1  }
0xbb: {  	[sflag:s29] =	ssyncadd.s32 $0xFFFFFFFF  }
0xbc: {  	_ =	strace $0x90000051  }
0xbd: {  	_ =	sfence  }
0xbe: {  	s30 =	sld [smem:$0x0];
	_ =	sdelay $0x2  }
0xbf: {  	s31 =	sshll.u32 s1, $0xD;
	s1 =	sshrl.u32 s1, $0x2  }
0xc0: {  	s3 =	sand.u32 $0x4000, s31;
	s1 =	sadd.s32 s1, s30  }
0xc1: {  	s0 =	sor.u32 s3, s0;
	s1 =	sshll.u32 s1, $0x11  }
0xc2: {  	s0 =	sor.u32 s1, s0  }
0xc3: {  	s0 =	sadd.s32 $0x8F2B, s0  }
0xc4: {  	[sflag:s0] =	ssyncadd.remote.s32 $0x1  }
0xc5: {  	_ =	sfence.sel $0xFFFF  }
0xc6: {  	[dreg:$0x0] =	wrdreg $0xFFFFFFFF;
	(pc) =	sbr.abs _section_cstart, $3  }
0xc7: {  	[dreg:$0x1] =	wrdreg $0xFFFFFFFF  }
0xc8: {  	_ =	task.clear_ibuf [dreg:s7], $0x2FFFF;
	_ =	strace $0x9FFFFFFF  }
0xc9: {  	(tm) =	ssettm $0x7FFFFFFF  }
tec
execute0_lowered:
.L_overlay_start_1:
0x0: {  	(tag) =	ssettag $0x1  }
0x1: {  	s6 =	rddreg [dreg:$0x0]  }
0x2: {  	s7 =	rddreg [dreg:$0x1]  }
0x3: {  	s0 =	srdreg.scid;
	s2 =	rddreg [dreg:$0x2]  }
0x4: {  	s3 =	simm.s32 $0x0;
	s14 =	simm.s32 $0x80;
	s15 =	simm.s32 $0x5000  }
0x5: {  	s16 =	simm.s32 $0x1;
	s5 =	sand.u32 $0x1, s0;
	s0 =	stileid.u32  }
0x6: {  	s17 =	simm.s32 $0x0;
	[smem:$0x7FF] =	sst s3;
	s9 =	smul.u32 $0x140000, s5  }
0x7: {  	s4 =	sadd.s32 $0xE800, s6;
	s1 =	sshll.u32 s5, $0x4;
	s10 =	smul.u32 $0x14000, s0  }
0x8: {  	s29 =	ssub.s32 $0x2, s5;
	s13 =	smul.u32 $0x50000, s0;
	s5 =	sadd.s32 $0x36800, s6  }
0x9: {  	s31 =	sshll.u32 s0, $0x6;
	s1 =	sor.u32 s0, s1;
	s12 =	sshrl.u32 s29, $0x1  }
0xa: {  	s8 =	smul.u32 $0x500, s1;
	s1 =	rddreg [dreg:$0x3];
	_ =	strace $0x80000050  }
0xb: {  	s9 =	sadd.s32 s10, s9;
	s10 =	ssub.s32 s29, s12;
	s30 =	sshrl.u32 s13, $0x2  }
0xc: {  	s12 =	sor.u32 $0x1C02, s31;
	s9 =	sshrl.u32 s9, $0x3;
	s13 =	sadd.s32 s30, s2  }
0xd: {  	s11 =	sadd.s32 s8, s6;
	s9 =	sadd.s32 s9, s6;
	s6 =	sadd.s32 s7, s8  }
0xe: {  	s13 =	sshrl.u32 s13, $0x3;
	s7 =	sadd.s32 $0x4800, s11;
	s8 =	sadd.s32 $0x39000, s9  }
0xf: {  	s9 =	smax.u32 s10, $0x1;
	s10 =	simm.s32 $0x2;
	s11 =	simm.s32 $0x2800  }
.LBB2_1:
0x10: {  	[tilespmem:s3], [sflag:$0x2] =	stream.linear.gather [hbm4b:s6+s3], $0x2780, $0x38;
	[tilespmem:$0x1D000] =	vst v63  }
0x11: {  	_ =	swait.ge [sflag:s10], $0x2780  }
0x12: {  	[sflag:s10] =	ssyncset.done $0x0  }
0x13: {  	[sflag:s10] =	ssyncadd.s32 $0xFFFFD880  }
0x14: {  	[tilespmem:s11], [sflag:$0x2] =	stream.linear.gather [hbm4b:s7+s3], $0x2780, $0x38;
	[tilespmem:$0x1D000] =	vst v63  }
0x15: {  	_ =	swait.ge [sflag:s10], $0x2780  }
0x16: {  	[sflag:s10] =	ssyncset.done $0x0  }
0x17: {  	[sflag:s10] =	ssyncadd.s32 $0xFFFFD880  }
0x18: {  	[spmem:s13], [sflag:s12] =	dma.local [hbm:s5], $0x2800  }
0x19: {  	_ =	swait.ge [sflag:s10], $0x2800  }
0x1a: {  	[sflag:s10] =	ssyncset.done $0x0  }
0x1b: {  	[sflag:s10] =	ssyncadd.s32 $0xFFFFD800  }
0x1c: {  	s18 =	simm.s32 $0x0;
	[bflag:$0x0] =	sbarrier.arrive $0xFFFF  }
0x1d: {  	[tilespmem:s15], [sflag:$0x1] =	stream.indirect.gather [hbm4b:s4+s14], $0x80, s18, s14, $0xb8;
	[tilespmem:$0x1D000] =	vst v63  }
0x1e: {  	_ =	swait.ge [sflag:s16], $0x4000  }
0x1f: {  	[sflag:s16] =	ssyncset.done $0x0  }
0x20: {  	s31 =	simm.s32 $0x2800;
	[sflag:s16] =	ssyncadd.s32 $0xFFFFC000  }
0x21: {  	[spmem:s2] =	stream.indirect.scatter.add.f32 [tilespmem:s15], [sflag:$0x2], $0x80, s31, s14, $0xb8;
	[tilespmem:$0x1D000] =	vst v63  }
0x22: {  	_ =	swait.ge [sflag:s10], $0x4000  }
0x23: {  	s19 =	simm.s32 $0x400;
	s18 =	simm.s32 $0x200;
	[sflag:s10] =	ssyncset.done $0x0  }
.LBB2_2:
0x24: {  	s20 =	sshra.s32 s18, $0x2  }
0x25: {  	[sflag:s10] =	ssyncadd.s32 $0xFFFFC000;
	s18 =	smov.u32 s19;
	s21 =	sadd.s32 $0x200, s19  }
0x26: {  	[tilespmem:s15], [sflag:$0x1] =	stream.indirect.gather [hbm4b:s4+s14], $0x80, s20, s14, $0xb8;
	[tilespmem:$0x1D000] =	vst v63  }
0x27: {  	p0 =	sne.s32 s19, $0x9C00;
	_ =	swait.ge [sflag:s16], $0x4000  }
.Ltmp0:
0x28: {  	[sflag:s16] =	ssyncset.done $0x0;
	(pc) =	sbr.rel @p0 .LBB2_2-.Ltmp0, $4  }
0x29: {  	s19 =	sadd.s32 $0x2800, s20;
	[sflag:s16] =	ssyncadd.s32 $0xFFFFC000  }
0x2a: {  	[spmem:s2] =	stream.indirect.scatter.add.f32 [tilespmem:s15], [sflag:$0x2], $0x80, s19, s14, $0xb8;
	[tilespmem:$0x1D000] =	vst v63  }
0x2b: {  	_ =	swait.ge [sflag:s10], $0x4000  }
0x2c: {  	s19 =	smov.u32 s21;
	[sflag:s10] =	ssyncset.done $0x0  }
0x2d: {  	s18 =	sshra.s32 s18, $0x2;
	[sflag:s10] =	ssyncadd.s32 $0xFFFFC000  }
0x2e: {  	[tilespmem:s15], [sflag:$0x1] =	stream.indirect.gather [hbm4b:s4+s14], $0x80, s18, s14, $0xb8;
	[tilespmem:$0x1D000] =	vst v63  }
0x2f: {  	_ =	swait.ge [sflag:s16], $0x4000  }
0x30: {  	[sflag:s16] =	ssyncset.done $0x0  }
0x31: {  	s18 =	sadd.s32 $0x2800, s18;
	[sflag:s16] =	ssyncadd.s32 $0xFFFFC000  }
0x32: {  	[spmem:s2] =	stream.indirect.scatter.add.f32 [tilespmem:s15], [sflag:$0x2], $0x80, s18, s14, $0xb8;
	[tilespmem:$0x1D000] =	vst v63  }
0x33: {  	_ =	swait.ge [sflag:s10], $0x4000  }
0x34: {  	s17 =	sadd.s32 $0x1, s17;
	[sflag:s10] =	ssyncset.done $0x0  }
0x35: {  	p0 =	sne.s32 s17, s9;
	[sflag:s10] =	ssyncadd.s32 $0xFFFFC000  }
.Ltmp1:
0x36: {  	[bflag:$0x0] =	sbarrier.arrive $0xFFFF;
	(pc) =	sbr.rel @p0 .LBB2_1-.Ltmp1, $4  }
0x37: {  	[hbm:s8], [sflag:s12] =	dma.local [spmem:s13], $0x2800  }
0x38: {  	_ =	swait.ge [sflag:s10], $0x2800  }
0x39: {  	[sflag:s10] =	ssyncset.done $0x0  }
0x3a: {  	[sflag:s10] =	ssyncadd.s32 $0xFFFFD800  }
0x3b: {  	_ =	sfence.sel $0x180000  }
0x3c: {  	[bflag:$0x0] =	sbarrier.arrive $0xFFFF  }
0x3d: {  	p0 =	sne.s32 s0, $0x0;
	_ =	strace $0x90000050  }
0x3e: {  	s0 =	sadd.s32 @!p0 $0x100000, s1;
	[bflag:$0x2] =	sbarrier.arrive $0xFFFF  }
0x3f: {  	[sflag:s0] =	ssyncadd.tile.s32 @!p0 $0x1;
	_ =	shalt  }
.Lfunc_end2:
_tile_overlayer_lowered:
.L_overlay_start_2:
0x40: {  	(tag) =	ssettag $0x2  }
0x41: {  	s0 =	rddreg [dreg:$0x0];
	s2 =	stileid.u32  }
0x42: {  	s1 =	rddreg [dreg:$0x1];
	p0 =	sne.s32 s2, $0x0  }
0x43: {  	s3 =	rddreg [dreg:$0x2];
	[bflag:$0x3] =	sbarrier.arrive $0xFFFF;
	s2 =	simm.s32 @!p0 $0x1C02  }
0x44: {  	[timem:s3], [sflag:s2] =	dma.local @!p0 [hbm:s0], s1  }
0x45: {  	s0 =	simm.s32 @!p0 $0x2  }
0x46: {  	_ =	swait.ge @!p0 [sflag:s0], s1  }
0x47: {  	s1 =	ssub.s32 @!p0 $0x0, s1;
	[sflag:s0] =	ssyncset.done @!p0 $0x0  }
0x48: {  	[sflag:s0] =	ssyncadd.s32 @!p0 s1  }
0x49: {  	[bflag:$0x3] =	sbarrier.arrive $0xFFFF  }
0x4a: {  	_ =	shalt  }

// kernel: kernel.28.cloned.1.call-start
scs
__scs_entry_jumppad:
0x0: {  	(pc) =	sbr.rel $0x88, $3  }
0x1: {  	(tag) =	ssettag $0x0;
	lr =	simm.s32 $0x1  }
0x2: {  	[smem:$0x3F9A] =	sst lr;
	_ =	strace $0xD0000000  }
0x3: {  	_ = 	snop  }
0x4: {  	_ = 	snop  }
0x5: {  	_ = 	snop  }
0x6: {  	_ = 	snop  }
0x7: {  	_ = 	snop  }
__scs_overlays_trampoline_lowered:
0x8: {  	[smem:$0x3FA9] =	sst s0  }
0x9: {  	[smem:$0x3FAA] =	sst s1  }
0xa: {  	[smem:$0x3FAB] =	sst s2  }
0xb: {  	[smem:$0x3FAC] =	sst s3  }
0xc: {  	[smem:$0x3FAD] =	sst s4  }
0xd: {  	[smem:$0x3FAE] =	sst s5  }
0xe: {  	[smem:$0x3FAF] =	sst s6  }
0xf: {  	[smem:$0x3FB0] =	sst s7  }
0x10: {  	[smem:$0x3FB1] =	sst s8  }
0x11: {  	[smem:$0x3FB2] =	sst s9;
	s0 =	simm.s32 @!p0 $0x0  }
0x12: {  	s1 =	sld [smem:$0x3F98];
	s0 =	simm.s32 @p0 $0x1  }
0x13: {  	[smem:$0x3FB3] =	sst s0;
	s0 =	simm.s32 @!p1 $0x0  }
0x14: {  	s2 =	sld [smem:$0x3F97];
	s0 =	simm.s32 @p1 $0x1  }
0x15: {  	[smem:$0x3FB4] =	sst s0;
	s0 =	simm.s32 @!p2 $0x0  }
0x16: {  	s3 =	sld [smem:$0x3FDB];
	s0 =	simm.s32 @p2 $0x1  }
0x17: {  	s4 =	simm.s32 $0x1BF5;
	[smem:$0x3FB6] =	sst s0  }
0x18: {  	s0 =	sld [smem:$0x3F99];
	_ =	swait.ge [sflag:s4], $0x0  }
0x19: {  	s7 =	sld [smem:$0x3F9A]  }
0x1a: {  	s8 =	sadd.s32 $0xFFFFE003, lr  }
0x1b: {  	s9 =	sadd.s32 $0xFFFFFEF7, lr;
	s5 =	simm.s32 $0xFFFFFFFF;
	p2 =	slt.u32 s8, $0xFFFFF086  }
0x1c: {  	p1 =	slt.u32 s9, $0xF7A;
	s5 =	simm.s32 @!p2 $0x0  }
0x1d: {  	s5 =	simm.s32 @p1 $0x1;
	p0 =	seq.s32 s7, s2  }
0x1e: {  	s7 =	smul.u32 @!p0 $0xF7A, s2;
	p2 =	seq.s32 @!p0 s5, $0x0  }
0x1f: {  	s9 =	smul.u32 $0xF7A, s1;
	s8 =	simm.s32 @!p0 $0x1BF5;
	p2 =	por !p2, p0  }
0x20: {  	[sflag:s8] =	ssyncset.s32 @!p0 $0xFFFFF086;
	s6 =	sadd.s32 @!p0 s3, s7;
	s7 =	simm.s32 @!p0 $0x108  }
0x21: {  	s3 =	sadd.s32 s3, s9;
	s6 =	sadd.s32 @!p0 $0x88, s6;
	s7 =	simm.s32 @p2 $0x1082  }
0x22: {  	[simem:s7], [sflag:s8] =	dma.local @!p0 [hbm:s6], $0xF7A  }
0x23: {  	s9 =	sor.u32 $0xD0000000, s2;
	s6 =	simm.s32 $0x108;
	_ =	swait.ge @!p0 [sflag:s8], $0x0  }
0x24: {  	s3 =	sadd.s32 $0x88, s3;
	s6 =	simm.s32 @!p1 $0x1082;
	[sflag:s4] =	ssyncset.s32 $0xFFFFF086  }
0x25: {  	[simem:s6], [sflag:s4] =	dma.local [hbm:s3], $0xF7A  }
0x26: {  	[smem:$0x3F9A] =	sst s1;
	(tag) =	ssettag s2;
	_ =	strace s9  }
0x27: {  	s1 =	sld [smem:$0x3FAA]  }
0x28: {  	s2 =	sld [smem:$0x3FAB]  }
0x29: {  	s4 =	sld [smem:$0x3FAD]  }
0x2a: {  	p0 =	seq.s32 s5, $0x0;
	s5 =	sld [smem:$0x3FAE]  }
0x2b: {  	s6 =	sld [smem:$0x3FAF]  }
0x2c: {  	s7 =	sld [smem:$0x3FB0]  }
0x2d: {  	s3 =	simm.s32 $0x108;
	s8 =	sld [smem:$0x3FB1]  }
0x2e: {  	s3 =	simm.s32 @!p0 $0x1082;
	s9 =	sld [smem:$0x3FB2]  }
0x2f: {  	lr =	sadd.s32 s0, s3;
	s0 =	sld [smem:$0x3FA9]  }
0x30: {  	s3 =	sld [smem:$0x3FAC]  }
0x31: {  	[smem:$0x3FB5] =	sst s10  }
0x32: {  	s10 =	sld [smem:$0x3FB3];
	_ =	sdelay $0x3  }
0x33: {  	p0 =	seq.s32 s10, $0x1;
	s10 =	sld [smem:$0x3FB5];
	_ =	sdelay $0x3  }
0x34: {  	[smem:$0x3FB5] =	sst s10  }
0x35: {  	s10 =	sld [smem:$0x3FB4];
	_ =	sdelay $0x3  }
0x36: {  	p1 =	seq.s32 s10, $0x1;
	s10 =	sld [smem:$0x3FB5];
	_ =	sdelay $0x3  }
0x37: {  	[smem:$0x3FB5] =	sst s10  }
0x38: {  	s10 =	sld [smem:$0x3FB6]  }
0x39: {  	_ = 	snop;
	(pc) =	sbr.ind lr, $3  }
0x3a: {  	_ = 	snop  }
0x3b: {  	_ = 	snop  }
0x3c: {  	p2 =	seq.s32 s10, $0x1;
	s10 =	sld [smem:$0x3FB5]  }
0x3d: {  	_ =	shalt  }
0x3e: {  	_ =	shalt  }
0x3f: {  	_ =	shalt  }
0x40: {  	_ =	shalt  }
0x41: {  	_ =	shalt  }
0x42: {  	_ =	shalt  }
0x43: {  	_ =	shalt  }
0x44: {  	_ =	shalt  }
0x45: {  	_ =	shalt  }
0x46: {  	_ =	shalt  }
0x47: {  	_ =	shalt  }
0x48: {  	_ =	shalt  }
0x49: {  	_ =	shalt  }
0x4a: {  	_ =	shalt  }
0x4b: {  	_ =	shalt  }
0x4c: {  	_ =	shalt  }
0x4d: {  	_ =	shalt  }
0x4e: {  	_ =	shalt  }
0x4f: {  	_ =	shalt  }
0x50: {  	_ =	shalt  }
0x51: {  	_ =	shalt  }
0x52: {  	_ =	shalt  }
0x53: {  	_ =	shalt  }
0x54: {  	_ =	shalt  }
0x55: {  	_ =	shalt  }
0x56: {  	_ =	shalt  }
0x57: {  	_ =	shalt  }
0x58: {  	_ =	shalt  }
0x59: {  	_ =	shalt  }
0x5a: {  	_ =	shalt  }
0x5b: {  	_ =	shalt  }
0x5c: {  	_ =	shalt  }
0x5d: {  	_ =	shalt  }
0x5e: {  	_ =	shalt  }
0x5f: {  	_ =	shalt  }
0x60: {  	_ =	shalt  }
0x61: {  	_ =	shalt  }
0x62: {  	_ =	shalt  }
0x63: {  	_ =	shalt  }
0x64: {  	_ =	shalt  }
0x65: {  	_ =	shalt  }
0x66: {  	_ =	shalt  }
0x67: {  	_ =	shalt  }
0x68: {  	_ =	shalt  }
0x69: {  	_ =	shalt  }
0x6a: {  	_ =	shalt  }
0x6b: {  	_ =	shalt  }
0x6c: {  	_ =	shalt  }
0x6d: {  	_ =	shalt  }
0x6e: {  	_ =	shalt  }
0x6f: {  	_ =	shalt  }
0x70: {  	_ =	shalt  }
0x71: {  	_ =	shalt  }
0x72: {  	_ =	shalt  }
0x73: {  	_ =	shalt  }
0x74: {  	_ =	shalt  }
0x75: {  	_ =	shalt  }
0x76: {  	_ =	shalt  }
0x77: {  	_ =	shalt  }
0x78: {  	_ =	shalt  }
0x79: {  	_ =	shalt  }
0x7a: {  	_ =	shalt  }
0x7b: {  	_ =	shalt  }
0x7c: {  	_ =	shalt  }
0x7d: {  	_ =	shalt  }
0x7e: {  	_ =	shalt  }
0x7f: {  	_ =	shalt  }
0x80: {  	_ =	shalt  }
0x81: {  	_ =	shalt  }
0x82: {  	_ =	shalt  }
0x83: {  	_ =	shalt  }
0x84: {  	_ =	shalt  }
0x85: {  	_ =	shalt  }
0x86: {  	_ =	shalt  }
0x87: {  	_ =	shalt  }
.Lfunc_end0:
.L_simem_size_0:
called_computation.4_lowered:
.L_overlay_start_0:
0x88: {  	s2 =	sld [smem:$0x3FD9]  }
0x89: {  	s3 =	sld [smem:$0x3FFE];
	_ =	sdelay $0x1  }
0x8a: {  	s1 =	srdreg.scid  }
0x8b: {  	s0 =	sand.u32 $0x1, s1  }
0x8c: {  	s14 =	sshll.u32 s0, $0xA;
	s2 =	sadd.s32 s3, s2  }
0x8d: {  	s2 =	sadd.s32 s2, s14  }
0x8e: {  	[smem:$0x3FC1] =	sst s2  }
0x8f: {  	_ = 	snop  }
0x90: {  	s2 =	sld [smem:$0x3FD0];
	_ =	sdelay $0x2  }
0x91: {  	s15 =	simm.s32 $0xA;
	s4 =	simm.s32 $0x10  }
0x92: {  	[smem:s4], [sflag:s15] =	dma.local [hbm:s2], $0x1  }
0x93: {  	_ =	swait.eq [sflag:s15], $0x1  }
0x94: {  	[sflag:s15] =	ssyncset.done $0x0  }
0x95: {  	[sflag:s15] =	ssyncadd.s32 $0xFFFFFFFF  }
0x96: {  	s16 =	sld [smem:$0x11];
	(tm) =	ssettm $0x1  }
0x97: {  	s17 =	sld [smem:$0x3FFB];
	_ =	sdelay $0x3  }
0x98: {  	_ =	strace s17  }
0x99: {  	s3 =	sld [smem:$0x3FFC];
	_ =	sdelay $0x3  }
0x9a: {  	_ =	strace s3  }
0x9b: {  	s3 =	sld [smem:$0x3FFD];
	_ =	sdelay $0x3  }
0x9c: {  	_ =	strace s3  }
0x9d: {  	_ =	strace $0x8FFFFFFF  }
0x9e: {  	s18 =	sld [smem:$0x3FDB];
	_ =	sdelay $0x1  }
0x9f: {  	s19 =	simm.s32 $_scs_section_size  }
0xa0: {  	s5 =	simm.s32 $_size__tile_overlayer_lowered;
	s6 =	simm.s32 $_tile_overlayer_lowered  }
0xa1: {  	s22 =	simm.s32 $0x1BFF;
	s21 =	sshll.u32 s6, $0x1;
	s3 =	sadd.s32 s19, s18  }
0xa2: {  	s7 =	simm.s32 $0x0;
	s20 =	sshll.u32 s5, $0x1;
	s5 =	sadd.s32 s21, s3  }
0xa3: {  	[timem:s7], [sflag:s22] =	dma.local [hbm:s5], s20  }
0xa4: {  	_ =	swait.ge [sflag:s22], s20  }
0xa5: {  	s4 =	ssub.s32 $0x0, s20;
	[sflag:s22] =	ssyncset.done $0x0  }
0xa6: {  	[sflag:s22] =	ssyncadd.s32 s4;
	_ =	sdelay $0x1  }
0xa7: {  	s23 =	simm.s32 $0x1B8B  }
0xa8: {  	_ =	swait.ge [sflag:s23], $0x1  }
0xa9: {  	[sflag:s23] =	ssyncset.done $0x0  }
0xaa: {  	s25 =	simm.s32 $0x1B8E;
	s24 =	sld [smem:$0x3FFE];
	[sflag:s23] =	ssyncadd.s32 $0xFFFFFFFF  }
0xab: {  	s26 =	simm.s32 $execute0_lowered;
	[smem:$0x3FD2] =	sst s25  }
0xac: {  	s5 =	sshll.u32 s26, $0x1;
	_ =	strace $0x80000052;
	[dreg:$0x1] =	wrdreg $0xFFFFFFFF  }
0xad: {  	s28 =	simm.s32 $_size_execute0_lowered;
	s3 =	sadd.s32 s3, s5;
	[dreg:$0x0] =	wrdreg $0x0  }
0xae: {  	s5 =	sshll.u32 s28, $0x1;
	[dreg:$0x2] =	wrdreg s3  }
0xaf: {  	[dreg:$0x3] =	wrdreg s5  }
0xb0: {  	[dreg:$0x4] =	wrdreg $0xC0  }
0xb1: {  	_ =	task [dreg:s7], $0x5FFFF  }
0xb2: {  	[dreg:$0x1] =	wrdreg $0xFFFFFFFF  }
0xb3: {  	[dreg:$0x0] =	wrdreg $0x60  }
0xb4: {  	[dreg:$0x2] =	wrdreg s24  }
0xb5: {  	[dreg:$0x3] =	wrdreg s16  }
0xb6: {  	[dreg:$0x4] =	wrdreg $0x90000  }
0xb7: {  	[dreg:$0x5] =	wrdreg $0x9  }
0xb8: {  	_ =	task.clear_ibuf [dreg:s7], $0x6FFFF;
	_ =	strace $0x90000052  }
0xb9: {  	s29 =	simm.s32 $0x9;
	_ =	strace $0x80000054  }
0xba: {  	_ =	swait.ge [sflag:s29], $0x1  }
0xbb: {  	[sflag:s29] =	ssyncadd.s32 $0xFFFFFFFF  }
0xbc: {  	_ =	strace $0x90000054  }
0xbd: {  	_ =	sfence  }
0xbe: {  	s30 =	sld [smem:$0x0];
	_ =	sdelay $0x2  }
0xbf: {  	s31 =	sshll.u32 s1, $0xD;
	s1 =	sshrl.u32 s1, $0x2  }
0xc0: {  	s3 =	sand.u32 $0x4000, s31;
	s1 =	sadd.s32 s1, s30  }
0xc1: {  	s0 =	sor.u32 s3, s0;
	s1 =	sshll.u32 s1, $0x11  }
0xc2: {  	s0 =	sor.u32 s1, s0  }
0xc3: {  	s0 =	sadd.s32 $0x8F2B, s0  }
0xc4: {  	[sflag:s0] =	ssyncadd.remote.s32 $0x1  }
0xc5: {  	_ =	sfence.sel $0xFFFF  }
0xc6: {  	[dreg:$0x0] =	wrdreg $0xFFFFFFFF;
	(pc) =	sbr.abs _section_cstart, $3  }
0xc7: {  	[dreg:$0x1] =	wrdreg $0xFFFFFFFF  }
0xc8: {  	_ =	task.clear_ibuf [dreg:s7], $0x2FFFF;
	_ =	strace $0x9FFFFFFF  }
0xc9: {  	(tm) =	ssettm $0x7FFFFFFF  }
tec
execute0_lowered:
.L_overlay_start_1:
0x0: {  	(tag) =	ssettag $0x1  }
0x1: {  	s6 =	rddreg [dreg:$0x0]  }
0x2: {  	s7 =	rddreg [dreg:$0x1]  }
0x3: {  	s0 =	srdreg.scid;
	s2 =	rddreg [dreg:$0x2]  }
0x4: {  	s3 =	simm.s32 $0x0;
	s14 =	simm.s32 $0x80;
	s15 =	simm.s32 $0x5000  }
0x5: {  	s16 =	simm.s32 $0x1;
	s5 =	sand.u32 $0x1, s0;
	s0 =	stileid.u32  }
0x6: {  	s17 =	simm.s32 $0x0;
	[smem:$0x7FF] =	sst s3;
	s9 =	smul.u32 $0x140000, s5  }
0x7: {  	s4 =	sadd.s32 $0xE800, s6;
	s1 =	sshll.u32 s5, $0x4;
	s10 =	smul.u32 $0x14000, s0  }
0x8: {  	s29 =	ssub.s32 $0x2, s5;
	s13 =	smul.u32 $0x50000, s0;
	s5 =	sadd.s32 $0x36800, s6  }
0x9: {  	s31 =	sshll.u32 s0, $0x6;
	s1 =	sor.u32 s0, s1;
	s12 =	sshrl.u32 s29, $0x1  }
0xa: {  	s8 =	smul.u32 $0x500, s1;
	s1 =	rddreg [dreg:$0x3];
	_ =	strace $0x80000053  }
0xb: {  	s9 =	sadd.s32 s10, s9;
	s10 =	ssub.s32 s29, s12;
	s30 =	sshrl.u32 s13, $0x2  }
0xc: {  	s12 =	sor.u32 $0x1C02, s31;
	s9 =	sshrl.u32 s9, $0x3;
	s13 =	sadd.s32 s30, s2  }
0xd: {  	s11 =	sadd.s32 s8, s6;
	s9 =	sadd.s32 s9, s6;
	s6 =	sadd.s32 s7, s8  }
0xe: {  	s13 =	sshrl.u32 s13, $0x3;
	s7 =	sadd.s32 $0x4800, s11;
	s8 =	sadd.s32 $0x39000, s9  }
0xf: {  	s9 =	smax.u32 s10, $0x1;
	s10 =	simm.s32 $0x2;
	s11 =	simm.s32 $0x2800  }
.LBB2_1:
0x10: {  	[tilespmem:s3], [sflag:$0x2] =	stream.linear.gather [hbm4b:s6+s3], $0x2780, $0x38;
	[tilespmem:$0x1D000] =	vst v63  }
0x11: {  	_ =	swait.ge [sflag:s10], $0x2780  }
0x12: {  	[sflag:s10] =	ssyncset.done $0x0  }
0x13: {  	[sflag:s10] =	ssyncadd.s32 $0xFFFFD880  }
0x14: {  	[tilespmem:s11], [sflag:$0x2] =	stream.linear.gather [hbm4b:s7+s3], $0x2780, $0x38;
	[tilespmem:$0x1D000] =	vst v63  }
0x15: {  	_ =	swait.ge [sflag:s10], $0x2780  }
0x16: {  	[sflag:s10] =	ssyncset.done $0x0  }
0x17: {  	[sflag:s10] =	ssyncadd.s32 $0xFFFFD880  }
0x18: {  	[spmem:s13], [sflag:s12] =	dma.local [hbm:s5], $0x2800  }
0x19: {  	_ =	swait.ge [sflag:s10], $0x2800  }
0x1a: {  	[sflag:s10] =	ssyncset.done $0x0  }
0x1b: {  	[sflag:s10] =	ssyncadd.s32 $0xFFFFD800  }
0x1c: {  	s18 =	simm.s32 $0x0;
	[bflag:$0x0] =	sbarrier.arrive $0xFFFF  }
0x1d: {  	[tilespmem:s15], [sflag:$0x1] =	stream.indirect.gather [hbm4b:s4+s14], $0x80, s18, s14, $0xb8;
	[tilespmem:$0x1D000] =	vst v63  }
0x1e: {  	_ =	swait.ge [sflag:s16], $0x4000  }
0x1f: {  	[sflag:s16] =	ssyncset.done $0x0  }
0x20: {  	s31 =	simm.s32 $0x2800;
	[sflag:s16] =	ssyncadd.s32 $0xFFFFC000  }
0x21: {  	[spmem:s2] =	stream.indirect.scatter.add.f32 [tilespmem:s15], [sflag:$0x2], $0x80, s31, s14, $0xb8;
	[tilespmem:$0x1D000] =	vst v63  }
0x22: {  	_ =	swait.ge [sflag:s10], $0x4000  }
0x23: {  	s19 =	simm.s32 $0x400;
	s18 =	simm.s32 $0x200;
	[sflag:s10] =	ssyncset.done $0x0  }
.LBB2_2:
0x24: {  	s20 =	sshra.s32 s18, $0x2  }
0x25: {  	[sflag:s10] =	ssyncadd.s32 $0xFFFFC000;
	s18 =	smov.u32 s19;
	s21 =	sadd.s32 $0x200, s19  }
0x26: {  	[tilespmem:s15], [sflag:$0x1] =	stream.indirect.gather [hbm4b:s4+s14], $0x80, s20, s14, $0xb8;
	[tilespmem:$0x1D000] =	vst v63  }
0x27: {  	p0 =	sne.s32 s19, $0x9C00;
	_ =	swait.ge [sflag:s16], $0x4000  }
.Ltmp0:
0x28: {  	[sflag:s16] =	ssyncset.done $0x0;
	(pc) =	sbr.rel @p0 .LBB2_2-.Ltmp0, $4  }
0x29: {  	s19 =	sadd.s32 $0x2800, s20;
	[sflag:s16] =	ssyncadd.s32 $0xFFFFC000  }
0x2a: {  	[spmem:s2] =	stream.indirect.scatter.add.f32 [tilespmem:s15], [sflag:$0x2], $0x80, s19, s14, $0xb8;
	[tilespmem:$0x1D000] =	vst v63  }
0x2b: {  	_ =	swait.ge [sflag:s10], $0x4000  }
0x2c: {  	s19 =	smov.u32 s21;
	[sflag:s10] =	ssyncset.done $0x0  }
0x2d: {  	s18 =	sshra.s32 s18, $0x2;
	[sflag:s10] =	ssyncadd.s32 $0xFFFFC000  }
0x2e: {  	[tilespmem:s15], [sflag:$0x1] =	stream.indirect.gather [hbm4b:s4+s14], $0x80, s18, s14, $0xb8;
	[tilespmem:$0x1D000] =	vst v63  }
0x2f: {  	_ =	swait.ge [sflag:s16], $0x4000  }
0x30: {  	[sflag:s16] =	ssyncset.done $0x0  }
0x31: {  	s18 =	sadd.s32 $0x2800, s18;
	[sflag:s16] =	ssyncadd.s32 $0xFFFFC000  }
0x32: {  	[spmem:s2] =	stream.indirect.scatter.add.f32 [tilespmem:s15], [sflag:$0x2], $0x80, s18, s14, $0xb8;
	[tilespmem:$0x1D000] =	vst v63  }
0x33: {  	_ =	swait.ge [sflag:s10], $0x4000  }
0x34: {  	s17 =	sadd.s32 $0x1, s17;
	[sflag:s10] =	ssyncset.done $0x0  }
0x35: {  	p0 =	sne.s32 s17, s9;
	[sflag:s10] =	ssyncadd.s32 $0xFFFFC000  }
.Ltmp1:
0x36: {  	[bflag:$0x0] =	sbarrier.arrive $0xFFFF;
	(pc) =	sbr.rel @p0 .LBB2_1-.Ltmp1, $4  }
0x37: {  	[hbm:s8], [sflag:s12] =	dma.local [spmem:s13], $0x2800  }
0x38: {  	_ =	swait.ge [sflag:s10], $0x2800  }
0x39: {  	[sflag:s10] =	ssyncset.done $0x0  }
0x3a: {  	[sflag:s10] =	ssyncadd.s32 $0xFFFFD800  }
0x3b: {  	_ =	sfence.sel $0x180000  }
0x3c: {  	[bflag:$0x0] =	sbarrier.arrive $0xFFFF  }
0x3d: {  	p0 =	sne.s32 s0, $0x0;
	_ =	strace $0x90000053  }
0x3e: {  	s0 =	sadd.s32 @!p0 $0x100000, s1;
	[bflag:$0x2] =	sbarrier.arrive $0xFFFF  }
0x3f: {  	[sflag:s0] =	ssyncadd.tile.s32 @!p0 $0x1;
	_ =	shalt  }
.Lfunc_end2:
_tile_overlayer_lowered:
.L_overlay_start_2:
0x40: {  	(tag) =	ssettag $0x2  }
0x41: {  	s0 =	rddreg [dreg:$0x0];
	s2 =	stileid.u32  }
0x42: {  	s1 =	rddreg [dreg:$0x1];
	p0 =	sne.s32 s2, $0x0  }
0x43: {  	s3 =	rddreg [dreg:$0x2];
	[bflag:$0x3] =	sbarrier.arrive $0xFFFF;
	s2 =	simm.s32 @!p0 $0x1C02  }
0x44: {  	[timem:s3], [sflag:s2] =	dma.local @!p0 [hbm:s0], s1  }
0x45: {  	s0 =	simm.s32 @!p0 $0x2  }
0x46: {  	_ =	swait.ge @!p0 [sflag:s0], s1  }
0x47: {  	s1 =	ssub.s32 @!p0 $0x0, s1;
	[sflag:s0] =	ssyncset.done @!p0 $0x0  }
0x48: {  	[sflag:s0] =	ssyncadd.s32 @!p0 s1  }
0x49: {  	[bflag:$0x3] =	sbarrier.arrive $0xFFFF  }
0x4a: {  	_ =	shalt  }

// kernel: kernel.31.cloned.1.call-start
scs
__scs_entry_jumppad:
0x0: {  	(pc) =	sbr.rel $0x88, $3  }
0x1: {  	(tag) =	ssettag $0x0;
	lr =	simm.s32 $0x1  }
0x2: {  	[smem:$0x3F9A] =	sst lr;
	_ =	strace $0xD0000000  }
0x3: {  	_ = 	snop  }
0x4: {  	_ = 	snop  }
0x5: {  	_ = 	snop  }
0x6: {  	_ = 	snop  }
0x7: {  	_ = 	snop  }
__scs_overlays_trampoline_lowered:
0x8: {  	[smem:$0x3FA9] =	sst s0  }
0x9: {  	[smem:$0x3FAA] =	sst s1  }
0xa: {  	[smem:$0x3FAB] =	sst s2  }
0xb: {  	[smem:$0x3FAC] =	sst s3  }
0xc: {  	[smem:$0x3FAD] =	sst s4  }
0xd: {  	[smem:$0x3FAE] =	sst s5  }
0xe: {  	[smem:$0x3FAF] =	sst s6  }
0xf: {  	[smem:$0x3FB0] =	sst s7  }
0x10: {  	[smem:$0x3FB1] =	sst s8  }
0x11: {  	[smem:$0x3FB2] =	sst s9;
	s0 =	simm.s32 @!p0 $0x0  }
0x12: {  	s1 =	sld [smem:$0x3F98];
	s0 =	simm.s32 @p0 $0x1  }
0x13: {  	[smem:$0x3FB3] =	sst s0;
	s0 =	simm.s32 @!p1 $0x0  }
0x14: {  	s2 =	sld [smem:$0x3F97];
	s0 =	simm.s32 @p1 $0x1  }
0x15: {  	[smem:$0x3FB4] =	sst s0;
	s0 =	simm.s32 @!p2 $0x0  }
0x16: {  	s3 =	sld [smem:$0x3FDB];
	s0 =	simm.s32 @p2 $0x1  }
0x17: {  	s4 =	simm.s32 $0x1BF5;
	[smem:$0x3FB6] =	sst s0  }
0x18: {  	s0 =	sld [smem:$0x3F99];
	_ =	swait.ge [sflag:s4], $0x0  }
0x19: {  	s7 =	sld [smem:$0x3F9A]  }
0x1a: {  	s8 =	sadd.s32 $0xFFFFE003, lr  }
0x1b: {  	s9 =	sadd.s32 $0xFFFFFEF7, lr;
	s5 =	simm.s32 $0xFFFFFFFF;
	p2 =	slt.u32 s8, $0xFFFFF086  }
0x1c: {  	p1 =	slt.u32 s9, $0xF7A;
	s5 =	simm.s32 @!p2 $0x0  }
0x1d: {  	s5 =	simm.s32 @p1 $0x1;
	p0 =	seq.s32 s7, s2  }
0x1e: {  	s7 =	smul.u32 @!p0 $0xF7A, s2;
	p2 =	seq.s32 @!p0 s5, $0x0  }
0x1f: {  	s9 =	smul.u32 $0xF7A, s1;
	s8 =	simm.s32 @!p0 $0x1BF5;
	p2 =	por !p2, p0  }
0x20: {  	[sflag:s8] =	ssyncset.s32 @!p0 $0xFFFFF086;
	s6 =	sadd.s32 @!p0 s3, s7;
	s7 =	simm.s32 @!p0 $0x108  }
0x21: {  	s3 =	sadd.s32 s3, s9;
	s6 =	sadd.s32 @!p0 $0x88, s6;
	s7 =	simm.s32 @p2 $0x1082  }
0x22: {  	[simem:s7], [sflag:s8] =	dma.local @!p0 [hbm:s6], $0xF7A  }
0x23: {  	s9 =	sor.u32 $0xD0000000, s2;
	s6 =	simm.s32 $0x108;
	_ =	swait.ge @!p0 [sflag:s8], $0x0  }
0x24: {  	s3 =	sadd.s32 $0x88, s3;
	s6 =	simm.s32 @!p1 $0x1082;
	[sflag:s4] =	ssyncset.s32 $0xFFFFF086  }
0x25: {  	[simem:s6], [sflag:s4] =	dma.local [hbm:s3], $0xF7A  }
0x26: {  	[smem:$0x3F9A] =	sst s1;
	(tag) =	ssettag s2;
	_ =	strace s9  }
0x27: {  	s1 =	sld [smem:$0x3FAA]  }
0x28: {  	s2 =	sld [smem:$0x3FAB]  }
0x29: {  	s4 =	sld [smem:$0x3FAD]  }
0x2a: {  	p0 =	seq.s32 s5, $0x0;
	s5 =	sld [smem:$0x3FAE]  }
0x2b: {  	s6 =	sld [smem:$0x3FAF]  }
0x2c: {  	s7 =	sld [smem:$0x3FB0]  }
0x2d: {  	s3 =	simm.s32 $0x108;
	s8 =	sld [smem:$0x3FB1]  }
0x2e: {  	s3 =	simm.s32 @!p0 $0x1082;
	s9 =	sld [smem:$0x3FB2]  }
0x2f: {  	lr =	sadd.s32 s0, s3;
	s0 =	sld [smem:$0x3FA9]  }
0x30: {  	s3 =	sld [smem:$0x3FAC]  }
0x31: {  	[smem:$0x3FB5] =	sst s10  }
0x32: {  	s10 =	sld [smem:$0x3FB3];
	_ =	sdelay $0x3  }
0x33: {  	p0 =	seq.s32 s10, $0x1;
	s10 =	sld [smem:$0x3FB5];
	_ =	sdelay $0x3  }
0x34: {  	[smem:$0x3FB5] =	sst s10  }
0x35: {  	s10 =	sld [smem:$0x3FB4];
	_ =	sdelay $0x3  }
0x36: {  	p1 =	seq.s32 s10, $0x1;
	s10 =	sld [smem:$0x3FB5];
	_ =	sdelay $0x3  }
0x37: {  	[smem:$0x3FB5] =	sst s10  }
0x38: {  	s10 =	sld [smem:$0x3FB6]  }
0x39: {  	_ = 	snop;
	(pc) =	sbr.ind lr, $3  }
0x3a: {  	_ = 	snop  }
0x3b: {  	_ = 	snop  }
0x3c: {  	p2 =	seq.s32 s10, $0x1;
	s10 =	sld [smem:$0x3FB5]  }
0x3d: {  	_ =	shalt  }
0x3e: {  	_ =	shalt  }
0x3f: {  	_ =	shalt  }
0x40: {  	_ =	shalt  }
0x41: {  	_ =	shalt  }
0x42: {  	_ =	shalt  }
0x43: {  	_ =	shalt  }
0x44: {  	_ =	shalt  }
0x45: {  	_ =	shalt  }
0x46: {  	_ =	shalt  }
0x47: {  	_ =	shalt  }
0x48: {  	_ =	shalt  }
0x49: {  	_ =	shalt  }
0x4a: {  	_ =	shalt  }
0x4b: {  	_ =	shalt  }
0x4c: {  	_ =	shalt  }
0x4d: {  	_ =	shalt  }
0x4e: {  	_ =	shalt  }
0x4f: {  	_ =	shalt  }
0x50: {  	_ =	shalt  }
0x51: {  	_ =	shalt  }
0x52: {  	_ =	shalt  }
0x53: {  	_ =	shalt  }
0x54: {  	_ =	shalt  }
0x55: {  	_ =	shalt  }
0x56: {  	_ =	shalt  }
0x57: {  	_ =	shalt  }
0x58: {  	_ =	shalt  }
0x59: {  	_ =	shalt  }
0x5a: {  	_ =	shalt  }
0x5b: {  	_ =	shalt  }
0x5c: {  	_ =	shalt  }
0x5d: {  	_ =	shalt  }
0x5e: {  	_ =	shalt  }
0x5f: {  	_ =	shalt  }
0x60: {  	_ =	shalt  }
0x61: {  	_ =	shalt  }
0x62: {  	_ =	shalt  }
0x63: {  	_ =	shalt  }
0x64: {  	_ =	shalt  }
0x65: {  	_ =	shalt  }
0x66: {  	_ =	shalt  }
0x67: {  	_ =	shalt  }
0x68: {  	_ =	shalt  }
0x69: {  	_ =	shalt  }
0x6a: {  	_ =	shalt  }
0x6b: {  	_ =	shalt  }
0x6c: {  	_ =	shalt  }
0x6d: {  	_ =	shalt  }
0x6e: {  	_ =	shalt  }
0x6f: {  	_ =	shalt  }
0x70: {  	_ =	shalt  }
0x71: {  	_ =	shalt  }
0x72: {  	_ =	shalt  }
0x73: {  	_ =	shalt  }
0x74: {  	_ =	shalt  }
0x75: {  	_ =	shalt  }
0x76: {  	_ =	shalt  }
0x77: {  	_ =	shalt  }
0x78: {  	_ =	shalt  }
0x79: {  	_ =	shalt  }
0x7a: {  	_ =	shalt  }
0x7b: {  	_ =	shalt  }
0x7c: {  	_ =	shalt  }
0x7d: {  	_ =	shalt  }
0x7e: {  	_ =	shalt  }
0x7f: {  	_ =	shalt  }
0x80: {  	_ =	shalt  }
0x81: {  	_ =	shalt  }
0x82: {  	_ =	shalt  }
0x83: {  	_ =	shalt  }
0x84: {  	_ =	shalt  }
0x85: {  	_ =	shalt  }
0x86: {  	_ =	shalt  }
0x87: {  	_ =	shalt  }
.Lfunc_end0:
.L_simem_size_0:
called_computation.5_lowered:
.L_overlay_start_0:
0x88: {  	s2 =	sld [smem:$0x3FD9]  }
0x89: {  	s3 =	sld [smem:$0x3FFE];
	_ =	sdelay $0x1  }
0x8a: {  	s1 =	srdreg.scid  }
0x8b: {  	s0 =	sand.u32 $0x1, s1  }
0x8c: {  	s14 =	sshll.u32 s0, $0xA;
	s2 =	sadd.s32 s3, s2  }
0x8d: {  	s2 =	sadd.s32 s2, s14  }
0x8e: {  	[smem:$0x3FC1] =	sst s2  }
0x8f: {  	_ = 	snop  }
0x90: {  	s2 =	sld [smem:$0x3FD0];
	_ =	sdelay $0x2  }
0x91: {  	s15 =	simm.s32 $0xA;
	s4 =	simm.s32 $0x10  }
0x92: {  	[smem:s4], [sflag:s15] =	dma.local [hbm:s2], $0x1  }
0x93: {  	_ =	swait.eq [sflag:s15], $0x1  }
0x94: {  	[sflag:s15] =	ssyncset.done $0x0  }
0x95: {  	[sflag:s15] =	ssyncadd.s32 $0xFFFFFFFF  }
0x96: {  	s16 =	sld [smem:$0x11];
	(tm) =	ssettm $0x1  }
0x97: {  	s17 =	sld [smem:$0x3FFB];
	_ =	sdelay $0x3  }
0x98: {  	_ =	strace s17  }
0x99: {  	s3 =	sld [smem:$0x3FFC];
	_ =	sdelay $0x3  }
0x9a: {  	_ =	strace s3  }
0x9b: {  	s3 =	sld [smem:$0x3FFD];
	_ =	sdelay $0x3  }
0x9c: {  	_ =	strace s3  }
0x9d: {  	_ =	strace $0x8FFFFFFF  }
0x9e: {  	s18 =	sld [smem:$0x3FDB];
	_ =	sdelay $0x1  }
0x9f: {  	s19 =	simm.s32 $_scs_section_size  }
0xa0: {  	s5 =	simm.s32 $_size__tile_overlayer_lowered;
	s6 =	simm.s32 $_tile_overlayer_lowered  }
0xa1: {  	s22 =	simm.s32 $0x1BFF;
	s21 =	sshll.u32 s6, $0x1;
	s3 =	sadd.s32 s19, s18  }
0xa2: {  	s7 =	simm.s32 $0x0;
	s20 =	sshll.u32 s5, $0x1;
	s5 =	sadd.s32 s21, s3  }
0xa3: {  	[timem:s7], [sflag:s22] =	dma.local [hbm:s5], s20  }
0xa4: {  	_ =	swait.ge [sflag:s22], s20  }
0xa5: {  	s4 =	ssub.s32 $0x0, s20;
	[sflag:s22] =	ssyncset.done $0x0  }
0xa6: {  	[sflag:s22] =	ssyncadd.s32 s4;
	_ =	sdelay $0x1  }
0xa7: {  	s23 =	simm.s32 $0x1B8B  }
0xa8: {  	_ =	swait.ge [sflag:s23], $0x1  }
0xa9: {  	[sflag:s23] =	ssyncset.done $0x0  }
0xaa: {  	s25 =	simm.s32 $0x1B8E;
	s24 =	sld [smem:$0x3FFE];
	[sflag:s23] =	ssyncadd.s32 $0xFFFFFFFF  }
0xab: {  	s26 =	simm.s32 $execute0_lowered;
	[smem:$0x3FD2] =	sst s25  }
0xac: {  	s5 =	sshll.u32 s26, $0x1;
	_ =	strace $0x80000055;
	[dreg:$0x1] =	wrdreg $0xFFFFFFFF  }
0xad: {  	s28 =	simm.s32 $_size_execute0_lowered;
	s3 =	sadd.s32 s3, s5;
	[dreg:$0x0] =	wrdreg $0x0  }
0xae: {  	s5 =	sshll.u32 s28, $0x1;
	[dreg:$0x2] =	wrdreg s3  }
0xaf: {  	[dreg:$0x3] =	wrdreg s5  }
0xb0: {  	[dreg:$0x4] =	wrdreg $0xC0  }
0xb1: {  	_ =	task [dreg:s7], $0x5FFFF  }
0xb2: {  	[dreg:$0x1] =	wrdreg $0xFFFFFFFF  }
0xb3: {  	[dreg:$0x0] =	wrdreg $0x60  }
0xb4: {  	[dreg:$0x2] =	wrdreg s24  }
0xb5: {  	[dreg:$0x3] =	wrdreg s16  }
0xb6: {  	[dreg:$0x4] =	wrdreg $0x90000  }
0xb7: {  	[dreg:$0x5] =	wrdreg $0x9  }
0xb8: {  	_ =	task.clear_ibuf [dreg:s7], $0x6FFFF;
	_ =	strace $0x90000055  }
0xb9: {  	s29 =	simm.s32 $0x9;
	_ =	strace $0x80000057  }
0xba: {  	_ =	swait.ge [sflag:s29], $0x1  }
0xbb: {  	[sflag:s29] =	ssyncadd.s32 $0xFFFFFFFF  }
0xbc: {  	_ =	strace $0x90000057  }
0xbd: {  	_ =	sfence  }
0xbe: {  	s30 =	sld [smem:$0x0];
	_ =	sdelay $0x2  }
0xbf: {  	s31 =	sshll.u32 s1, $0xD;
	s1 =	sshrl.u32 s1, $0x2  }
0xc0: {  	s3 =	sand.u32 $0x4000, s31;
	s1 =	sadd.s32 s1, s30  }
0xc1: {  	s0 =	sor.u32 s3, s0;
	s1 =	sshll.u32 s1, $0x11  }
0xc2: {  	s0 =	sor.u32 s1, s0  }
0xc3: {  	s0 =	sadd.s32 $0x8F2B, s0  }
0xc4: {  	[sflag:s0] =	ssyncadd.remote.s32 $0x1  }
0xc5: {  	_ =	sfence.sel $0xFFFF  }
0xc6: {  	[dreg:$0x0] =	wrdreg $0xFFFFFFFF;
	(pc) =	sbr.abs _section_cstart, $3  }
0xc7: {  	[dreg:$0x1] =	wrdreg $0xFFFFFFFF  }
0xc8: {  	_ =	task.clear_ibuf [dreg:s7], $0x2FFFF;
	_ =	strace $0x9FFFFFFF  }
0xc9: {  	(tm) =	ssettm $0x7FFFFFFF  }
tec
execute0_lowered:
.L_overlay_start_1:
0x0: {  	(tag) =	ssettag $0x1  }
0x1: {  	s6 =	rddreg [dreg:$0x0]  }
0x2: {  	s7 =	rddreg [dreg:$0x1]  }
0x3: {  	s0 =	srdreg.scid;
	s2 =	rddreg [dreg:$0x2]  }
0x4: {  	s3 =	simm.s32 $0x0;
	s14 =	simm.s32 $0x80;
	s15 =	simm.s32 $0x5000  }
0x5: {  	s16 =	simm.s32 $0x1;
	s5 =	sand.u32 $0x1, s0;
	s0 =	stileid.u32  }
0x6: {  	s17 =	simm.s32 $0x0;
	[smem:$0x7FF] =	sst s3;
	s9 =	smul.u32 $0x140000, s5  }
0x7: {  	s4 =	sadd.s32 $0xE800, s6;
	s1 =	sshll.u32 s5, $0x4;
	s10 =	smul.u32 $0x14000, s0  }
0x8: {  	s29 =	ssub.s32 $0x2, s5;
	s13 =	smul.u32 $0x50000, s0;
	s5 =	sadd.s32 $0x36800, s6  }
0x9: {  	s31 =	sshll.u32 s0, $0x6;
	s1 =	sor.u32 s0, s1;
	s12 =	sshrl.u32 s29, $0x1  }
0xa: {  	s8 =	smul.u32 $0x500, s1;
	s1 =	rddreg [dreg:$0x3];
	_ =	strace $0x80000056  }
0xb: {  	s9 =	sadd.s32 s10, s9;
	s10 =	ssub.s32 s29, s12;
	s30 =	sshrl.u32 s13, $0x2  }
0xc: {  	s12 =	sor.u32 $0x1C02, s31;
	s9 =	sshrl.u32 s9, $0x3;
	s13 =	sadd.s32 s30, s2  }
0xd: {  	s11 =	sadd.s32 s8, s6;
	s9 =	sadd.s32 s9, s6;
	s6 =	sadd.s32 s7, s8  }
0xe: {  	s13 =	sshrl.u32 s13, $0x3;
	s7 =	sadd.s32 $0x4800, s11;
	s8 =	sadd.s32 $0x39000, s9  }
0xf: {  	s9 =	smax.u32 s10, $0x1;
	s10 =	simm.s32 $0x2;
	s11 =	simm.s32 $0x2800  }
.LBB2_1:
0x10: {  	[tilespmem:s3], [sflag:$0x2] =	stream.linear.gather [hbm4b:s6+s3], $0x2780, $0x38;
	[tilespmem:$0x1D000] =	vst v63  }
0x11: {  	_ =	swait.ge [sflag:s10], $0x2780  }
0x12: {  	[sflag:s10] =	ssyncset.done $0x0  }
0x13: {  	[sflag:s10] =	ssyncadd.s32 $0xFFFFD880  }
0x14: {  	[tilespmem:s11], [sflag:$0x2] =	stream.linear.gather [hbm4b:s7+s3], $0x2780, $0x38;
	[tilespmem:$0x1D000] =	vst v63  }
0x15: {  	_ =	swait.ge [sflag:s10], $0x2780  }
0x16: {  	[sflag:s10] =	ssyncset.done $0x0  }
0x17: {  	[sflag:s10] =	ssyncadd.s32 $0xFFFFD880  }
0x18: {  	[spmem:s13], [sflag:s12] =	dma.local [hbm:s5], $0x2800  }
0x19: {  	_ =	swait.ge [sflag:s10], $0x2800  }
0x1a: {  	[sflag:s10] =	ssyncset.done $0x0  }
0x1b: {  	[sflag:s10] =	ssyncadd.s32 $0xFFFFD800  }
0x1c: {  	s18 =	simm.s32 $0x0;
	[bflag:$0x0] =	sbarrier.arrive $0xFFFF  }
0x1d: {  	[tilespmem:s15], [sflag:$0x1] =	stream.indirect.gather [hbm4b:s4+s14], $0x80, s18, s14, $0xb8;
	[tilespmem:$0x1D000] =	vst v63  }
0x1e: {  	_ =	swait.ge [sflag:s16], $0x4000  }
0x1f: {  	[sflag:s16] =	ssyncset.done $0x0  }
0x20: {  	s31 =	simm.s32 $0x2800;
	[sflag:s16] =	ssyncadd.s32 $0xFFFFC000  }
0x21: {  	[spmem:s2] =	stream.indirect.scatter.add.f32 [tilespmem:s15], [sflag:$0x2], $0x80, s31, s14, $0xb8;
	[tilespmem:$0x1D000] =	vst v63  }
0x22: {  	_ =	swait.ge [sflag:s10], $0x4000  }
0x23: {  	s19 =	simm.s32 $0x400;
	s18 =	simm.s32 $0x200;
	[sflag:s10] =	ssyncset.done $0x0  }
.LBB2_2:
0x24: {  	s20 =	sshra.s32 s18, $0x2  }
0x25: {  	[sflag:s10] =	ssyncadd.s32 $0xFFFFC000;
	s18 =	smov.u32 s19;
	s21 =	sadd.s32 $0x200, s19  }
0x26: {  	[tilespmem:s15], [sflag:$0x1] =	stream.indirect.gather [hbm4b:s4+s14], $0x80, s20, s14, $0xb8;
	[tilespmem:$0x1D000] =	vst v63  }
0x27: {  	p0 =	sne.s32 s19, $0x9C00;
	_ =	swait.ge [sflag:s16], $0x4000  }
.Ltmp0:
0x28: {  	[sflag:s16] =	ssyncset.done $0x0;
	(pc) =	sbr.rel @p0 .LBB2_2-.Ltmp0, $4  }
0x29: {  	s19 =	sadd.s32 $0x2800, s20;
	[sflag:s16] =	ssyncadd.s32 $0xFFFFC000  }
0x2a: {  	[spmem:s2] =	stream.indirect.scatter.add.f32 [tilespmem:s15], [sflag:$0x2], $0x80, s19, s14, $0xb8;
	[tilespmem:$0x1D000] =	vst v63  }
0x2b: {  	_ =	swait.ge [sflag:s10], $0x4000  }
0x2c: {  	s19 =	smov.u32 s21;
	[sflag:s10] =	ssyncset.done $0x0  }
0x2d: {  	s18 =	sshra.s32 s18, $0x2;
	[sflag:s10] =	ssyncadd.s32 $0xFFFFC000  }
0x2e: {  	[tilespmem:s15], [sflag:$0x1] =	stream.indirect.gather [hbm4b:s4+s14], $0x80, s18, s14, $0xb8;
	[tilespmem:$0x1D000] =	vst v63  }
0x2f: {  	_ =	swait.ge [sflag:s16], $0x4000  }
0x30: {  	[sflag:s16] =	ssyncset.done $0x0  }
0x31: {  	s18 =	sadd.s32 $0x2800, s18;
	[sflag:s16] =	ssyncadd.s32 $0xFFFFC000  }
0x32: {  	[spmem:s2] =	stream.indirect.scatter.add.f32 [tilespmem:s15], [sflag:$0x2], $0x80, s18, s14, $0xb8;
	[tilespmem:$0x1D000] =	vst v63  }
0x33: {  	_ =	swait.ge [sflag:s10], $0x4000  }
0x34: {  	s17 =	sadd.s32 $0x1, s17;
	[sflag:s10] =	ssyncset.done $0x0  }
0x35: {  	p0 =	sne.s32 s17, s9;
	[sflag:s10] =	ssyncadd.s32 $0xFFFFC000  }
.Ltmp1:
0x36: {  	[bflag:$0x0] =	sbarrier.arrive $0xFFFF;
	(pc) =	sbr.rel @p0 .LBB2_1-.Ltmp1, $4  }
0x37: {  	[hbm:s8], [sflag:s12] =	dma.local [spmem:s13], $0x2800  }
0x38: {  	_ =	swait.ge [sflag:s10], $0x2800  }
0x39: {  	[sflag:s10] =	ssyncset.done $0x0  }
0x3a: {  	[sflag:s10] =	ssyncadd.s32 $0xFFFFD800  }
0x3b: {  	_ =	sfence.sel $0x180000  }
0x3c: {  	[bflag:$0x0] =	sbarrier.arrive $0xFFFF  }
0x3d: {  	p0 =	sne.s32 s0, $0x0;
	_ =	strace $0x90000056  }
0x3e: {  	s0 =	sadd.s32 @!p0 $0x100000, s1;
	[bflag:$0x2] =	sbarrier.arrive $0xFFFF  }
0x3f: {  	[sflag:s0] =	ssyncadd.tile.s32 @!p0 $0x1;
	_ =	shalt  }
.Lfunc_end2:
_tile_overlayer_lowered:
.L_overlay_start_2:
0x40: {  	(tag) =	ssettag $0x2  }
0x41: {  	s0 =	rddreg [dreg:$0x0];
	s2 =	stileid.u32  }
0x42: {  	s1 =	rddreg [dreg:$0x1];
	p0 =	sne.s32 s2, $0x0  }
0x43: {  	s3 =	rddreg [dreg:$0x2];
	[bflag:$0x3] =	sbarrier.arrive $0xFFFF;
	s2 =	simm.s32 @!p0 $0x1C02  }
0x44: {  	[timem:s3], [sflag:s2] =	dma.local @!p0 [hbm:s0], s1  }
0x45: {  	s0 =	simm.s32 @!p0 $0x2  }
0x46: {  	_ =	swait.ge @!p0 [sflag:s0], s1  }
0x47: {  	s1 =	ssub.s32 @!p0 $0x0, s1;
	[sflag:s0] =	ssyncset.done @!p0 $0x0  }
0x48: {  	[sflag:s0] =	ssyncadd.s32 @!p0 s1  }
0x49: {  	[bflag:$0x3] =	sbarrier.arrive $0xFFFF  }
0x4a: {  	_ =	shalt  }

</sc_bundles>
